<compile_context>
chip_gen: v7x
topology: tpu7x:2x2x1
jax: 0.10.2.dev20260603
libtpu: 0.0.44.dev20260713+nightly
codegen_flags: <defaults>
</compile_context>

<pallas_src>
import functools

import jax
import jax.numpy as jnp
from jax import lax
from jax.experimental import pallas as pl
from jax.experimental.pallas import tpu as pltpu
from jax.experimental.pallas import tpu_sc as plsc

_NC = 2
_NS = 16
_NW = _NC * _NS

_K = 7936
_NBUF = 2


def _ceil_log2(n):
    b = 0
    while (1 << b) < n:
        b += 1
    return b


def _pack_body(*refs):
    o_ref = refs[-1]
    acc = refs[0][...]
    for r in range(1, 16):
        acc = acc | lax.shift_left(refs[r][...], 2 * r)
    o_ref[...] = acc


def _pack_types(at, tail, full_rows, cols):
    bc = min(cols, 32768)
    assert cols % bc == 0
    grid = cols // bc
    specs = []
    ops = []
    for r in range(16):
        if r < full_rows:
            specs.append(pl.BlockSpec(
                (bc,), functools.partial(lambda r, i: r * grid + i, r)))
            ops.append(at)
        else:
            specs.append(pl.BlockSpec(
                (bc,),
                functools.partial(lambda r, i: r * grid + i, r - full_rows)))
            ops.append(tail)
    packed = pl.pallas_call(
        _pack_body,
        grid=(grid,),
        in_specs=specs,
        out_specs=pl.BlockSpec((bc,), lambda i: (i,)),
        out_shape=jax.ShapeDtypeStruct((cols,), jnp.int32),
    )(*ops)
    return packed


def _make_sc_kernel(cols, shift_bits, n_bonds, k):
    chunks = -(-n_bonds // (_NW * k))
    mesh = plsc.VectorSubcoreMesh(core_axis_name="c", subcore_axis_name="s")
    cmask = jnp.int32(cols - 1)
    last_base = jnp.int32(n_bonds - k)

    @functools.partial(
        pl.kernel,
        out_type=jax.ShapeDtypeStruct((n_bonds,), jnp.float32),
        mesh=mesh,
        compiler_params=pltpu.CompilerParams(needs_layout_passes=False),
        scratch_types=(
            [pltpu.VMEM((cols,), jnp.int32)]
            + [pltpu.VMEM((k,), jnp.int32) for _ in range(2 * _NBUF)]
            + [pltpu.VMEM((k,), jnp.float32) for _ in range(2 * _NBUF)]
            + [pltpu.VMEM((16,), jnp.float32) for _ in range(2)]
            + [pltpu.SemaphoreType.DMA for _ in range(2 * _NBUF)]
        ),
    )
    def sc_kernel(packed_hbm, bi_hbm, bj_hbm, dist_hbm, kh_hbm, r0_hbm,
                  out_hbm, packed_v, *rest):
        bis = rest[0:_NBUF]
        bjs = rest[_NBUF:2 * _NBUF]
        bds = rest[2 * _NBUF:3 * _NBUF]
        ovs = rest[3 * _NBUF:4 * _NBUF]
        kh_v, r0_v = rest[4 * _NBUF:4 * _NBUF + 2]
        sins = rest[4 * _NBUF + 2:5 * _NBUF + 2]
        souts = rest[5 * _NBUF + 2:6 * _NBUF + 2]
        cid = lax.axis_index("c")
        sid = lax.axis_index("s")
        wid = sid * _NC + cid
        ins = tuple(
            (bis[p], bjs[p], bds[p], sins[p]) for p in range(_NBUF))
        outs = tuple((ovs[p], souts[p]) for p in range(_NBUF))

        def base_of(ci):
            g = wid * chunks + ci
            return pl.multiple_of(jnp.minimum(g * k, last_base), 8)

        def start_in(ci):
            b = base_of(ci)
            bi_v, bj_v, bd_v, sem = ins[ci % _NBUF]
            return (
                pltpu.async_copy(bi_hbm.at[pl.ds(b, k)], bi_v, sem),
                pltpu.async_copy(bj_hbm.at[pl.ds(b, k)], bj_v, sem),
                pltpu.async_copy(dist_hbm.at[pl.ds(b, k)], bd_v, sem),
            )

        def decode(b):
            w = plsc.load_gather(packed_v, [b & cmask])
            sh = (b >> shift_bits) << 1
            return (w >> sh) & jnp.int32(3)

        pending = {}
        for ci in range(min(_NBUF, chunks)):
            pending[ci] = start_in(ci)
        pltpu.sync_copy(packed_hbm, packed_v)
        pltpu.sync_copy(kh_hbm, kh_v)
        pltpu.sync_copy(r0_hbm, r0_v)

        h_out = [None] * _NBUF
        for ci in range(chunks):
            for h in pending.pop(ci):
                h.wait()
            if h_out[ci % _NBUF] is not None:
                h_out[ci % _NBUF].wait()
            bi_v, bj_v, bd_v, _ = ins[ci % _NBUF]
            out_v, sem_o = outs[ci % _NBUF]

            @plsc.parallel_loop(0, k, step=16, unroll=8)
            def vec_body(off):
                bi = bi_v[pl.ds(off, 16)]
                bj = bj_v[pl.ds(off, 16)]
                d = bd_v[pl.ds(off, 16)]
                ti = decode(bi)
                tj = decode(bj)
                comb = (ti << 2) | tj
                kh = plsc.load_gather(kh_v, [comb])
                r0 = plsc.load_gather(r0_v, [comb])
                dd = d - r0
                out_v[pl.ds(off, 16)] = kh * dd * dd

            h_out[ci % _NBUF] = pltpu.async_copy(
                out_v, out_hbm.at[pl.ds(base_of(ci), k)], sem_o)
            if ci + _NBUF < chunks:
                pending[ci + _NBUF] = start_in(ci + _NBUF)
        for h in h_out:
            if h is not None:
                h.wait()

    return sc_kernel


def kernel(atoms_type, bonds_i, bonds_j, bonds_dist, k_table, r0_table):
    n_atoms = atoms_type.shape[0]
    n_bonds = bonds_i.shape[0]

    cap_bits = max(_ceil_log2(n_atoms), 5)
    cap = 1 << cap_bits
    cols = cap // 16
    shift_bits = cap_bits - 4

    at = atoms_type.astype(jnp.int32)
    full_rows = min(n_atoms // cols, 16)
    if full_rows < 16:
        tail = jnp.pad(at[full_rows * cols:],
                       (0, (16 - full_rows) * cols - (n_atoms - full_rows * cols)))
    else:
        tail = at[:0]
    packed = _pack_types(at, tail, full_rows, cols)

    k = _K if n_bonds >= _K else ((n_bonds + 15) // 16) * 16
    rounded = ((n_bonds + 7) // 8) * 8
    pad = max(rounded, k) - n_bonds
    bi = bonds_i.astype(jnp.int32)
    bj = bonds_j.astype(jnp.int32)
    bd = bonds_dist
    if pad:
        bi = jnp.pad(bi, (0, pad))
        bj = jnp.pad(bj, (0, pad))
        bd = jnp.pad(bd, (0, pad))

    kh16 = (0.5 * k_table).astype(jnp.float32).reshape(16)
    r016 = r0_table.astype(jnp.float32).reshape(16)

    sc = _make_sc_kernel(cols, shift_bits, n_bonds + pad, k)
    out = sc(packed, bi, bj, bd, kh16, r016)
    return out[:n_bonds] if pad else out

# --- scband reference (transcript-rebuilt; emitter-appended) ---
"""Pipeline reference for scband-harmonic-83434034692367 (READ-ONLY COPY).

The authoritative reference and input builder live on the scoring server;
editing this copy changes nothing except your own understanding.
"""

import jax, jax.numpy as jnp
import numpy as np

N_ATOMS = 1000000
N_BONDS = 2000000
N_TYPES = 4


def setup_inputs(seed: int = 0) -> dict:
    key = jax.random.key(seed)
    k1, k2, k3, k4 = jax.random.split(key, 4)
    atoms_type = jax.random.randint(k1, (N_ATOMS,), 0, N_TYPES, dtype=jnp.int64) if jax.config.jax_enable_x64 else jax.random.randint(k1, (N_ATOMS,), 0, N_TYPES, dtype=jnp.int32)
    bonds_i = jax.random.randint(k2, (N_BONDS,), 0, N_ATOMS, dtype=jnp.int32)
    bonds_j = jax.random.randint(k3, (N_BONDS,), 0, N_ATOMS, dtype=jnp.int32)
    bonds_dist = jax.random.uniform(k4, (N_BONDS,), dtype=jnp.float32) * 2.0 + 0.5
    r0_table = jnp.array([[1.0, 1.1, 1.2, 1.3], [1.1, 1.05, 1.15, 1.25], [1.2, 1.15, 1.0, 1.1], [1.3, 1.25, 1.1, 1.05]], dtype=jnp.float32)
    k_table = jnp.array([[400.0, 420.0, 440.0, 460.0], [420.0, 410.0, 430.0, 450.0], [440.0, 430.0, 405.0, 425.0], [460.0, 450.0, 425.0, 415.0]], dtype=jnp.float32)
    return {
        'atoms_type': atoms_type,
        'bonds_i': bonds_i,
        'bonds_j': bonds_j,
        'bonds_dist': bonds_dist,
        'k_table': k_table,
        'r0_table': r0_table,
    }


def reference(atoms_type, bonds_i, bonds_j, bonds_dist, k_table, r0_table):
    # typ[bonds.i], typ[bonds.j] : gathers from atom-type array
    bondtype_i = jnp.take(atoms_type, bonds_i, axis=0)
    bondtype_j = jnp.take(atoms_type, bonds_j, axis=0)
    # k[ti, tj], r0[ti, tj] : 2D gather from parameter tables
    k = k_table[bondtype_i, bondtype_j]
    r0 = r0_table[bondtype_i, bondtype_j]
    bond_harmonic_energy = 0.5 * k * jnp.square(bonds_dist - r0)
    return bond_harmonic_energy

if __name__ == "__main__":
    import jax
    _d = setup_inputs()
    print(jax.jit(kernel)(*tuple(_d.values())))

</pallas_src>

<mosaic_0001>
#map = affine_map<(d0, d1) -> (0)>
module attributes {stable_mosaic.version = 14 : i64} {
  func.func @_rewritten_body(%arg0: i32, %arg1: i32, %arg2: memref<65536xi32, #tpu.memory_space<hbm>>, %arg3: memref<2000000xi32, #tpu.memory_space<hbm>>, %arg4: memref<2000000xi32, #tpu.memory_space<hbm>>, %arg5: memref<2000000xf32, #tpu.memory_space<hbm>>, %arg6: memref<16xf32, #tpu.memory_space<hbm>>, %arg7: memref<16xf32, #tpu.memory_space<hbm>>, %arg8: memref<1xi32, #tpu.memory_space<hbm>>, %arg9: memref<1xi32, #tpu.memory_space<hbm>>, %arg10: memref<2000000xf32, #tpu.memory_space<hbm>>, %arg11: memref<65536xi32, #tpu.memory_space<vmem>>, %arg12: memref<7936xi32, #tpu.memory_space<vmem>>, %arg13: memref<7936xi32, #tpu.memory_space<vmem>>, %arg14: memref<7936xi32, #tpu.memory_space<vmem>>, %arg15: memref<7936xi32, #tpu.memory_space<vmem>>, %arg16: memref<7936xf32, #tpu.memory_space<vmem>>, %arg17: memref<7936xf32, #tpu.memory_space<vmem>>, %arg18: memref<7936xf32, #tpu.memory_space<vmem>>, %arg19: memref<7936xf32, #tpu.memory_space<vmem>>, %arg20: memref<16xf32, #tpu.memory_space<vmem>>, %arg21: memref<16xf32, #tpu.memory_space<vmem>>, %arg22: memref<!tpu.dma_semaphore, #tpu.memory_space<semaphore_mem>>, %arg23: memref<!tpu.dma_semaphore, #tpu.memory_space<semaphore_mem>>, %arg24: memref<!tpu.dma_semaphore, #tpu.memory_space<semaphore_mem>>, %arg25: memref<!tpu.dma_semaphore, #tpu.memory_space<semaphore_mem>>) attributes {dimension_semantics = [#tpu.dimension_semantics<core_parallel>, #tpu.dimension_semantics<subcore_parallel>], iteration_bounds = array<i64: 2, 16>, scalar_prefetch = 0 : i64, scratch_operands = 15 : i64, tpu.core_type = #tpu.core_type<sc_vector_subcore>, window_params = [{transform_indices = #map}, {transform_indices = #map}, {transform_indices = #map}, {transform_indices = #map}, {transform_indices = #map}, {transform_indices = #map}, {transform_indices = #map}, {transform_indices = #map}, {transform_indices = #map}]} {
    %empty_ref3A = memref.alloca() : memref<16xi32, #tpu.memory_space<vmem>>
    %empty_ref3A_0 = memref.alloca() : memref<16xi32, #tpu.memory_space<vmem>>
    "tpu.region"() ({
      %run_scoped3A = tpu.sem_alloc : memref<!tpu.dma_semaphore, #tpu.memory_space<semaphore_mem>>
      %dma_start3A_282 = arith.constant 0 : i32
      %dma_start3A_283 = tpu.memref_slice %empty_ref3A[%dma_start3A_282] : memref<16xi32, #tpu.memory_space<vmem>> -> memref<1xi32, #tpu.memory_space<vmem>>
      %dma_start3A_284 = arith.constant 0 : i32
      %dma_start3A_285 = tpu.memref_slice %empty_ref3A[%dma_start3A_284] : memref<16xi32, #tpu.memory_space<vmem>> -> memref<1xi32, #tpu.memory_space<vmem>>
      tpu.enqueue_dma source(%arg8 : memref<1xi32, #tpu.memory_space<hbm>>) target(%dma_start3A_285 : memref<1xi32, #tpu.memory_space<vmem>>) target_semaphore(%run_scoped3A : memref<!tpu.dma_semaphore, #tpu.memory_space<semaphore_mem>>)
      %dma_start3A_286 = arith.constant 0 : i32
      %dma_start3A_287 = tpu.memref_slice %empty_ref3A_0[%dma_start3A_286] : memref<16xi32, #tpu.memory_space<vmem>> -> memref<1xi32, #tpu.memory_space<vmem>>
      %dma_start3A_288 = arith.constant 0 : i32
      %dma_start3A_289 = tpu.memref_slice %empty_ref3A_0[%dma_start3A_288] : memref<16xi32, #tpu.memory_space<vmem>> -> memref<1xi32, #tpu.memory_space<vmem>>
      tpu.enqueue_dma source(%arg9 : memref<1xi32, #tpu.memory_space<hbm>>) target(%dma_start3A_289 : memref<1xi32, #tpu.memory_space<vmem>>) target_semaphore(%run_scoped3A : memref<!tpu.dma_semaphore, #tpu.memory_space<semaphore_mem>>)
      %dma_wait3A_290 = arith.constant 0 : i32
      %dma_wait3A_291 = tpu.memref_slice %empty_ref3A[%dma_wait3A_290] : memref<16xi32, #tpu.memory_space<vmem>> -> memref<1xi32, #tpu.memory_space<vmem>>
      %dma_wait3A_292 = arith.constant 0 : i32
      %dma_wait3A_293 = tpu.memref_slice %empty_ref3A[%dma_wait3A_292] : memref<16xi32, #tpu.memory_space<vmem>> -> memref<1xi32, #tpu.memory_space<vmem>>
      tpu.wait_dma2 semaphore(%run_scoped3A : memref<!tpu.dma_semaphore, #tpu.memory_space<semaphore_mem>>) src(%arg8 : memref<1xi32, #tpu.memory_space<hbm>>) dst(%dma_wait3A_293 : memref<1xi32, #tpu.memory_space<vmem>>)
      %dma_wait3A_294 = arith.constant 0 : i32
      %dma_wait3A_295 = tpu.memref_slice %empty_ref3A_0[%dma_wait3A_294] : memref<16xi32, #tpu.memory_space<vmem>> -> memref<1xi32, #tpu.memory_space<vmem>>
      %dma_wait3A_296 = arith.constant 0 : i32
      %dma_wait3A_297 = tpu.memref_slice %empty_ref3A_0[%dma_wait3A_296] : memref<16xi32, #tpu.memory_space<vmem>> -> memref<1xi32, #tpu.memory_space<vmem>>
      tpu.wait_dma2 semaphore(%run_scoped3A : memref<!tpu.dma_semaphore, #tpu.memory_space<semaphore_mem>>) src(%arg9 : memref<1xi32, #tpu.memory_space<hbm>>) dst(%dma_wait3A_297 : memref<1xi32, #tpu.memory_space<vmem>>)
      tpu.yield
    }) : () -> ()
    %get3A = arith.constant 0 : index
    %get3A_1 = tpu.vector_load %empty_ref3A[%get3A] {strides = array<i32>} : memref<16xi32, #tpu.memory_space<vmem>>, vector<16xi32>,
    %slice3A = vector.extract_strided_slice %get3A_1 {offsets = [0], sizes = [1], strides = [1]} : vector<16xi32> to vector<1xi32>
    %squeeze3A = vector.extract %slice3A[0] : i32 from vector<1xi32>
    %get3A_2 = arith.constant 0 : index
    %get3A_3 = tpu.vector_load %empty_ref3A_0[%get3A_2] {strides = array<i32>} : memref<16xi32, #tpu.memory_space<vmem>>, vector<16xi32>,
    %slice3A_4 = vector.extract_strided_slice %get3A_3 {offsets = [0], sizes = [1], strides = [1]} : vector<16xi32> to vector<1xi32>
    %squeeze3A_5 = vector.extract %slice3A_4[0] : i32 from vector<1xi32>
    %mul3A = arith.constant 2 : i32
    %mul3A_6 = arith.muli %arg1, %mul3A : i32
    %add3A = arith.addi %mul3A_6, %arg0 : i32
    %mul3A_7 = arith.constant 8 : i32
    %mul3A_8 = arith.muli %add3A, %mul3A_7 : i32
    %add3A_9 = arith.constant 0 : i32
    %add3A_10 = arith.addi %mul3A_8, %add3A_9 : i32
    %mul3A_11 = arith.constant 7936 : i32
    %mul3A_12 = arith.muli %add3A_10, %mul3A_11 : i32
    %min3A = arith.minsi %mul3A_12, %squeeze3A : i32
    %multiple_of3A = tpu.assume_multiple %min3A, 8 : i32
    %dma_start3A = tpu.memref_slice %arg3[%multiple_of3A] : memref<2000000xi32, #tpu.memory_space<hbm>> -> memref<7936xi32, #tpu.memory_space<hbm>>
    %dma_start3A_13 = tpu.memref_slice %arg3[%multiple_of3A] : memref<2000000xi32, #tpu.memory_space<hbm>> -> memref<7936xi32, #tpu.memory_space<hbm>>
    tpu.enqueue_dma source(%dma_start3A_13 : memref<7936xi32, #tpu.memory_space<hbm>>) target(%arg12 : memref<7936xi32, #tpu.memory_space<vmem>>) target_semaphore(%arg22 : memref<!tpu.dma_semaphore, #tpu.memory_space<semaphore_mem>>)
    %dma_start3A_14 = tpu.memref_slice %arg4[%multiple_of3A] : memref<2000000xi32, #tpu.memory_space<hbm>> -> memref<7936xi32, #tpu.memory_space<hbm>>
    %dma_start3A_15 = tpu.memref_slice %arg4[%multiple_of3A] : memref<2000000xi32, #tpu.memory_space<hbm>> -> memref<7936xi32, #tpu.memory_space<hbm>>
    tpu.enqueue_dma source(%dma_start3A_15 : memref<7936xi32, #tpu.memory_space<hbm>>) target(%arg14 : memref<7936xi32, #tpu.memory_space<vmem>>) target_semaphore(%arg22 : memref<!tpu.dma_semaphore, #tpu.memory_space<semaphore_mem>>)
    %dma_start3A_16 = tpu.memref_slice %arg5[%multiple_of3A] : memref<2000000xf32, #tpu.memory_space<hbm>> -> memref<7936xf32, #tpu.memory_space<hbm>>
    %dma_start3A_17 = tpu.memref_slice %arg5[%multiple_of3A] : memref<2000000xf32, #tpu.memory_space<hbm>> -> memref<7936xf32, #tpu.memory_space<hbm>>
    tpu.enqueue_dma source(%dma_start3A_17 : memref<7936xf32, #tpu.memory_space<hbm>>) target(%arg16 : memref<7936xf32, #tpu.memory_space<vmem>>) target_semaphore(%arg22 : memref<!tpu.dma_semaphore, #tpu.memory_space<semaphore_mem>>)
    %mul3A_18 = arith.constant 8 : i32
    %mul3A_19 = arith.muli %add3A, %mul3A_18 : i32
    %add3A_20 = arith.constant 1 : i32
    %add3A_21 = arith.addi %mul3A_19, %add3A_20 : i32
    %mul3A_22 = arith.constant 7936 : i32
    %mul3A_23 = arith.muli %add3A_21, %mul3A_22 : i32
    %min3A_24 = arith.minsi %mul3A_23, %squeeze3A : i32
    %multiple_of3A_25 = tpu.assume_multiple %min3A_24, 8 : i32
    %dma_start3A_26 = tpu.memref_slice %arg3[%multiple_of3A_25] : memref<2000000xi32, #tpu.memory_space<hbm>> -> memref<7936xi32, #tpu.memory_space<hbm>>
    %dma_start3A_27 = tpu.memref_slice %arg3[%multiple_of3A_25] : memref<2000000xi32, #tpu.memory_space<hbm>> -> memref<7936xi32, #tpu.memory_space<hbm>>
    tpu.enqueue_dma source(%dma_start3A_27 : memref<7936xi32, #tpu.memory_space<hbm>>) target(%arg13 : memref<7936xi32, #tpu.memory_space<vmem>>) target_semaphore(%arg23 : memref<!tpu.dma_semaphore, #tpu.memory_space<semaphore_mem>>)
    %dma_start3A_28 = tpu.memref_slice %arg4[%multiple_of3A_25] : memref<2000000xi32, #tpu.memory_space<hbm>> -> memref<7936xi32, #tpu.memory_space<hbm>>
    %dma_start3A_29 = tpu.memref_slice %arg4[%multiple_of3A_25] : memref<2000000xi32, #tpu.memory_space<hbm>> -> memref<7936xi32, #tpu.memory_space<hbm>>
    tpu.enqueue_dma source(%dma_start3A_29 : memref<7936xi32, #tpu.memory_space<hbm>>) target(%arg15 : memref<7936xi32, #tpu.memory_space<vmem>>) target_semaphore(%arg23 : memref<!tpu.dma_semaphore, #tpu.memory_space<semaphore_mem>>)
    %dma_start3A_30 = tpu.memref_slice %arg5[%multiple_of3A_25] : memref<2000000xf32, #tpu.memory_space<hbm>> -> memref<7936xf32, #tpu.memory_space<hbm>>
    %dma_start3A_31 = tpu.memref_slice %arg5[%multiple_of3A_25] : memref<2000000xf32, #tpu.memory_space<hbm>> -> memref<7936xf32, #tpu.memory_space<hbm>>
    tpu.enqueue_dma source(%dma_start3A_31 : memref<7936xf32, #tpu.memory_space<hbm>>) target(%arg17 : memref<7936xf32, #tpu.memory_space<vmem>>) target_semaphore(%arg23 : memref<!tpu.dma_semaphore, #tpu.memory_space<semaphore_mem>>)
    "tpu.region"() ({
      %run_scoped3A = tpu.sem_alloc : memref<!tpu.dma_semaphore, #tpu.memory_space<semaphore_mem>>
      tpu.enqueue_dma source(%arg2 : memref<65536xi32, #tpu.memory_space<hbm>>) target(%arg11 : memref<65536xi32, #tpu.memory_space<vmem>>) target_semaphore(%run_scoped3A : memref<!tpu.dma_semaphore, #tpu.memory_space<semaphore_mem>>)
      tpu.wait_dma2 semaphore(%run_scoped3A : memref<!tpu.dma_semaphore, #tpu.memory_space<semaphore_mem>>) src(%arg2 : memref<65536xi32, #tpu.memory_space<hbm>>) dst(%arg11 : memref<65536xi32, #tpu.memory_space<vmem>>)
      tpu.yield
    }) : () -> ()
    "tpu.region"() ({
      %run_scoped3A = tpu.sem_alloc : memref<!tpu.dma_semaphore, #tpu.memory_space<semaphore_mem>>
      tpu.enqueue_dma source(%arg6 : memref<16xf32, #tpu.memory_space<hbm>>) target(%arg20 : memref<16xf32, #tpu.memory_space<vmem>>) target_semaphore(%run_scoped3A : memref<!tpu.dma_semaphore, #tpu.memory_space<semaphore_mem>>)
      tpu.wait_dma2 semaphore(%run_scoped3A : memref<!tpu.dma_semaphore, #tpu.memory_space<semaphore_mem>>) src(%arg6 : memref<16xf32, #tpu.memory_space<hbm>>) dst(%arg20 : memref<16xf32, #tpu.memory_space<vmem>>)
      tpu.yield
    }) : () -> ()
    "tpu.region"() ({
      %run_scoped3A = tpu.sem_alloc : memref<!tpu.dma_semaphore, #tpu.memory_space<semaphore_mem>>
      tpu.enqueue_dma source(%arg7 : memref<16xf32, #tpu.memory_space<hbm>>) target(%arg21 : memref<16xf32, #tpu.memory_space<vmem>>) target_semaphore(%run_scoped3A : memref<!tpu.dma_semaphore, #tpu.memory_space<semaphore_mem>>)
      tpu.wait_dma2 semaphore(%run_scoped3A : memref<!tpu.dma_semaphore, #tpu.memory_space<semaphore_mem>>) src(%arg7 : memref<16xf32, #tpu.memory_space<hbm>>) dst(%arg21 : memref<16xf32, #tpu.memory_space<vmem>>)
      tpu.yield
    }) : () -> ()
    %dma_wait3A = tpu.memref_slice %arg3[%multiple_of3A] : memref<2000000xi32, #tpu.memory_space<hbm>> -> memref<7936xi32, #tpu.memory_space<hbm>>
    %dma_wait3A_32 = tpu.memref_slice %arg3[%multiple_of3A] : memref<2000000xi32, #tpu.memory_space<hbm>> -> memref<7936xi32, #tpu.memory_space<hbm>>
    tpu.wait_dma2 semaphore(%arg22 : memref<!tpu.dma_semaphore, #tpu.memory_space<semaphore_mem>>) src(%dma_wait3A_32 : memref<7936xi32, #tpu.memory_space<hbm>>) dst(%arg12 : memref<7936xi32, #tpu.memory_space<vmem>>)
    %dma_wait3A_33 = tpu.memref_slice %arg4[%multiple_of3A] : memref<2000000xi32, #tpu.memory_space<hbm>> -> memref<7936xi32, #tpu.memory_space<hbm>>
    %dma_wait3A_34 = tpu.memref_slice %arg4[%multiple_of3A] : memref<2000000xi32, #tpu.memory_space<hbm>> -> memref<7936xi32, #tpu.memory_space<hbm>>
    tpu.wait_dma2 semaphore(%arg22 : memref<!tpu.dma_semaphore, #tpu.memory_space<semaphore_mem>>) src(%dma_wait3A_34 : memref<7936xi32, #tpu.memory_space<hbm>>) dst(%arg14 : memref<7936xi32, #tpu.memory_space<vmem>>)
    %dma_wait3A_35 = tpu.memref_slice %arg5[%multiple_of3A] : memref<2000000xf32, #tpu.memory_space<hbm>> -> memref<7936xf32, #tpu.memory_space<hbm>>
    %dma_wait3A_36 = tpu.memref_slice %arg5[%multiple_of3A] : memref<2000000xf32, #tpu.memory_space<hbm>> -> memref<7936xf32, #tpu.memory_space<hbm>>
    tpu.wait_dma2 semaphore(%arg22 : memref<!tpu.dma_semaphore, #tpu.memory_space<semaphore_mem>>) src(%dma_wait3A_36 : memref<7936xf32, #tpu.memory_space<hbm>>) dst(%arg16 : memref<7936xf32, #tpu.memory_space<vmem>>)
    %parallel_loop3A = arith.constant 0 : i32
    %parallel_loop3A_37 = arith.constant 7936 : i32
    %parallel_loop3A_38 = arith.constant 16 : i32
    scf.for %parallel_loop3A_282 = %parallel_loop3A to %parallel_loop3A_37 step %parallel_loop3A_38  : i32 {
      %parallel_loop3A_283 = arith.index_cast %parallel_loop3A_282 : i32 to index
      %parallel_loop3A_284 = tpu.vector_load %arg12[%parallel_loop3A_283] {strides = array<i32>} : memref<7936xi32, #tpu.memory_space<vmem>>, vector<16xi32>,
      %parallel_loop3A_285 = arith.index_cast %parallel_loop3A_282 : i32 to index
      %parallel_loop3A_286 = tpu.vector_load %arg14[%parallel_loop3A_285] {strides = array<i32>} : memref<7936xi32, #tpu.memory_space<vmem>>, vector<16xi32>,
      %parallel_loop3A_287 = arith.index_cast %parallel_loop3A_282 : i32 to index
      %parallel_loop3A_288 = tpu.vector_load %arg16[%parallel_loop3A_287] {strides = array<i32>} : memref<7936xf32, #tpu.memory_space<vmem>>, vector<16xf32>,
      %parallel_loop3A_289 = vector.broadcast %squeeze3A_5 : i32 to vector<16xi32>
      %parallel_loop3A_290 = arith.andi %parallel_loop3A_284, %parallel_loop3A_289 : vector<16xi32>
      %parallel_loop3A_291 = tpu.vector_load_idx %arg11[%parallel_loop3A_290] : memref<65536xi32, #tpu.memory_space<vmem>>[vector<16xi32>], vector<16xi32>,
      %parallel_loop3A_292 = arith.constant 16 : i32
      %parallel_loop3A_293 = vector.broadcast %parallel_loop3A_292 : i32 to vector<16xi32>
      %parallel_loop3A_294 = arith.shrsi %parallel_loop3A_284, %parallel_loop3A_293 : vector<16xi32>
      %parallel_loop3A_295 = arith.constant 1 : i32
      %parallel_loop3A_296 = vector.broadcast %parallel_loop3A_295 : i32 to vector<16xi32>
      %parallel_loop3A_297 = arith.shli %parallel_loop3A_294, %parallel_loop3A_296 : vector<16xi32>
      %parallel_loop3A_298 = arith.shrsi %parallel_loop3A_291, %parallel_loop3A_297 : vector<16xi32>
      %parallel_loop3A_299 = arith.constant 3 : i32
      %parallel_loop3A_300 = vector.broadcast %parallel_loop3A_299 : i32 to vector<16xi32>
      %parallel_loop3A_301 = arith.andi %parallel_loop3A_298, %parallel_loop3A_300 : vector<16xi32>
      %parallel_loop3A_302 = vector.broadcast %squeeze3A_5 : i32 to vector<16xi32>
      %parallel_loop3A_303 = arith.andi %parallel_loop3A_286, %parallel_loop3A_302 : vector<16xi32>
      %parallel_loop3A_304 = tpu.vector_load_idx %arg11[%parallel_loop3A_303] : memref<65536xi32, #tpu.memory_space<vmem>>[vector<16xi32>], vector<16xi32>,
      %parallel_loop3A_305 = arith.constant 16 : i32
      %parallel_loop3A_306 = vector.broadcast %parallel_loop3A_305 : i32 to vector<16xi32>
      %parallel_loop3A_307 = arith.shrsi %parallel_loop3A_286, %parallel_loop3A_306 : vector<16xi32>
      %parallel_loop3A_308 = arith.constant 1 : i32
      %parallel_loop3A_309 = vector.broadcast %parallel_loop3A_308 : i32 to vector<16xi32>
      %parallel_loop3A_310 = arith.shli %parallel_loop3A_307, %parallel_loop3A_309 : vector<16xi32>
      %parallel_loop3A_311 = arith.shrsi %parallel_loop3A_304, %parallel_loop3A_310 : vector<16xi32>
      %parallel_loop3A_312 = arith.constant 3 : i32
      %parallel_loop3A_313 = vector.broadcast %parallel_loop3A_312 : i32 to vector<16xi32>
      %parallel_loop3A_314 = arith.andi %parallel_loop3A_311, %parallel_loop3A_313 : vector<16xi32>
      %parallel_loop3A_315 = arith.constant 2 : i32
      %parallel_loop3A_316 = vector.broadcast %parallel_loop3A_315 : i32 to vector<16xi32>
      %parallel_loop3A_317 = arith.shli %parallel_loop3A_301, %parallel_loop3A_316 : vector<16xi32>
      %parallel_loop3A_318 = arith.ori %parallel_loop3A_317, %parallel_loop3A_314 : vector<16xi32>
      %parallel_loop3A_319 = tpu.vector_load_idx %arg20[%parallel_loop3A_318] : memref<16xf32, #tpu.memory_space<vmem>>[vector<16xi32>], vector<16xf32>,
      %parallel_loop3A_320 = tpu.vector_load_idx %arg21[%parallel_loop3A_318] : memref<16xf32, #tpu.memory_space<vmem>>[vector<16xi32>], vector<16xf32>,
      %parallel_loop3A_321 = arith.subf %parallel_loop3A_288, %parallel_loop3A_320 : vector<16xf32>
      %parallel_loop3A_322 = arith.mulf %parallel_loop3A_319, %parallel_loop3A_321 : vector<16xf32>
      %parallel_loop3A_323 = arith.mulf %parallel_loop3A_322, %parallel_loop3A_321 : vector<16xf32>
      %parallel_loop3A_324 = arith.index_cast %parallel_loop3A_282 : i32 to index
      %parallel_loop3A_325 = tpu.vector_load %arg18[%parallel_loop3A_324] {strides = array<i32>} : memref<7936xf32, #tpu.memory_space<vmem>>, vector<16xf32>,
      tpu.vector_store %arg18[%parallel_loop3A_324], %parallel_loop3A_323 {strides = array<i32>} : memref<7936xf32, #tpu.memory_space<vmem>>, vector<16xf32>,
    } {sc.loop_unroll_factor = 8 : i64, sc.parallel_access}
    %mul3A_39 = arith.constant 8 : i32
    %mul3A_40 = arith.muli %add3A, %mul3A_39 : i32
    %add3A_41 = arith.constant 0 : i32
    %add3A_42 = arith.addi %mul3A_40, %add3A_41 : i32
    %mul3A_43 = arith.constant 7936 : i32
    %mul3A_44 = arith.muli %add3A_42, %mul3A_43 : i32
    %min3A_45 = arith.minsi %mul3A_44, %squeeze3A : i32
    %multiple_of3A_46 = tpu.assume_multiple %min3A_45, 8 : i32
    %dma_start3A_47 = tpu.memref_slice %arg10[%multiple_of3A_46] : memref<2000000xf32, #tpu.memory_space<hbm>> -> memref<7936xf32, #tpu.memory_space<hbm>>
    %dma_start3A_48 = tpu.memref_slice %arg10[%multiple_of3A_46] : memref<2000000xf32, #tpu.memory_space<hbm>> -> memref<7936xf32, #tpu.memory_space<hbm>>
    tpu.enqueue_dma source(%arg18 : memref<7936xf32, #tpu.memory_space<vmem>>) target(%dma_start3A_48 : memref<7936xf32, #tpu.memory_space<hbm>>) target_semaphore(%arg24 : memref<!tpu.dma_semaphore, #tpu.memory_space<semaphore_mem>>)
    %mul3A_49 = arith.constant 8 : i32
    %mul3A_50 = arith.muli %add3A, %mul3A_49 : i32
    %add3A_51 = arith.constant 2 : i32
    %add3A_52 = arith.addi %mul3A_50, %add3A_51 : i32
    %mul3A_53 = arith.constant 7936 : i32
    %mul3A_54 = arith.muli %add3A_52, %mul3A_53 : i32
    %min3A_55 = arith.minsi %mul3A_54, %squeeze3A : i32
    %multiple_of3A_56 = tpu.assume_multiple %min3A_55, 8 : i32
    %dma_start3A_57 = tpu.memref_slice %arg3[%multiple_of3A_56] : memref<2000000xi32, #tpu.memory_space<hbm>> -> memref<7936xi32, #tpu.memory_space<hbm>>
    %dma_start3A_58 = tpu.memref_slice %arg3[%multiple_of3A_56] : memref<2000000xi32, #tpu.memory_space<hbm>> -> memref<7936xi32, #tpu.memory_space<hbm>>
    tpu.enqueue_dma source(%dma_start3A_58 : memref<7936xi32, #tpu.memory_space<hbm>>) target(%arg12 : memref<7936xi32, #tpu.memory_space<vmem>>) target_semaphore(%arg22 : memref<!tpu.dma_semaphore, #tpu.memory_space<semaphore_mem>>)
    %dma_start3A_59 = tpu.memref_slice %arg4[%multiple_of3A_56] : memref<2000000xi32, #tpu.memory_space<hbm>> -> memref<7936xi32, #tpu.memory_space<hbm>>
    %dma_start3A_60 = tpu.memref_slice %arg4[%multiple_of3A_56] : memref<2000000xi32, #tpu.memory_space<hbm>> -> memref<7936xi32, #tpu.memory_space<hbm>>
    tpu.enqueue_dma source(%dma_start3A_60 : memref<7936xi32, #tpu.memory_space<hbm>>) target(%arg14 : memref<7936xi32, #tpu.memory_space<vmem>>) target_semaphore(%arg22 : memref<!tpu.dma_semaphore, #tpu.memory_space<semaphore_mem>>)
    %dma_start3A_61 = tpu.memref_slice %arg5[%multiple_of3A_56] : memref<2000000xf32, #tpu.memory_space<hbm>> -> memref<7936xf32, #tpu.memory_space<hbm>>
    %dma_start3A_62 = tpu.memref_slice %arg5[%multiple_of3A_56] : memref<2000000xf32, #tpu.memory_space<hbm>> -> memref<7936xf32, #tpu.memory_space<hbm>>
    tpu.enqueue_dma source(%dma_start3A_62 : memref<7936xf32, #tpu.memory_space<hbm>>) target(%arg16 : memref<7936xf32, #tpu.memory_space<vmem>>) target_semaphore(%arg22 : memref<!tpu.dma_semaphore, #tpu.memory_space<semaphore_mem>>)
    %dma_wait3A_63 = tpu.memref_slice %arg3[%multiple_of3A_25] : memref<2000000xi32, #tpu.memory_space<hbm>> -> memref<7936xi32, #tpu.memory_space<hbm>>
    %dma_wait3A_64 = tpu.memref_slice %arg3[%multiple_of3A_25] : memref<2000000xi32, #tpu.memory_space<hbm>> -> memref<7936xi32, #tpu.memory_space<hbm>>
    tpu.wait_dma2 semaphore(%arg23 : memref<!tpu.dma_semaphore, #tpu.memory_space<semaphore_mem>>) src(%dma_wait3A_64 : memref<7936xi32, #tpu.memory_space<hbm>>) dst(%arg13 : memref<7936xi32, #tpu.memory_space<vmem>>)
    %dma_wait3A_65 = tpu.memref_slice %arg4[%multiple_of3A_25] : memref<2000000xi32, #tpu.memory_space<hbm>> -> memref<7936xi32, #tpu.memory_space<hbm>>
    %dma_wait3A_66 = tpu.memref_slice %arg4[%multiple_of3A_25] : memref<2000000xi32, #tpu.memory_space<hbm>> -> memref<7936xi32, #tpu.memory_space<hbm>>
    tpu.wait_dma2 semaphore(%arg23 : memref<!tpu.dma_semaphore, #tpu.memory_space<semaphore_mem>>) src(%dma_wait3A_66 : memref<7936xi32, #tpu.memory_space<hbm>>) dst(%arg15 : memref<7936xi32, #tpu.memory_space<vmem>>)
    %dma_wait3A_67 = tpu.memref_slice %arg5[%multiple_of3A_25] : memref<2000000xf32, #tpu.memory_space<hbm>> -> memref<7936xf32, #tpu.memory_space<hbm>>
    %dma_wait3A_68 = tpu.memref_slice %arg5[%multiple_of3A_25] : memref<2000000xf32, #tpu.memory_space<hbm>> -> memref<7936xf32, #tpu.memory_space<hbm>>
    tpu.wait_dma2 semaphore(%arg23 : memref<!tpu.dma_semaphore, #tpu.memory_space<semaphore_mem>>) src(%dma_wait3A_68 : memref<7936xf32, #tpu.memory_space<hbm>>) dst(%arg17 : memref<7936xf32, #tpu.memory_space<vmem>>)
    %parallel_loop3A_69 = arith.constant 0 : i32
    %parallel_loop3A_70 = arith.constant 7936 : i32
    %parallel_loop3A_71 = arith.constant 16 : i32
    scf.for %parallel_loop3A_282 = %parallel_loop3A_69 to %parallel_loop3A_70 step %parallel_loop3A_71  : i32 {
      %parallel_loop3A_283 = arith.index_cast %parallel_loop3A_282 : i32 to index
      %parallel_loop3A_284 = tpu.vector_load %arg13[%parallel_loop3A_283] {strides = array<i32>} : memref<7936xi32, #tpu.memory_space<vmem>>, vector<16xi32>,
      %parallel_loop3A_285 = arith.index_cast %parallel_loop3A_282 : i32 to index
      %parallel_loop3A_286 = tpu.vector_load %arg15[%parallel_loop3A_285] {strides = array<i32>} : memref<7936xi32, #tpu.memory_space<vmem>>, vector<16xi32>,
      %parallel_loop3A_287 = arith.index_cast %parallel_loop3A_282 : i32 to index
      %parallel_loop3A_288 = tpu.vector_load %arg17[%parallel_loop3A_287] {strides = array<i32>} : memref<7936xf32, #tpu.memory_space<vmem>>, vector<16xf32>,
      %parallel_loop3A_289 = vector.broadcast %squeeze3A_5 : i32 to vector<16xi32>
      %parallel_loop3A_290 = arith.andi %parallel_loop3A_284, %parallel_loop3A_289 : vector<16xi32>
      %parallel_loop3A_291 = tpu.vector_load_idx %arg11[%parallel_loop3A_290] : memref<65536xi32, #tpu.memory_space<vmem>>[vector<16xi32>], vector<16xi32>,
      %parallel_loop3A_292 = arith.constant 16 : i32
      %parallel_loop3A_293 = vector.broadcast %parallel_loop3A_292 : i32 to vector<16xi32>
      %parallel_loop3A_294 = arith.shrsi %parallel_loop3A_284, %parallel_loop3A_293 : vector<16xi32>
      %parallel_loop3A_295 = arith.constant 1 : i32
      %parallel_loop3A_296 = vector.broadcast %parallel_loop3A_295 : i32 to vector<16xi32>
      %parallel_loop3A_297 = arith.shli %parallel_loop3A_294, %parallel_loop3A_296 : vector<16xi32>
      %parallel_loop3A_298 = arith.shrsi %parallel_loop3A_291, %parallel_loop3A_297 : vector<16xi32>
      %parallel_loop3A_299 = arith.constant 3 : i32
      %parallel_loop3A_300 = vector.broadcast %parallel_loop3A_299 : i32 to vector<16xi32>
      %parallel_loop3A_301 = arith.andi %parallel_loop3A_298, %parallel_loop3A_300 : vector<16xi32>
      %parallel_loop3A_302 = vector.broadcast %squeeze3A_5 : i32 to vector<16xi32>
      %parallel_loop3A_303 = arith.andi %parallel_loop3A_286, %parallel_loop3A_302 : vector<16xi32>
      %parallel_loop3A_304 = tpu.vector_load_idx %arg11[%parallel_loop3A_303] : memref<65536xi32, #tpu.memory_space<vmem>>[vector<16xi32>], vector<16xi32>,
      %parallel_loop3A_305 = arith.constant 16 : i32
      %parallel_loop3A_306 = vector.broadcast %parallel_loop3A_305 : i32 to vector<16xi32>
      %parallel_loop3A_307 = arith.shrsi %parallel_loop3A_286, %parallel_loop3A_306 : vector<16xi32>
      %parallel_loop3A_308 = arith.constant 1 : i32
      %parallel_loop3A_309 = vector.broadcast %parallel_loop3A_308 : i32 to vector<16xi32>
      %parallel_loop3A_310 = arith.shli %parallel_loop3A_307, %parallel_loop3A_309 : vector<16xi32>
      %parallel_loop3A_311 = arith.shrsi %parallel_loop3A_304, %parallel_loop3A_310 : vector<16xi32>
      %parallel_loop3A_312 = arith.constant 3 : i32
      %parallel_loop3A_313 = vector.broadcast %parallel_loop3A_312 : i32 to vector<16xi32>
      %parallel_loop3A_314 = arith.andi %parallel_loop3A_311, %parallel_loop3A_313 : vector<16xi32>
      %parallel_loop3A_315 = arith.constant 2 : i32
      %parallel_loop3A_316 = vector.broadcast %parallel_loop3A_315 : i32 to vector<16xi32>
      %parallel_loop3A_317 = arith.shli %parallel_loop3A_301, %parallel_loop3A_316 : vector<16xi32>
      %parallel_loop3A_318 = arith.ori %parallel_loop3A_317, %parallel_loop3A_314 : vector<16xi32>
      %parallel_loop3A_319 = tpu.vector_load_idx %arg20[%parallel_loop3A_318] : memref<16xf32, #tpu.memory_space<vmem>>[vector<16xi32>], vector<16xf32>,
      %parallel_loop3A_320 = tpu.vector_load_idx %arg21[%parallel_loop3A_318] : memref<16xf32, #tpu.memory_space<vmem>>[vector<16xi32>], vector<16xf32>,
      %parallel_loop3A_321 = arith.subf %parallel_loop3A_288, %parallel_loop3A_320 : vector<16xf32>
      %parallel_loop3A_322 = arith.mulf %parallel_loop3A_319, %parallel_loop3A_321 : vector<16xf32>
      %parallel_loop3A_323 = arith.mulf %parallel_loop3A_322, %parallel_loop3A_321 : vector<16xf32>
      %parallel_loop3A_324 = arith.index_cast %parallel_loop3A_282 : i32 to index
      %parallel_loop3A_325 = tpu.vector_load %arg19[%parallel_loop3A_324] {strides = array<i32>} : memref<7936xf32, #tpu.memory_space<vmem>>, vector<16xf32>,
      tpu.vector_store %arg19[%parallel_loop3A_324], %parallel_loop3A_323 {strides = array<i32>} : memref<7936xf32, #tpu.memory_space<vmem>>, vector<16xf32>,
    } {sc.loop_unroll_factor = 8 : i64, sc.parallel_access}
    %mul3A_72 = arith.constant 8 : i32
    %mul3A_73 = arith.muli %add3A, %mul3A_72 : i32
    %add3A_74 = arith.constant 1 : i32
    %add3A_75 = arith.addi %mul3A_73, %add3A_74 : i32
    %mul3A_76 = arith.constant 7936 : i32
    %mul3A_77 = arith.muli %add3A_75, %mul3A_76 : i32
    %min3A_78 = arith.minsi %mul3A_77, %squeeze3A : i32
    %multiple_of3A_79 = tpu.assume_multiple %min3A_78, 8 : i32
    %dma_start3A_80 = tpu.memref_slice %arg10[%multiple_of3A_79] : memref<2000000xf32, #tpu.memory_space<hbm>> -> memref<7936xf32, #tpu.memory_space<hbm>>
    %dma_start3A_81 = tpu.memref_slice %arg10[%multiple_of3A_79] : memref<2000000xf32, #tpu.memory_space<hbm>> -> memref<7936xf32, #tpu.memory_space<hbm>>
    tpu.enqueue_dma source(%arg19 : memref<7936xf32, #tpu.memory_space<vmem>>) target(%dma_start3A_81 : memref<7936xf32, #tpu.memory_space<hbm>>) target_semaphore(%arg25 : memref<!tpu.dma_semaphore, #tpu.memory_space<semaphore_mem>>)
    %mul3A_82 = arith.constant 8 : i32
    %mul3A_83 = arith.muli %add3A, %mul3A_82 : i32
    %add3A_84 = arith.constant 3 : i32
    %add3A_85 = arith.addi %mul3A_83, %add3A_84 : i32
    %mul3A_86 = arith.constant 7936 : i32
    %mul3A_87 = arith.muli %add3A_85, %mul3A_86 : i32
    %min3A_88 = arith.minsi %mul3A_87, %squeeze3A : i32
    %multiple_of3A_89 = tpu.assume_multiple %min3A_88, 8 : i32
    %dma_start3A_90 = tpu.memref_slice %arg3[%multiple_of3A_89] : memref<2000000xi32, #tpu.memory_space<hbm>> -> memref<7936xi32, #tpu.memory_space<hbm>>
    %dma_start3A_91 = tpu.memref_slice %arg3[%multiple_of3A_89] : memref<2000000xi32, #tpu.memory_space<hbm>> -> memref<7936xi32, #tpu.memory_space<hbm>>
    tpu.enqueue_dma source(%dma_start3A_91 : memref<7936xi32, #tpu.memory_space<hbm>>) target(%arg13 : memref<7936xi32, #tpu.memory_space<vmem>>) target_semaphore(%arg23 : memref<!tpu.dma_semaphore, #tpu.memory_space<semaphore_mem>>)
    %dma_start3A_92 = tpu.memref_slice %arg4[%multiple_of3A_89] : memref<2000000xi32, #tpu.memory_space<hbm>> -> memref<7936xi32, #tpu.memory_space<hbm>>
    %dma_start3A_93 = tpu.memref_slice %arg4[%multiple_of3A_89] : memref<2000000xi32, #tpu.memory_space<hbm>> -> memref<7936xi32, #tpu.memory_space<hbm>>
    tpu.enqueue_dma source(%dma_start3A_93 : memref<7936xi32, #tpu.memory_space<hbm>>) target(%arg15 : memref<7936xi32, #tpu.memory_space<vmem>>) target_semaphore(%arg23 : memref<!tpu.dma_semaphore, #tpu.memory_space<semaphore_mem>>)
    %dma_start3A_94 = tpu.memref_slice %arg5[%multiple_of3A_89] : memref<2000000xf32, #tpu.memory_space<hbm>> -> memref<7936xf32, #tpu.memory_space<hbm>>
    %dma_start3A_95 = tpu.memref_slice %arg5[%multiple_of3A_89] : memref<2000000xf32, #tpu.memory_space<hbm>> -> memref<7936xf32, #tpu.memory_space<hbm>>
    tpu.enqueue_dma source(%dma_start3A_95 : memref<7936xf32, #tpu.memory_space<hbm>>) target(%arg17 : memref<7936xf32, #tpu.memory_space<vmem>>) target_semaphore(%arg23 : memref<!tpu.dma_semaphore, #tpu.memory_space<semaphore_mem>>)
    %dma_wait3A_96 = tpu.memref_slice %arg3[%multiple_of3A_56] : memref<2000000xi32, #tpu.memory_space<hbm>> -> memref<7936xi32, #tpu.memory_space<hbm>>
    %dma_wait3A_97 = tpu.memref_slice %arg3[%multiple_of3A_56] : memref<2000000xi32, #tpu.memory_space<hbm>> -> memref<7936xi32, #tpu.memory_space<hbm>>
    tpu.wait_dma2 semaphore(%arg22 : memref<!tpu.dma_semaphore, #tpu.memory_space<semaphore_mem>>) src(%dma_wait3A_97 : memref<7936xi32, #tpu.memory_space<hbm>>) dst(%arg12 : memref<7936xi32, #tpu.memory_space<vmem>>)
    %dma_wait3A_98 = tpu.memref_slice %arg4[%multiple_of3A_56] : memref<2000000xi32, #tpu.memory_space<hbm>> -> memref<7936xi32, #tpu.memory_space<hbm>>
    %dma_wait3A_99 = tpu.memref_slice %arg4[%multiple_of3A_56] : memref<2000000xi32, #tpu.memory_space<hbm>> -> memref<7936xi32, #tpu.memory_space<hbm>>
    tpu.wait_dma2 semaphore(%arg22 : memref<!tpu.dma_semaphore, #tpu.memory_space<semaphore_mem>>) src(%dma_wait3A_99 : memref<7936xi32, #tpu.memory_space<hbm>>) dst(%arg14 : memref<7936xi32, #tpu.memory_space<vmem>>)
    %dma_wait3A_100 = tpu.memref_slice %arg5[%multiple_of3A_56] : memref<2000000xf32, #tpu.memory_space<hbm>> -> memref<7936xf32, #tpu.memory_space<hbm>>
    %dma_wait3A_101 = tpu.memref_slice %arg5[%multiple_of3A_56] : memref<2000000xf32, #tpu.memory_space<hbm>> -> memref<7936xf32, #tpu.memory_space<hbm>>
    tpu.wait_dma2 semaphore(%arg22 : memref<!tpu.dma_semaphore, #tpu.memory_space<semaphore_mem>>) src(%dma_wait3A_101 : memref<7936xf32, #tpu.memory_space<hbm>>) dst(%arg16 : memref<7936xf32, #tpu.memory_space<vmem>>)
    %dma_wait3A_102 = tpu.memref_slice %arg10[%multiple_of3A_46] : memref<2000000xf32, #tpu.memory_space<hbm>> -> memref<7936xf32, #tpu.memory_space<hbm>>
    %dma_wait3A_103 = tpu.memref_slice %arg10[%multiple_of3A_46] : memref<2000000xf32, #tpu.memory_space<hbm>> -> memref<7936xf32, #tpu.memory_space<hbm>>
    tpu.wait_dma2 semaphore(%arg24 : memref<!tpu.dma_semaphore, #tpu.memory_space<semaphore_mem>>) src(%arg18 : memref<7936xf32, #tpu.memory_space<vmem>>) dst(%dma_wait3A_103 : memref<7936xf32, #tpu.memory_space<hbm>>)
    %parallel_loop3A_104 = arith.constant 0 : i32
    %parallel_loop3A_105 = arith.constant 7936 : i32
    %parallel_loop3A_106 = arith.constant 16 : i32
    scf.for %parallel_loop3A_282 = %parallel_loop3A_104 to %parallel_loop3A_105 step %parallel_loop3A_106  : i32 {
      %parallel_loop3A_283 = arith.index_cast %parallel_loop3A_282 : i32 to index
      %parallel_loop3A_284 = tpu.vector_load %arg12[%parallel_loop3A_283] {strides = array<i32>} : memref<7936xi32, #tpu.memory_space<vmem>>, vector<16xi32>,
      %parallel_loop3A_285 = arith.index_cast %parallel_loop3A_282 : i32 to index
      %parallel_loop3A_286 = tpu.vector_load %arg14[%parallel_loop3A_285] {strides = array<i32>} : memref<7936xi32, #tpu.memory_space<vmem>>, vector<16xi32>,
      %parallel_loop3A_287 = arith.index_cast %parallel_loop3A_282 : i32 to index
      %parallel_loop3A_288 = tpu.vector_load %arg16[%parallel_loop3A_287] {strides = array<i32>} : memref<7936xf32, #tpu.memory_space<vmem>>, vector<16xf32>,
      %parallel_loop3A_289 = vector.broadcast %squeeze3A_5 : i32 to vector<16xi32>
      %parallel_loop3A_290 = arith.andi %parallel_loop3A_284, %parallel_loop3A_289 : vector<16xi32>
      %parallel_loop3A_291 = tpu.vector_load_idx %arg11[%parallel_loop3A_290] : memref<65536xi32, #tpu.memory_space<vmem>>[vector<16xi32>], vector<16xi32>,
      %parallel_loop3A_292 = arith.constant 16 : i32
      %parallel_loop3A_293 = vector.broadcast %parallel_loop3A_292 : i32 to vector<16xi32>
      %parallel_loop3A_294 = arith.shrsi %parallel_loop3A_284, %parallel_loop3A_293 : vector<16xi32>
      %parallel_loop3A_295 = arith.constant 1 : i32
      %parallel_loop3A_296 = vector.broadcast %parallel_loop3A_295 : i32 to vector<16xi32>
      %parallel_loop3A_297 = arith.shli %parallel_loop3A_294, %parallel_loop3A_296 : vector<16xi32>
      %parallel_loop3A_298 = arith.shrsi %parallel_loop3A_291, %parallel_loop3A_297 : vector<16xi32>
      %parallel_loop3A_299 = arith.constant 3 : i32
      %parallel_loop3A_300 = vector.broadcast %parallel_loop3A_299 : i32 to vector<16xi32>
      %parallel_loop3A_301 = arith.andi %parallel_loop3A_298, %parallel_loop3A_300 : vector<16xi32>
      %parallel_loop3A_302 = vector.broadcast %squeeze3A_5 : i32 to vector<16xi32>
      %parallel_loop3A_303 = arith.andi %parallel_loop3A_286, %parallel_loop3A_302 : vector<16xi32>
      %parallel_loop3A_304 = tpu.vector_load_idx %arg11[%parallel_loop3A_303] : memref<65536xi32, #tpu.memory_space<vmem>>[vector<16xi32>], vector<16xi32>,
      %parallel_loop3A_305 = arith.constant 16 : i32
      %parallel_loop3A_306 = vector.broadcast %parallel_loop3A_305 : i32 to vector<16xi32>
      %parallel_loop3A_307 = arith.shrsi %parallel_loop3A_286, %parallel_loop3A_306 : vector<16xi32>
      %parallel_loop3A_308 = arith.constant 1 : i32
      %parallel_loop3A_309 = vector.broadcast %parallel_loop3A_308 : i32 to vector<16xi32>
      %parallel_loop3A_310 = arith.shli %parallel_loop3A_307, %parallel_loop3A_309 : vector<16xi32>
      %parallel_loop3A_311 = arith.shrsi %parallel_loop3A_304, %parallel_loop3A_310 : vector<16xi32>
      %parallel_loop3A_312 = arith.constant 3 : i32
      %parallel_loop3A_313 = vector.broadcast %parallel_loop3A_312 : i32 to vector<16xi32>
      %parallel_loop3A_314 = arith.andi %parallel_loop3A_311, %parallel_loop3A_313 : vector<16xi32>
      %parallel_loop3A_315 = arith.constant 2 : i32
      %parallel_loop3A_316 = vector.broadcast %parallel_loop3A_315 : i32 to vector<16xi32>
      %parallel_loop3A_317 = arith.shli %parallel_loop3A_301, %parallel_loop3A_316 : vector<16xi32>
      %parallel_loop3A_318 = arith.ori %parallel_loop3A_317, %parallel_loop3A_314 : vector<16xi32>
      %parallel_loop3A_319 = tpu.vector_load_idx %arg20[%parallel_loop3A_318] : memref<16xf32, #tpu.memory_space<vmem>>[vector<16xi32>], vector<16xf32>,
      %parallel_loop3A_320 = tpu.vector_load_idx %arg21[%parallel_loop3A_318] : memref<16xf32, #tpu.memory_space<vmem>>[vector<16xi32>], vector<16xf32>,
      %parallel_loop3A_321 = arith.subf %parallel_loop3A_288, %parallel_loop3A_320 : vector<16xf32>
      %parallel_loop3A_322 = arith.mulf %parallel_loop3A_319, %parallel_loop3A_321 : vector<16xf32>
      %parallel_loop3A_323 = arith.mulf %parallel_loop3A_322, %parallel_loop3A_321 : vector<16xf32>
      %parallel_loop3A_324 = arith.index_cast %parallel_loop3A_282 : i32 to index
      %parallel_loop3A_325 = tpu.vector_load %arg18[%parallel_loop3A_324] {strides = array<i32>} : memref<7936xf32, #tpu.memory_space<vmem>>, vector<16xf32>,
      tpu.vector_store %arg18[%parallel_loop3A_324], %parallel_loop3A_323 {strides = array<i32>} : memref<7936xf32, #tpu.memory_space<vmem>>, vector<16xf32>,
    } {sc.loop_unroll_factor = 8 : i64, sc.parallel_access}
    %mul3A_107 = arith.constant 8 : i32
    %mul3A_108 = arith.muli %add3A, %mul3A_107 : i32
    %add3A_109 = arith.constant 2 : i32
    %add3A_110 = arith.addi %mul3A_108, %add3A_109 : i32
    %mul3A_111 = arith.constant 7936 : i32
    %mul3A_112 = arith.muli %add3A_110, %mul3A_111 : i32
    %min3A_113 = arith.minsi %mul3A_112, %squeeze3A : i32
    %multiple_of3A_114 = tpu.assume_multiple %min3A_113, 8 : i32
    %dma_start3A_115 = tpu.memref_slice %arg10[%multiple_of3A_114] : memref<2000000xf32, #tpu.memory_space<hbm>> -> memref<7936xf32, #tpu.memory_space<hbm>>
    %dma_start3A_116 = tpu.memref_slice %arg10[%multiple_of3A_114] : memref<2000000xf32, #tpu.memory_space<hbm>> -> memref<7936xf32, #tpu.memory_space<hbm>>
    tpu.enqueue_dma source(%arg18 : memref<7936xf32, #tpu.memory_space<vmem>>) target(%dma_start3A_116 : memref<7936xf32, #tpu.memory_space<hbm>>) target_semaphore(%arg24 : memref<!tpu.dma_semaphore, #tpu.memory_space<semaphore_mem>>)
    %mul3A_117 = arith.constant 8 : i32
    %mul3A_118 = arith.muli %add3A, %mul3A_117 : i32
    %add3A_119 = arith.constant 4 : i32
    %add3A_120 = arith.addi %mul3A_118, %add3A_119 : i32
    %mul3A_121 = arith.constant 7936 : i32
    %mul3A_122 = arith.muli %add3A_120, %mul3A_121 : i32
    %min3A_123 = arith.minsi %mul3A_122, %squeeze3A : i32
    %multiple_of3A_124 = tpu.assume_multiple %min3A_123, 8 : i32
    %dma_start3A_125 = tpu.memref_slice %arg3[%multiple_of3A_124] : memref<2000000xi32, #tpu.memory_space<hbm>> -> memref<7936xi32, #tpu.memory_space<hbm>>
    %dma_start3A_126 = tpu.memref_slice %arg3[%multiple_of3A_124] : memref<2000000xi32, #tpu.memory_space<hbm>> -> memref<7936xi32, #tpu.memory_space<hbm>>
    tpu.enqueue_dma source(%dma_start3A_126 : memref<7936xi32, #tpu.memory_space<hbm>>) target(%arg12 : memref<7936xi32, #tpu.memory_space<vmem>>) target_semaphore(%arg22 : memref<!tpu.dma_semaphore, #tpu.memory_space<semaphore_mem>>)
    %dma_start3A_127 = tpu.memref_slice %arg4[%multiple_of3A_124] : memref<2000000xi32, #tpu.memory_space<hbm>> -> memref<7936xi32, #tpu.memory_space<hbm>>
    %dma_start3A_128 = tpu.memref_slice %arg4[%multiple_of3A_124] : memref<2000000xi32, #tpu.memory_space<hbm>> -> memref<7936xi32, #tpu.memory_space<hbm>>
    tpu.enqueue_dma source(%dma_start3A_128 : memref<7936xi32, #tpu.memory_space<hbm>>) target(%arg14 : memref<7936xi32, #tpu.memory_space<vmem>>) target_semaphore(%arg22 : memref<!tpu.dma_semaphore, #tpu.memory_space<semaphore_mem>>)
    %dma_start3A_129 = tpu.memref_slice %arg5[%multiple_of3A_124] : memref<2000000xf32, #tpu.memory_space<hbm>> -> memref<7936xf32, #tpu.memory_space<hbm>>
    %dma_start3A_130 = tpu.memref_slice %arg5[%multiple_of3A_124] : memref<2000000xf32, #tpu.memory_space<hbm>> -> memref<7936xf32, #tpu.memory_space<hbm>>
    tpu.enqueue_dma source(%dma_start3A_130 : memref<7936xf32, #tpu.memory_space<hbm>>) target(%arg16 : memref<7936xf32, #tpu.memory_space<vmem>>) target_semaphore(%arg22 : memref<!tpu.dma_semaphore, #tpu.memory_space<semaphore_mem>>)
    %dma_wait3A_131 = tpu.memref_slice %arg3[%multiple_of3A_89] : memref<2000000xi32, #tpu.memory_space<hbm>> -> memref<7936xi32, #tpu.memory_space<hbm>>
    %dma_wait3A_132 = tpu.memref_slice %arg3[%multiple_of3A_89] : memref<2000000xi32, #tpu.memory_space<hbm>> -> memref<7936xi32, #tpu.memory_space<hbm>>
    tpu.wait_dma2 semaphore(%arg23 : memref<!tpu.dma_semaphore, #tpu.memory_space<semaphore_mem>>) src(%dma_wait3A_132 : memref<7936xi32, #tpu.memory_space<hbm>>) dst(%arg13 : memref<7936xi32, #tpu.memory_space<vmem>>)
    %dma_wait3A_133 = tpu.memref_slice %arg4[%multiple_of3A_89] : memref<2000000xi32, #tpu.memory_space<hbm>> -> memref<7936xi32, #tpu.memory_space<hbm>>
    %dma_wait3A_134 = tpu.memref_slice %arg4[%multiple_of3A_89] : memref<2000000xi32, #tpu.memory_space<hbm>> -> memref<7936xi32, #tpu.memory_space<hbm>>
    tpu.wait_dma2 semaphore(%arg23 : memref<!tpu.dma_semaphore, #tpu.memory_space<semaphore_mem>>) src(%dma_wait3A_134 : memref<7936xi32, #tpu.memory_space<hbm>>) dst(%arg15 : memref<7936xi32, #tpu.memory_space<vmem>>)
    %dma_wait3A_135 = tpu.memref_slice %arg5[%multiple_of3A_89] : memref<2000000xf32, #tpu.memory_space<hbm>> -> memref<7936xf32, #tpu.memory_space<hbm>>
    %dma_wait3A_136 = tpu.memref_slice %arg5[%multiple_of3A_89] : memref<2000000xf32, #tpu.memory_space<hbm>> -> memref<7936xf32, #tpu.memory_space<hbm>>
    tpu.wait_dma2 semaphore(%arg23 : memref<!tpu.dma_semaphore, #tpu.memory_space<semaphore_mem>>) src(%dma_wait3A_136 : memref<7936xf32, #tpu.memory_space<hbm>>) dst(%arg17 : memref<7936xf32, #tpu.memory_space<vmem>>)
    %dma_wait3A_137 = tpu.memref_slice %arg10[%multiple_of3A_79] : memref<2000000xf32, #tpu.memory_space<hbm>> -> memref<7936xf32, #tpu.memory_space<hbm>>
    %dma_wait3A_138 = tpu.memref_slice %arg10[%multiple_of3A_79] : memref<2000000xf32, #tpu.memory_space<hbm>> -> memref<7936xf32, #tpu.memory_space<hbm>>
    tpu.wait_dma2 semaphore(%arg25 : memref<!tpu.dma_semaphore, #tpu.memory_space<semaphore_mem>>) src(%arg19 : memref<7936xf32, #tpu.memory_space<vmem>>) dst(%dma_wait3A_138 : memref<7936xf32, #tpu.memory_space<hbm>>)
    %parallel_loop3A_139 = arith.constant 0 : i32
    %parallel_loop3A_140 = arith.constant 7936 : i32
    %parallel_loop3A_141 = arith.constant 16 : i32
    scf.for %parallel_loop3A_282 = %parallel_loop3A_139 to %parallel_loop3A_140 step %parallel_loop3A_141  : i32 {
      %parallel_loop3A_283 = arith.index_cast %parallel_loop3A_282 : i32 to index
      %parallel_loop3A_284 = tpu.vector_load %arg13[%parallel_loop3A_283] {strides = array<i32>} : memref<7936xi32, #tpu.memory_space<vmem>>, vector<16xi32>,
      %parallel_loop3A_285 = arith.index_cast %parallel_loop3A_282 : i32 to index
      %parallel_loop3A_286 = tpu.vector_load %arg15[%parallel_loop3A_285] {strides = array<i32>} : memref<7936xi32, #tpu.memory_space<vmem>>, vector<16xi32>,
      %parallel_loop3A_287 = arith.index_cast %parallel_loop3A_282 : i32 to index
      %parallel_loop3A_288 = tpu.vector_load %arg17[%parallel_loop3A_287] {strides = array<i32>} : memref<7936xf32, #tpu.memory_space<vmem>>, vector<16xf32>,
      %parallel_loop3A_289 = vector.broadcast %squeeze3A_5 : i32 to vector<16xi32>
      %parallel_loop3A_290 = arith.andi %parallel_loop3A_284, %parallel_loop3A_289 : vector<16xi32>
      %parallel_loop3A_291 = tpu.vector_load_idx %arg11[%parallel_loop3A_290] : memref<65536xi32, #tpu.memory_space<vmem>>[vector<16xi32>], vector<16xi32>,
      %parallel_loop3A_292 = arith.constant 16 : i32
      %parallel_loop3A_293 = vector.broadcast %parallel_loop3A_292 : i32 to vector<16xi32>
      %parallel_loop3A_294 = arith.shrsi %parallel_loop3A_284, %parallel_loop3A_293 : vector<16xi32>
      %parallel_loop3A_295 = arith.constant 1 : i32
      %parallel_loop3A_296 = vector.broadcast %parallel_loop3A_295 : i32 to vector<16xi32>
      %parallel_loop3A_297 = arith.shli %parallel_loop3A_294, %parallel_loop3A_296 : vector<16xi32>
      %parallel_loop3A_298 = arith.shrsi %parallel_loop3A_291, %parallel_loop3A_297 : vector<16xi32>
      %parallel_loop3A_299 = arith.constant 3 : i32
      %parallel_loop3A_300 = vector.broadcast %parallel_loop3A_299 : i32 to vector<16xi32>
      %parallel_loop3A_301 = arith.andi %parallel_loop3A_298, %parallel_loop3A_300 : vector<16xi32>
      %parallel_loop3A_302 = vector.broadcast %squeeze3A_5 : i32 to vector<16xi32>
      %parallel_loop3A_303 = arith.andi %parallel_loop3A_286, %parallel_loop3A_302 : vector<16xi32>
      %parallel_loop3A_304 = tpu.vector_load_idx %arg11[%parallel_loop3A_303] : memref<65536xi32, #tpu.memory_space<vmem>>[vector<16xi32>], vector<16xi32>,
      %parallel_loop3A_305 = arith.constant 16 : i32
      %parallel_loop3A_306 = vector.broadcast %parallel_loop3A_305 : i32 to vector<16xi32>
      %parallel_loop3A_307 = arith.shrsi %parallel_loop3A_286, %parallel_loop3A_306 : vector<16xi32>
      %parallel_loop3A_308 = arith.constant 1 : i32
      %parallel_loop3A_309 = vector.broadcast %parallel_loop3A_308 : i32 to vector<16xi32>
      %parallel_loop3A_310 = arith.shli %parallel_loop3A_307, %parallel_loop3A_309 : vector<16xi32>
      %parallel_loop3A_311 = arith.shrsi %parallel_loop3A_304, %parallel_loop3A_310 : vector<16xi32>
      %parallel_loop3A_312 = arith.constant 3 : i32
      %parallel_loop3A_313 = vector.broadcast %parallel_loop3A_312 : i32 to vector<16xi32>
      %parallel_loop3A_314 = arith.andi %parallel_loop3A_311, %parallel_loop3A_313 : vector<16xi32>
      %parallel_loop3A_315 = arith.constant 2 : i32
      %parallel_loop3A_316 = vector.broadcast %parallel_loop3A_315 : i32 to vector<16xi32>
      %parallel_loop3A_317 = arith.shli %parallel_loop3A_301, %parallel_loop3A_316 : vector<16xi32>
      %parallel_loop3A_318 = arith.ori %parallel_loop3A_317, %parallel_loop3A_314 : vector<16xi32>
      %parallel_loop3A_319 = tpu.vector_load_idx %arg20[%parallel_loop3A_318] : memref<16xf32, #tpu.memory_space<vmem>>[vector<16xi32>], vector<16xf32>,
      %parallel_loop3A_320 = tpu.vector_load_idx %arg21[%parallel_loop3A_318] : memref<16xf32, #tpu.memory_space<vmem>>[vector<16xi32>], vector<16xf32>,
      %parallel_loop3A_321 = arith.subf %parallel_loop3A_288, %parallel_loop3A_320 : vector<16xf32>
      %parallel_loop3A_322 = arith.mulf %parallel_loop3A_319, %parallel_loop3A_321 : vector<16xf32>
      %parallel_loop3A_323 = arith.mulf %parallel_loop3A_322, %parallel_loop3A_321 : vector<16xf32>
      %parallel_loop3A_324 = arith.index_cast %parallel_loop3A_282 : i32 to index
      %parallel_loop3A_325 = tpu.vector_load %arg19[%parallel_loop3A_324] {strides = array<i32>} : memref<7936xf32, #tpu.memory_space<vmem>>, vector<16xf32>,
      tpu.vector_store %arg19[%parallel_loop3A_324], %parallel_loop3A_323 {strides = array<i32>} : memref<7936xf32, #tpu.memory_space<vmem>>, vector<16xf32>,
    } {sc.loop_unroll_factor = 8 : i64, sc.parallel_access}
    %mul3A_142 = arith.constant 8 : i32
    %mul3A_143 = arith.muli %add3A, %mul3A_142 : i32
    %add3A_144 = arith.constant 3 : i32
    %add3A_145 = arith.addi %mul3A_143, %add3A_144 : i32
    %mul3A_146 = arith.constant 7936 : i32
    %mul3A_147 = arith.muli %add3A_145, %mul3A_146 : i32
    %min3A_148 = arith.minsi %mul3A_147, %squeeze3A : i32
    %multiple_of3A_149 = tpu.assume_multiple %min3A_148, 8 : i32
    %dma_start3A_150 = tpu.memref_slice %arg10[%multiple_of3A_149] : memref<2000000xf32, #tpu.memory_space<hbm>> -> memref<7936xf32, #tpu.memory_space<hbm>>
    %dma_start3A_151 = tpu.memref_slice %arg10[%multiple_of3A_149] : memref<2000000xf32, #tpu.memory_space<hbm>> -> memref<7936xf32, #tpu.memory_space<hbm>>
    tpu.enqueue_dma source(%arg19 : memref<7936xf32, #tpu.memory_space<vmem>>) target(%dma_start3A_151 : memref<7936xf32, #tpu.memory_space<hbm>>) target_semaphore(%arg25 : memref<!tpu.dma_semaphore, #tpu.memory_space<semaphore_mem>>)
    %mul3A_152 = arith.constant 8 : i32
    %mul3A_153 = arith.muli %add3A, %mul3A_152 : i32
    %add3A_154 = arith.constant 5 : i32
    %add3A_155 = arith.addi %mul3A_153, %add3A_154 : i32
    %mul3A_156 = arith.constant 7936 : i32
    %mul3A_157 = arith.muli %add3A_155, %mul3A_156 : i32
    %min3A_158 = arith.minsi %mul3A_157, %squeeze3A : i32
    %multiple_of3A_159 = tpu.assume_multiple %min3A_158, 8 : i32
    %dma_start3A_160 = tpu.memref_slice %arg3[%multiple_of3A_159] : memref<2000000xi32, #tpu.memory_space<hbm>> -> memref<7936xi32, #tpu.memory_space<hbm>>
    %dma_start3A_161 = tpu.memref_slice %arg3[%multiple_of3A_159] : memref<2000000xi32, #tpu.memory_space<hbm>> -> memref<7936xi32, #tpu.memory_space<hbm>>
    tpu.enqueue_dma source(%dma_start3A_161 : memref<7936xi32, #tpu.memory_space<hbm>>) target(%arg13 : memref<7936xi32, #tpu.memory_space<vmem>>) target_semaphore(%arg23 : memref<!tpu.dma_semaphore, #tpu.memory_space<semaphore_mem>>)
    %dma_start3A_162 = tpu.memref_slice %arg4[%multiple_of3A_159] : memref<2000000xi32, #tpu.memory_space<hbm>> -> memref<7936xi32, #tpu.memory_space<hbm>>
    %dma_start3A_163 = tpu.memref_slice %arg4[%multiple_of3A_159] : memref<2000000xi32, #tpu.memory_space<hbm>> -> memref<7936xi32, #tpu.memory_space<hbm>>
    tpu.enqueue_dma source(%dma_start3A_163 : memref<7936xi32, #tpu.memory_space<hbm>>) target(%arg15 : memref<7936xi32, #tpu.memory_space<vmem>>) target_semaphore(%arg23 : memref<!tpu.dma_semaphore, #tpu.memory_space<semaphore_mem>>)
    %dma_start3A_164 = tpu.memref_slice %arg5[%multiple_of3A_159] : memref<2000000xf32, #tpu.memory_space<hbm>> -> memref<7936xf32, #tpu.memory_space<hbm>>
    %dma_start3A_165 = tpu.memref_slice %arg5[%multiple_of3A_159] : memref<2000000xf32, #tpu.memory_space<hbm>> -> memref<7936xf32, #tpu.memory_space<hbm>>
    tpu.enqueue_dma source(%dma_start3A_165 : memref<7936xf32, #tpu.memory_space<hbm>>) target(%arg17 : memref<7936xf32, #tpu.memory_space<vmem>>) target_semaphore(%arg23 : memref<!tpu.dma_semaphore, #tpu.memory_space<semaphore_mem>>)
    %dma_wait3A_166 = tpu.memref_slice %arg3[%multiple_of3A_124] : memref<2000000xi32, #tpu.memory_space<hbm>> -> memref<7936xi32, #tpu.memory_space<hbm>>
    %dma_wait3A_167 = tpu.memref_slice %arg3[%multiple_of3A_124] : memref<2000000xi32, #tpu.memory_space<hbm>> -> memref<7936xi32, #tpu.memory_space<hbm>>
    tpu.wait_dma2 semaphore(%arg22 : memref<!tpu.dma_semaphore, #tpu.memory_space<semaphore_mem>>) src(%dma_wait3A_167 : memref<7936xi32, #tpu.memory_space<hbm>>) dst(%arg12 : memref<7936xi32, #tpu.memory_space<vmem>>)
    %dma_wait3A_168 = tpu.memref_slice %arg4[%multiple_of3A_124] : memref<2000000xi32, #tpu.memory_space<hbm>> -> memref<7936xi32, #tpu.memory_space<hbm>>
    %dma_wait3A_169 = tpu.memref_slice %arg4[%multiple_of3A_124] : memref<2000000xi32, #tpu.memory_space<hbm>> -> memref<7936xi32, #tpu.memory_space<hbm>>
    tpu.wait_dma2 semaphore(%arg22 : memref<!tpu.dma_semaphore, #tpu.memory_space<semaphore_mem>>) src(%dma_wait3A_169 : memref<7936xi32, #tpu.memory_space<hbm>>) dst(%arg14 : memref<7936xi32, #tpu.memory_space<vmem>>)
    %dma_wait3A_170 = tpu.memref_slice %arg5[%multiple_of3A_124] : memref<2000000xf32, #tpu.memory_space<hbm>> -> memref<7936xf32, #tpu.memory_space<hbm>>
    %dma_wait3A_171 = tpu.memref_slice %arg5[%multiple_of3A_124] : memref<2000000xf32, #tpu.memory_space<hbm>> -> memref<7936xf32, #tpu.memory_space<hbm>>
    tpu.wait_dma2 semaphore(%arg22 : memref<!tpu.dma_semaphore, #tpu.memory_space<semaphore_mem>>) src(%dma_wait3A_171 : memref<7936xf32, #tpu.memory_space<hbm>>) dst(%arg16 : memref<7936xf32, #tpu.memory_space<vmem>>)
    %dma_wait3A_172 = tpu.memref_slice %arg10[%multiple_of3A_114] : memref<2000000xf32, #tpu.memory_space<hbm>> -> memref<7936xf32, #tpu.memory_space<hbm>>
    %dma_wait3A_173 = tpu.memref_slice %arg10[%multiple_of3A_114] : memref<2000000xf32, #tpu.memory_space<hbm>> -> memref<7936xf32, #tpu.memory_space<hbm>>
    tpu.wait_dma2 semaphore(%arg24 : memref<!tpu.dma_semaphore, #tpu.memory_space<semaphore_mem>>) src(%arg18 : memref<7936xf32, #tpu.memory_space<vmem>>) dst(%dma_wait3A_173 : memref<7936xf32, #tpu.memory_space<hbm>>)
    %parallel_loop3A_174 = arith.constant 0 : i32
    %parallel_loop3A_175 = arith.constant 7936 : i32
    %parallel_loop3A_176 = arith.constant 16 : i32
    scf.for %parallel_loop3A_282 = %parallel_loop3A_174 to %parallel_loop3A_175 step %parallel_loop3A_176  : i32 {
      %parallel_loop3A_283 = arith.index_cast %parallel_loop3A_282 : i32 to index
      %parallel_loop3A_284 = tpu.vector_load %arg12[%parallel_loop3A_283] {strides = array<i32>} : memref<7936xi32, #tpu.memory_space<vmem>>, vector<16xi32>,
      %parallel_loop3A_285 = arith.index_cast %parallel_loop3A_282 : i32 to index
      %parallel_loop3A_286 = tpu.vector_load %arg14[%parallel_loop3A_285] {strides = array<i32>} : memref<7936xi32, #tpu.memory_space<vmem>>, vector<16xi32>,
      %parallel_loop3A_287 = arith.index_cast %parallel_loop3A_282 : i32 to index
      %parallel_loop3A_288 = tpu.vector_load %arg16[%parallel_loop3A_287] {strides = array<i32>} : memref<7936xf32, #tpu.memory_space<vmem>>, vector<16xf32>,
      %parallel_loop3A_289 = vector.broadcast %squeeze3A_5 : i32 to vector<16xi32>
      %parallel_loop3A_290 = arith.andi %parallel_loop3A_284, %parallel_loop3A_289 : vector<16xi32>
      %parallel_loop3A_291 = tpu.vector_load_idx %arg11[%parallel_loop3A_290] : memref<65536xi32, #tpu.memory_space<vmem>>[vector<16xi32>], vector<16xi32>,
      %parallel_loop3A_292 = arith.constant 16 : i32
      %parallel_loop3A_293 = vector.broadcast %parallel_loop3A_292 : i32 to vector<16xi32>
      %parallel_loop3A_294 = arith.shrsi %parallel_loop3A_284, %parallel_loop3A_293 : vector<16xi32>
      %parallel_loop3A_295 = arith.constant 1 : i32
      %parallel_loop3A_296 = vector.broadcast %parallel_loop3A_295 : i32 to vector<16xi32>
      %parallel_loop3A_297 = arith.shli %parallel_loop3A_294, %parallel_loop3A_296 : vector<16xi32>
      %parallel_loop3A_298 = arith.shrsi %parallel_loop3A_291, %parallel_loop3A_297 : vector<16xi32>
      %parallel_loop3A_299 = arith.constant 3 : i32
      %parallel_loop3A_300 = vector.broadcast %parallel_loop3A_299 : i32 to vector<16xi32>
      %parallel_loop3A_301 = arith.andi %parallel_loop3A_298, %parallel_loop3A_300 : vector<16xi32>
      %parallel_loop3A_302 = vector.broadcast %squeeze3A_5 : i32 to vector<16xi32>
      %parallel_loop3A_303 = arith.andi %parallel_loop3A_286, %parallel_loop3A_302 : vector<16xi32>
      %parallel_loop3A_304 = tpu.vector_load_idx %arg11[%parallel_loop3A_303] : memref<65536xi32, #tpu.memory_space<vmem>>[vector<16xi32>], vector<16xi32>,
      %parallel_loop3A_305 = arith.constant 16 : i32
      %parallel_loop3A_306 = vector.broadcast %parallel_loop3A_305 : i32 to vector<16xi32>
      %parallel_loop3A_307 = arith.shrsi %parallel_loop3A_286, %parallel_loop3A_306 : vector<16xi32>
      %parallel_loop3A_308 = arith.constant 1 : i32
      %parallel_loop3A_309 = vector.broadcast %parallel_loop3A_308 : i32 to vector<16xi32>
      %parallel_loop3A_310 = arith.shli %parallel_loop3A_307, %parallel_loop3A_309 : vector<16xi32>
      %parallel_loop3A_311 = arith.shrsi %parallel_loop3A_304, %parallel_loop3A_310 : vector<16xi32>
      %parallel_loop3A_312 = arith.constant 3 : i32
      %parallel_loop3A_313 = vector.broadcast %parallel_loop3A_312 : i32 to vector<16xi32>
      %parallel_loop3A_314 = arith.andi %parallel_loop3A_311, %parallel_loop3A_313 : vector<16xi32>
      %parallel_loop3A_315 = arith.constant 2 : i32
      %parallel_loop3A_316 = vector.broadcast %parallel_loop3A_315 : i32 to vector<16xi32>
      %parallel_loop3A_317 = arith.shli %parallel_loop3A_301, %parallel_loop3A_316 : vector<16xi32>
      %parallel_loop3A_318 = arith.ori %parallel_loop3A_317, %parallel_loop3A_314 : vector<16xi32>
      %parallel_loop3A_319 = tpu.vector_load_idx %arg20[%parallel_loop3A_318] : memref<16xf32, #tpu.memory_space<vmem>>[vector<16xi32>], vector<16xf32>,
      %parallel_loop3A_320 = tpu.vector_load_idx %arg21[%parallel_loop3A_318] : memref<16xf32, #tpu.memory_space<vmem>>[vector<16xi32>], vector<16xf32>,
      %parallel_loop3A_321 = arith.subf %parallel_loop3A_288, %parallel_loop3A_320 : vector<16xf32>
      %parallel_loop3A_322 = arith.mulf %parallel_loop3A_319, %parallel_loop3A_321 : vector<16xf32>
      %parallel_loop3A_323 = arith.mulf %parallel_loop3A_322, %parallel_loop3A_321 : vector<16xf32>
      %parallel_loop3A_324 = arith.index_cast %parallel_loop3A_282 : i32 to index
      %parallel_loop3A_325 = tpu.vector_load %arg18[%parallel_loop3A_324] {strides = array<i32>} : memref<7936xf32, #tpu.memory_space<vmem>>, vector<16xf32>,
      tpu.vector_store %arg18[%parallel_loop3A_324], %parallel_loop3A_323 {strides = array<i32>} : memref<7936xf32, #tpu.memory_space<vmem>>, vector<16xf32>,
    } {sc.loop_unroll_factor = 8 : i64, sc.parallel_access}
    %mul3A_177 = arith.constant 8 : i32
    %mul3A_178 = arith.muli %add3A, %mul3A_177 : i32
    %add3A_179 = arith.constant 4 : i32
    %add3A_180 = arith.addi %mul3A_178, %add3A_179 : i32
    %mul3A_181 = arith.constant 7936 : i32
    %mul3A_182 = arith.muli %add3A_180, %mul3A_181 : i32
    %min3A_183 = arith.minsi %mul3A_182, %squeeze3A : i32
    %multiple_of3A_184 = tpu.assume_multiple %min3A_183, 8 : i32
    %dma_start3A_185 = tpu.memref_slice %arg10[%multiple_of3A_184] : memref<2000000xf32, #tpu.memory_space<hbm>> -> memref<7936xf32, #tpu.memory_space<hbm>>
    %dma_start3A_186 = tpu.memref_slice %arg10[%multiple_of3A_184] : memref<2000000xf32, #tpu.memory_space<hbm>> -> memref<7936xf32, #tpu.memory_space<hbm>>
    tpu.enqueue_dma source(%arg18 : memref<7936xf32, #tpu.memory_space<vmem>>) target(%dma_start3A_186 : memref<7936xf32, #tpu.memory_space<hbm>>) target_semaphore(%arg24 : memref<!tpu.dma_semaphore, #tpu.memory_space<semaphore_mem>>)
    %mul3A_187 = arith.constant 8 : i32
    %mul3A_188 = arith.muli %add3A, %mul3A_187 : i32
    %add3A_189 = arith.constant 6 : i32
    %add3A_190 = arith.addi %mul3A_188, %add3A_189 : i32
    %mul3A_191 = arith.constant 7936 : i32
    %mul3A_192 = arith.muli %add3A_190, %mul3A_191 : i32
    %min3A_193 = arith.minsi %mul3A_192, %squeeze3A : i32
    %multiple_of3A_194 = tpu.assume_multiple %min3A_193, 8 : i32
    %dma_start3A_195 = tpu.memref_slice %arg3[%multiple_of3A_194] : memref<2000000xi32, #tpu.memory_space<hbm>> -> memref<7936xi32, #tpu.memory_space<hbm>>
    %dma_start3A_196 = tpu.memref_slice %arg3[%multiple_of3A_194] : memref<2000000xi32, #tpu.memory_space<hbm>> -> memref<7936xi32, #tpu.memory_space<hbm>>
    tpu.enqueue_dma source(%dma_start3A_196 : memref<7936xi32, #tpu.memory_space<hbm>>) target(%arg12 : memref<7936xi32, #tpu.memory_space<vmem>>) target_semaphore(%arg22 : memref<!tpu.dma_semaphore, #tpu.memory_space<semaphore_mem>>)
    %dma_start3A_197 = tpu.memref_slice %arg4[%multiple_of3A_194] : memref<2000000xi32, #tpu.memory_space<hbm>> -> memref<7936xi32, #tpu.memory_space<hbm>>
    %dma_start3A_198 = tpu.memref_slice %arg4[%multiple_of3A_194] : memref<2000000xi32, #tpu.memory_space<hbm>> -> memref<7936xi32, #tpu.memory_space<hbm>>
    tpu.enqueue_dma source(%dma_start3A_198 : memref<7936xi32, #tpu.memory_space<hbm>>) target(%arg14 : memref<7936xi32, #tpu.memory_space<vmem>>) target_semaphore(%arg22 : memref<!tpu.dma_semaphore, #tpu.memory_space<semaphore_mem>>)
    %dma_start3A_199 = tpu.memref_slice %arg5[%multiple_of3A_194] : memref<2000000xf32, #tpu.memory_space<hbm>> -> memref<7936xf32, #tpu.memory_space<hbm>>
    %dma_start3A_200 = tpu.memref_slice %arg5[%multiple_of3A_194] : memref<2000000xf32, #tpu.memory_space<hbm>> -> memref<7936xf32, #tpu.memory_space<hbm>>
    tpu.enqueue_dma source(%dma_start3A_200 : memref<7936xf32, #tpu.memory_space<hbm>>) target(%arg16 : memref<7936xf32, #tpu.memory_space<vmem>>) target_semaphore(%arg22 : memref<!tpu.dma_semaphore, #tpu.memory_space<semaphore_mem>>)
    %dma_wait3A_201 = tpu.memref_slice %arg3[%multiple_of3A_159] : memref<2000000xi32, #tpu.memory_space<hbm>> -> memref<7936xi32, #tpu.memory_space<hbm>>
    %dma_wait3A_202 = tpu.memref_slice %arg3[%multiple_of3A_159] : memref<2000000xi32, #tpu.memory_space<hbm>> -> memref<7936xi32, #tpu.memory_space<hbm>>
    tpu.wait_dma2 semaphore(%arg23 : memref<!tpu.dma_semaphore, #tpu.memory_space<semaphore_mem>>) src(%dma_wait3A_202 : memref<7936xi32, #tpu.memory_space<hbm>>) dst(%arg13 : memref<7936xi32, #tpu.memory_space<vmem>>)
    %dma_wait3A_203 = tpu.memref_slice %arg4[%multiple_of3A_159] : memref<2000000xi32, #tpu.memory_space<hbm>> -> memref<7936xi32, #tpu.memory_space<hbm>>
    %dma_wait3A_204 = tpu.memref_slice %arg4[%multiple_of3A_159] : memref<2000000xi32, #tpu.memory_space<hbm>> -> memref<7936xi32, #tpu.memory_space<hbm>>
    tpu.wait_dma2 semaphore(%arg23 : memref<!tpu.dma_semaphore, #tpu.memory_space<semaphore_mem>>) src(%dma_wait3A_204 : memref<7936xi32, #tpu.memory_space<hbm>>) dst(%arg15 : memref<7936xi32, #tpu.memory_space<vmem>>)
    %dma_wait3A_205 = tpu.memref_slice %arg5[%multiple_of3A_159] : memref<2000000xf32, #tpu.memory_space<hbm>> -> memref<7936xf32, #tpu.memory_space<hbm>>
    %dma_wait3A_206 = tpu.memref_slice %arg5[%multiple_of3A_159] : memref<2000000xf32, #tpu.memory_space<hbm>> -> memref<7936xf32, #tpu.memory_space<hbm>>
    tpu.wait_dma2 semaphore(%arg23 : memref<!tpu.dma_semaphore, #tpu.memory_space<semaphore_mem>>) src(%dma_wait3A_206 : memref<7936xf32, #tpu.memory_space<hbm>>) dst(%arg17 : memref<7936xf32, #tpu.memory_space<vmem>>)
    %dma_wait3A_207 = tpu.memref_slice %arg10[%multiple_of3A_149] : memref<2000000xf32, #tpu.memory_space<hbm>> -> memref<7936xf32, #tpu.memory_space<hbm>>
    %dma_wait3A_208 = tpu.memref_slice %arg10[%multiple_of3A_149] : memref<2000000xf32, #tpu.memory_space<hbm>> -> memref<7936xf32, #tpu.memory_space<hbm>>
    tpu.wait_dma2 semaphore(%arg25 : memref<!tpu.dma_semaphore, #tpu.memory_space<semaphore_mem>>) src(%arg19 : memref<7936xf32, #tpu.memory_space<vmem>>) dst(%dma_wait3A_208 : memref<7936xf32, #tpu.memory_space<hbm>>)
    %parallel_loop3A_209 = arith.constant 0 : i32
    %parallel_loop3A_210 = arith.constant 7936 : i32
    %parallel_loop3A_211 = arith.constant 16 : i32
    scf.for %parallel_loop3A_282 = %parallel_loop3A_209 to %parallel_loop3A_210 step %parallel_loop3A_211  : i32 {
      %parallel_loop3A_283 = arith.index_cast %parallel_loop3A_282 : i32 to index
      %parallel_loop3A_284 = tpu.vector_load %arg13[%parallel_loop3A_283] {strides = array<i32>} : memref<7936xi32, #tpu.memory_space<vmem>>, vector<16xi32>,
      %parallel_loop3A_285 = arith.index_cast %parallel_loop3A_282 : i32 to index
      %parallel_loop3A_286 = tpu.vector_load %arg15[%parallel_loop3A_285] {strides = array<i32>} : memref<7936xi32, #tpu.memory_space<vmem>>, vector<16xi32>,
      %parallel_loop3A_287 = arith.index_cast %parallel_loop3A_282 : i32 to index
      %parallel_loop3A_288 = tpu.vector_load %arg17[%parallel_loop3A_287] {strides = array<i32>} : memref<7936xf32, #tpu.memory_space<vmem>>, vector<16xf32>,
      %parallel_loop3A_289 = vector.broadcast %squeeze3A_5 : i32 to vector<16xi32>
      %parallel_loop3A_290 = arith.andi %parallel_loop3A_284, %parallel_loop3A_289 : vector<16xi32>
      %parallel_loop3A_291 = tpu.vector_load_idx %arg11[%parallel_loop3A_290] : memref<65536xi32, #tpu.memory_space<vmem>>[vector<16xi32>], vector<16xi32>,
      %parallel_loop3A_292 = arith.constant 16 : i32
      %parallel_loop3A_293 = vector.broadcast %parallel_loop3A_292 : i32 to vector<16xi32>
      %parallel_loop3A_294 = arith.shrsi %parallel_loop3A_284, %parallel_loop3A_293 : vector<16xi32>
      %parallel_loop3A_295 = arith.constant 1 : i32
      %parallel_loop3A_296 = vector.broadcast %parallel_loop3A_295 : i32 to vector<16xi32>
      %parallel_loop3A_297 = arith.shli %parallel_loop3A_294, %parallel_loop3A_296 : vector<16xi32>
      %parallel_loop3A_298 = arith.shrsi %parallel_loop3A_291, %parallel_loop3A_297 : vector<16xi32>
      %parallel_loop3A_299 = arith.constant 3 : i32
      %parallel_loop3A_300 = vector.broadcast %parallel_loop3A_299 : i32 to vector<16xi32>
      %parallel_loop3A_301 = arith.andi %parallel_loop3A_298, %parallel_loop3A_300 : vector<16xi32>
      %parallel_loop3A_302 = vector.broadcast %squeeze3A_5 : i32 to vector<16xi32>
      %parallel_loop3A_303 = arith.andi %parallel_loop3A_286, %parallel_loop3A_302 : vector<16xi32>
      %parallel_loop3A_304 = tpu.vector_load_idx %arg11[%parallel_loop3A_303] : memref<65536xi32, #tpu.memory_space<vmem>>[vector<16xi32>], vector<16xi32>,
      %parallel_loop3A_305 = arith.constant 16 : i32
      %parallel_loop3A_306 = vector.broadcast %parallel_loop3A_305 : i32 to vector<16xi32>
      %parallel_loop3A_307 = arith.shrsi %parallel_loop3A_286, %parallel_loop3A_306 : vector<16xi32>
      %parallel_loop3A_308 = arith.constant 1 : i32
      %parallel_loop3A_309 = vector.broadcast %parallel_loop3A_308 : i32 to vector<16xi32>
      %parallel_loop3A_310 = arith.shli %parallel_loop3A_307, %parallel_loop3A_309 : vector<16xi32>
      %parallel_loop3A_311 = arith.shrsi %parallel_loop3A_304, %parallel_loop3A_310 : vector<16xi32>
      %parallel_loop3A_312 = arith.constant 3 : i32
      %parallel_loop3A_313 = vector.broadcast %parallel_loop3A_312 : i32 to vector<16xi32>
      %parallel_loop3A_314 = arith.andi %parallel_loop3A_311, %parallel_loop3A_313 : vector<16xi32>
      %parallel_loop3A_315 = arith.constant 2 : i32
      %parallel_loop3A_316 = vector.broadcast %parallel_loop3A_315 : i32 to vector<16xi32>
      %parallel_loop3A_317 = arith.shli %parallel_loop3A_301, %parallel_loop3A_316 : vector<16xi32>
      %parallel_loop3A_318 = arith.ori %parallel_loop3A_317, %parallel_loop3A_314 : vector<16xi32>
      %parallel_loop3A_319 = tpu.vector_load_idx %arg20[%parallel_loop3A_318] : memref<16xf32, #tpu.memory_space<vmem>>[vector<16xi32>], vector<16xf32>,
      %parallel_loop3A_320 = tpu.vector_load_idx %arg21[%parallel_loop3A_318] : memref<16xf32, #tpu.memory_space<vmem>>[vector<16xi32>], vector<16xf32>,
      %parallel_loop3A_321 = arith.subf %parallel_loop3A_288, %parallel_loop3A_320 : vector<16xf32>
      %parallel_loop3A_322 = arith.mulf %parallel_loop3A_319, %parallel_loop3A_321 : vector<16xf32>
      %parallel_loop3A_323 = arith.mulf %parallel_loop3A_322, %parallel_loop3A_321 : vector<16xf32>
      %parallel_loop3A_324 = arith.index_cast %parallel_loop3A_282 : i32 to index
      %parallel_loop3A_325 = tpu.vector_load %arg19[%parallel_loop3A_324] {strides = array<i32>} : memref<7936xf32, #tpu.memory_space<vmem>>, vector<16xf32>,
      tpu.vector_store %arg19[%parallel_loop3A_324], %parallel_loop3A_323 {strides = array<i32>} : memref<7936xf32, #tpu.memory_space<vmem>>, vector<16xf32>,
    } {sc.loop_unroll_factor = 8 : i64, sc.parallel_access}
    %mul3A_212 = arith.constant 8 : i32
    %mul3A_213 = arith.muli %add3A, %mul3A_212 : i32
    %add3A_214 = arith.constant 5 : i32
    %add3A_215 = arith.addi %mul3A_213, %add3A_214 : i32
    %mul3A_216 = arith.constant 7936 : i32
    %mul3A_217 = arith.muli %add3A_215, %mul3A_216 : i32
    %min3A_218 = arith.minsi %mul3A_217, %squeeze3A : i32
    %multiple_of3A_219 = tpu.assume_multiple %min3A_218, 8 : i32
    %dma_start3A_220 = tpu.memref_slice %arg10[%multiple_of3A_219] : memref<2000000xf32, #tpu.memory_space<hbm>> -> memref<7936xf32, #tpu.memory_space<hbm>>
    %dma_start3A_221 = tpu.memref_slice %arg10[%multiple_of3A_219] : memref<2000000xf32, #tpu.memory_space<hbm>> -> memref<7936xf32, #tpu.memory_space<hbm>>
    tpu.enqueue_dma source(%arg19 : memref<7936xf32, #tpu.memory_space<vmem>>) target(%dma_start3A_221 : memref<7936xf32, #tpu.memory_space<hbm>>) target_semaphore(%arg25 : memref<!tpu.dma_semaphore, #tpu.memory_space<semaphore_mem>>)
    %mul3A_222 = arith.constant 8 : i32
    %mul3A_223 = arith.muli %add3A, %mul3A_222 : i32
    %add3A_224 = arith.constant 7 : i32
    %add3A_225 = arith.addi %mul3A_223, %add3A_224 : i32
    %mul3A_226 = arith.constant 7936 : i32
    %mul3A_227 = arith.muli %add3A_225, %mul3A_226 : i32
    %min3A_228 = arith.minsi %mul3A_227, %squeeze3A : i32
    %multiple_of3A_229 = tpu.assume_multiple %min3A_228, 8 : i32
    %dma_start3A_230 = tpu.memref_slice %arg3[%multiple_of3A_229] : memref<2000000xi32, #tpu.memory_space<hbm>> -> memref<7936xi32, #tpu.memory_space<hbm>>
    %dma_start3A_231 = tpu.memref_slice %arg3[%multiple_of3A_229] : memref<2000000xi32, #tpu.memory_space<hbm>> -> memref<7936xi32, #tpu.memory_space<hbm>>
    tpu.enqueue_dma source(%dma_start3A_231 : memref<7936xi32, #tpu.memory_space<hbm>>) target(%arg13 : memref<7936xi32, #tpu.memory_space<vmem>>) target_semaphore(%arg23 : memref<!tpu.dma_semaphore, #tpu.memory_space<semaphore_mem>>)
    %dma_start3A_232 = tpu.memref_slice %arg4[%multiple_of3A_229] : memref<2000000xi32, #tpu.memory_space<hbm>> -> memref<7936xi32, #tpu.memory_space<hbm>>
    %dma_start3A_233 = tpu.memref_slice %arg4[%multiple_of3A_229] : memref<2000000xi32, #tpu.memory_space<hbm>> -> memref<7936xi32, #tpu.memory_space<hbm>>
    tpu.enqueue_dma source(%dma_start3A_233 : memref<7936xi32, #tpu.memory_space<hbm>>) target(%arg15 : memref<7936xi32, #tpu.memory_space<vmem>>) target_semaphore(%arg23 : memref<!tpu.dma_semaphore, #tpu.memory_space<semaphore_mem>>)
    %dma_start3A_234 = tpu.memref_slice %arg5[%multiple_of3A_229] : memref<2000000xf32, #tpu.memory_space<hbm>> -> memref<7936xf32, #tpu.memory_space<hbm>>
    %dma_start3A_235 = tpu.memref_slice %arg5[%multiple_of3A_229] : memref<2000000xf32, #tpu.memory_space<hbm>> -> memref<7936xf32, #tpu.memory_space<hbm>>
    tpu.enqueue_dma source(%dma_start3A_235 : memref<7936xf32, #tpu.memory_space<hbm>>) target(%arg17 : memref<7936xf32, #tpu.memory_space<vmem>>) target_semaphore(%arg23 : memref<!tpu.dma_semaphore, #tpu.memory_space<semaphore_mem>>)
    %dma_wait3A_236 = tpu.memref_slice %arg3[%multiple_of3A_194] : memref<2000000xi32, #tpu.memory_space<hbm>> -> memref<7936xi32, #tpu.memory_space<hbm>>
    %dma_wait3A_237 = tpu.memref_slice %arg3[%multiple_of3A_194] : memref<2000000xi32, #tpu.memory_space<hbm>> -> memref<7936xi32, #tpu.memory_space<hbm>>
    tpu.wait_dma2 semaphore(%arg22 : memref<!tpu.dma_semaphore, #tpu.memory_space<semaphore_mem>>) src(%dma_wait3A_237 : memref<7936xi32, #tpu.memory_space<hbm>>) dst(%arg12 : memref<7936xi32, #tpu.memory_space<vmem>>)
    %dma_wait3A_238 = tpu.memref_slice %arg4[%multiple_of3A_194] : memref<2000000xi32, #tpu.memory_space<hbm>> -> memref<7936xi32, #tpu.memory_space<hbm>>
    %dma_wait3A_239 = tpu.memref_slice %arg4[%multiple_of3A_194] : memref<2000000xi32, #tpu.memory_space<hbm>> -> memref<7936xi32, #tpu.memory_space<hbm>>
    tpu.wait_dma2 semaphore(%arg22 : memref<!tpu.dma_semaphore, #tpu.memory_space<semaphore_mem>>) src(%dma_wait3A_239 : memref<7936xi32, #tpu.memory_space<hbm>>) dst(%arg14 : memref<7936xi32, #tpu.memory_space<vmem>>)
    %dma_wait3A_240 = tpu.memref_slice %arg5[%multiple_of3A_194] : memref<2000000xf32, #tpu.memory_space<hbm>> -> memref<7936xf32, #tpu.memory_space<hbm>>
    %dma_wait3A_241 = tpu.memref_slice %arg5[%multiple_of3A_194] : memref<2000000xf32, #tpu.memory_space<hbm>> -> memref<7936xf32, #tpu.memory_space<hbm>>
    tpu.wait_dma2 semaphore(%arg22 : memref<!tpu.dma_semaphore, #tpu.memory_space<semaphore_mem>>) src(%dma_wait3A_241 : memref<7936xf32, #tpu.memory_space<hbm>>) dst(%arg16 : memref<7936xf32, #tpu.memory_space<vmem>>)
    %dma_wait3A_242 = tpu.memref_slice %arg10[%multiple_of3A_184] : memref<2000000xf32, #tpu.memory_space<hbm>> -> memref<7936xf32, #tpu.memory_space<hbm>>
    %dma_wait3A_243 = tpu.memref_slice %arg10[%multiple_of3A_184] : memref<2000000xf32, #tpu.memory_space<hbm>> -> memref<7936xf32, #tpu.memory_space<hbm>>
    tpu.wait_dma2 semaphore(%arg24 : memref<!tpu.dma_semaphore, #tpu.memory_space<semaphore_mem>>) src(%arg18 : memref<7936xf32, #tpu.memory_space<vmem>>) dst(%dma_wait3A_243 : memref<7936xf32, #tpu.memory_space<hbm>>)
    %parallel_loop3A_244 = arith.constant 0 : i32
    %parallel_loop3A_245 = arith.constant 7936 : i32
    %parallel_loop3A_246 = arith.constant 16 : i32
    scf.for %parallel_loop3A_282 = %parallel_loop3A_244 to %parallel_loop3A_245 step %parallel_loop3A_246  : i32 {
      %parallel_loop3A_283 = arith.index_cast %parallel_loop3A_282 : i32 to index
      %parallel_loop3A_284 = tpu.vector_load %arg12[%parallel_loop3A_283] {strides = array<i32>} : memref<7936xi32, #tpu.memory_space<vmem>>, vector<16xi32>,
      %parallel_loop3A_285 = arith.index_cast %parallel_loop3A_282 : i32 to index
      %parallel_loop3A_286 = tpu.vector_load %arg14[%parallel_loop3A_285] {strides = array<i32>} : memref<7936xi32, #tpu.memory_space<vmem>>, vector<16xi32>,
      %parallel_loop3A_287 = arith.index_cast %parallel_loop3A_282 : i32 to index
      %parallel_loop3A_288 = tpu.vector_load %arg16[%parallel_loop3A_287] {strides = array<i32>} : memref<7936xf32, #tpu.memory_space<vmem>>, vector<16xf32>,
      %parallel_loop3A_289 = vector.broadcast %squeeze3A_5 : i32 to vector<16xi32>
      %parallel_loop3A_290 = arith.andi %parallel_loop3A_284, %parallel_loop3A_289 : vector<16xi32>
      %parallel_loop3A_291 = tpu.vector_load_idx %arg11[%parallel_loop3A_290] : memref<65536xi32, #tpu.memory_space<vmem>>[vector<16xi32>], vector<16xi32>,
      %parallel_loop3A_292 = arith.constant 16 : i32
      %parallel_loop3A_293 = vector.broadcast %parallel_loop3A_292 : i32 to vector<16xi32>
      %parallel_loop3A_294 = arith.shrsi %parallel_loop3A_284, %parallel_loop3A_293 : vector<16xi32>
      %parallel_loop3A_295 = arith.constant 1 : i32
      %parallel_loop3A_296 = vector.broadcast %parallel_loop3A_295 : i32 to vector<16xi32>
      %parallel_loop3A_297 = arith.shli %parallel_loop3A_294, %parallel_loop3A_296 : vector<16xi32>
      %parallel_loop3A_298 = arith.shrsi %parallel_loop3A_291, %parallel_loop3A_297 : vector<16xi32>
      %parallel_loop3A_299 = arith.constant 3 : i32
      %parallel_loop3A_300 = vector.broadcast %parallel_loop3A_299 : i32 to vector<16xi32>
      %parallel_loop3A_301 = arith.andi %parallel_loop3A_298, %parallel_loop3A_300 : vector<16xi32>
      %parallel_loop3A_302 = vector.broadcast %squeeze3A_5 : i32 to vector<16xi32>
      %parallel_loop3A_303 = arith.andi %parallel_loop3A_286, %parallel_loop3A_302 : vector<16xi32>
      %parallel_loop3A_304 = tpu.vector_load_idx %arg11[%parallel_loop3A_303] : memref<65536xi32, #tpu.memory_space<vmem>>[vector<16xi32>], vector<16xi32>,
      %parallel_loop3A_305 = arith.constant 16 : i32
      %parallel_loop3A_306 = vector.broadcast %parallel_loop3A_305 : i32 to vector<16xi32>
      %parallel_loop3A_307 = arith.shrsi %parallel_loop3A_286, %parallel_loop3A_306 : vector<16xi32>
      %parallel_loop3A_308 = arith.constant 1 : i32
      %parallel_loop3A_309 = vector.broadcast %parallel_loop3A_308 : i32 to vector<16xi32>
      %parallel_loop3A_310 = arith.shli %parallel_loop3A_307, %parallel_loop3A_309 : vector<16xi32>
      %parallel_loop3A_311 = arith.shrsi %parallel_loop3A_304, %parallel_loop3A_310 : vector<16xi32>
      %parallel_loop3A_312 = arith.constant 3 : i32
      %parallel_loop3A_313 = vector.broadcast %parallel_loop3A_312 : i32 to vector<16xi32>
      %parallel_loop3A_314 = arith.andi %parallel_loop3A_311, %parallel_loop3A_313 : vector<16xi32>
      %parallel_loop3A_315 = arith.constant 2 : i32
      %parallel_loop3A_316 = vector.broadcast %parallel_loop3A_315 : i32 to vector<16xi32>
      %parallel_loop3A_317 = arith.shli %parallel_loop3A_301, %parallel_loop3A_316 : vector<16xi32>
      %parallel_loop3A_318 = arith.ori %parallel_loop3A_317, %parallel_loop3A_314 : vector<16xi32>
      %parallel_loop3A_319 = tpu.vector_load_idx %arg20[%parallel_loop3A_318] : memref<16xf32, #tpu.memory_space<vmem>>[vector<16xi32>], vector<16xf32>,
      %parallel_loop3A_320 = tpu.vector_load_idx %arg21[%parallel_loop3A_318] : memref<16xf32, #tpu.memory_space<vmem>>[vector<16xi32>], vector<16xf32>,
      %parallel_loop3A_321 = arith.subf %parallel_loop3A_288, %parallel_loop3A_320 : vector<16xf32>
      %parallel_loop3A_322 = arith.mulf %parallel_loop3A_319, %parallel_loop3A_321 : vector<16xf32>
      %parallel_loop3A_323 = arith.mulf %parallel_loop3A_322, %parallel_loop3A_321 : vector<16xf32>
      %parallel_loop3A_324 = arith.index_cast %parallel_loop3A_282 : i32 to index
      %parallel_loop3A_325 = tpu.vector_load %arg18[%parallel_loop3A_324] {strides = array<i32>} : memref<7936xf32, #tpu.memory_space<vmem>>, vector<16xf32>,
      tpu.vector_store %arg18[%parallel_loop3A_324], %parallel_loop3A_323 {strides = array<i32>} : memref<7936xf32, #tpu.memory_space<vmem>>, vector<16xf32>,
    } {sc.loop_unroll_factor = 8 : i64, sc.parallel_access}
    %mul3A_247 = arith.constant 8 : i32
    %mul3A_248 = arith.muli %add3A, %mul3A_247 : i32
    %add3A_249 = arith.constant 6 : i32
    %add3A_250 = arith.addi %mul3A_248, %add3A_249 : i32
    %mul3A_251 = arith.constant 7936 : i32
    %mul3A_252 = arith.muli %add3A_250, %mul3A_251 : i32
    %min3A_253 = arith.minsi %mul3A_252, %squeeze3A : i32
    %multiple_of3A_254 = tpu.assume_multiple %min3A_253, 8 : i32
    %dma_start3A_255 = tpu.memref_slice %arg10[%multiple_of3A_254] : memref<2000000xf32, #tpu.memory_space<hbm>> -> memref<7936xf32, #tpu.memory_space<hbm>>
    %dma_start3A_256 = tpu.memref_slice %arg10[%multiple_of3A_254] : memref<2000000xf32, #tpu.memory_space<hbm>> -> memref<7936xf32, #tpu.memory_space<hbm>>
    tpu.enqueue_dma source(%arg18 : memref<7936xf32, #tpu.memory_space<vmem>>) target(%dma_start3A_256 : memref<7936xf32, #tpu.memory_space<hbm>>) target_semaphore(%arg24 : memref<!tpu.dma_semaphore, #tpu.memory_space<semaphore_mem>>)
    %dma_wait3A_257 = tpu.memref_slice %arg3[%multiple_of3A_229] : memref<2000000xi32, #tpu.memory_space<hbm>> -> memref<7936xi32, #tpu.memory_space<hbm>>
    %dma_wait3A_258 = tpu.memref_slice %arg3[%multiple_of3A_229] : memref<2000000xi32, #tpu.memory_space<hbm>> -> memref<7936xi32, #tpu.memory_space<hbm>>
    tpu.wait_dma2 semaphore(%arg23 : memref<!tpu.dma_semaphore, #tpu.memory_space<semaphore_mem>>) src(%dma_wait3A_258 : memref<7936xi32, #tpu.memory_space<hbm>>) dst(%arg13 : memref<7936xi32, #tpu.memory_space<vmem>>)
    %dma_wait3A_259 = tpu.memref_slice %arg4[%multiple_of3A_229] : memref<2000000xi32, #tpu.memory_space<hbm>> -> memref<7936xi32, #tpu.memory_space<hbm>>
    %dma_wait3A_260 = tpu.memref_slice %arg4[%multiple_of3A_229] : memref<2000000xi32, #tpu.memory_space<hbm>> -> memref<7936xi32, #tpu.memory_space<hbm>>
    tpu.wait_dma2 semaphore(%arg23 : memref<!tpu.dma_semaphore, #tpu.memory_space<semaphore_mem>>) src(%dma_wait3A_260 : memref<7936xi32, #tpu.memory_space<hbm>>) dst(%arg15 : memref<7936xi32, #tpu.memory_space<vmem>>)
    %dma_wait3A_261 = tpu.memref_slice %arg5[%multiple_of3A_229] : memref<2000000xf32, #tpu.memory_space<hbm>> -> memref<7936xf32, #tpu.memory_space<hbm>>
    %dma_wait3A_262 = tpu.memref_slice %arg5[%multiple_of3A_229] : memref<2000000xf32, #tpu.memory_space<hbm>> -> memref<7936xf32, #tpu.memory_space<hbm>>
    tpu.wait_dma2 semaphore(%arg23 : memref<!tpu.dma_semaphore, #tpu.memory_space<semaphore_mem>>) src(%dma_wait3A_262 : memref<7936xf32, #tpu.memory_space<hbm>>) dst(%arg17 : memref<7936xf32, #tpu.memory_space<vmem>>)
    %dma_wait3A_263 = tpu.memref_slice %arg10[%multiple_of3A_219] : memref<2000000xf32, #tpu.memory_space<hbm>> -> memref<7936xf32, #tpu.memory_space<hbm>>
    %dma_wait3A_264 = tpu.memref_slice %arg10[%multiple_of3A_219] : memref<2000000xf32, #tpu.memory_space<hbm>> -> memref<7936xf32, #tpu.memory_space<hbm>>
    tpu.wait_dma2 semaphore(%arg25 : memref<!tpu.dma_semaphore, #tpu.memory_space<semaphore_mem>>) src(%arg19 : memref<7936xf32, #tpu.memory_space<vmem>>) dst(%dma_wait3A_264 : memref<7936xf32, #tpu.memory_space<hbm>>)
    %parallel_loop3A_265 = arith.constant 0 : i32
    %parallel_loop3A_266 = arith.constant 7936 : i32
    %parallel_loop3A_267 = arith.constant 16 : i32
    scf.for %parallel_loop3A_282 = %parallel_loop3A_265 to %parallel_loop3A_266 step %parallel_loop3A_267  : i32 {
      %parallel_loop3A_283 = arith.index_cast %parallel_loop3A_282 : i32 to index
      %parallel_loop3A_284 = tpu.vector_load %arg13[%parallel_loop3A_283] {strides = array<i32>} : memref<7936xi32, #tpu.memory_space<vmem>>, vector<16xi32>,
      %parallel_loop3A_285 = arith.index_cast %parallel_loop3A_282 : i32 to index
      %parallel_loop3A_286 = tpu.vector_load %arg15[%parallel_loop3A_285] {strides = array<i32>} : memref<7936xi32, #tpu.memory_space<vmem>>, vector<16xi32>,
      %parallel_loop3A_287 = arith.index_cast %parallel_loop3A_282 : i32 to index
      %parallel_loop3A_288 = tpu.vector_load %arg17[%parallel_loop3A_287] {strides = array<i32>} : memref<7936xf32, #tpu.memory_space<vmem>>, vector<16xf32>,
      %parallel_loop3A_289 = vector.broadcast %squeeze3A_5 : i32 to vector<16xi32>
      %parallel_loop3A_290 = arith.andi %parallel_loop3A_284, %parallel_loop3A_289 : vector<16xi32>
      %parallel_loop3A_291 = tpu.vector_load_idx %arg11[%parallel_loop3A_290] : memref<65536xi32, #tpu.memory_space<vmem>>[vector<16xi32>], vector<16xi32>,
      %parallel_loop3A_292 = arith.constant 16 : i32
      %parallel_loop3A_293 = vector.broadcast %parallel_loop3A_292 : i32 to vector<16xi32>
      %parallel_loop3A_294 = arith.shrsi %parallel_loop3A_284, %parallel_loop3A_293 : vector<16xi32>
      %parallel_loop3A_295 = arith.constant 1 : i32
      %parallel_loop3A_296 = vector.broadcast %parallel_loop3A_295 : i32 to vector<16xi32>
      %parallel_loop3A_297 = arith.shli %parallel_loop3A_294, %parallel_loop3A_296 : vector<16xi32>
      %parallel_loop3A_298 = arith.shrsi %parallel_loop3A_291, %parallel_loop3A_297 : vector<16xi32>
      %parallel_loop3A_299 = arith.constant 3 : i32
      %parallel_loop3A_300 = vector.broadcast %parallel_loop3A_299 : i32 to vector<16xi32>
      %parallel_loop3A_301 = arith.andi %parallel_loop3A_298, %parallel_loop3A_300 : vector<16xi32>
      %parallel_loop3A_302 = vector.broadcast %squeeze3A_5 : i32 to vector<16xi32>
      %parallel_loop3A_303 = arith.andi %parallel_loop3A_286, %parallel_loop3A_302 : vector<16xi32>
      %parallel_loop3A_304 = tpu.vector_load_idx %arg11[%parallel_loop3A_303] : memref<65536xi32, #tpu.memory_space<vmem>>[vector<16xi32>], vector<16xi32>,
      %parallel_loop3A_305 = arith.constant 16 : i32
      %parallel_loop3A_306 = vector.broadcast %parallel_loop3A_305 : i32 to vector<16xi32>
      %parallel_loop3A_307 = arith.shrsi %parallel_loop3A_286, %parallel_loop3A_306 : vector<16xi32>
      %parallel_loop3A_308 = arith.constant 1 : i32
      %parallel_loop3A_309 = vector.broadcast %parallel_loop3A_308 : i32 to vector<16xi32>
      %parallel_loop3A_310 = arith.shli %parallel_loop3A_307, %parallel_loop3A_309 : vector<16xi32>
      %parallel_loop3A_311 = arith.shrsi %parallel_loop3A_304, %parallel_loop3A_310 : vector<16xi32>
      %parallel_loop3A_312 = arith.constant 3 : i32
      %parallel_loop3A_313 = vector.broadcast %parallel_loop3A_312 : i32 to vector<16xi32>
      %parallel_loop3A_314 = arith.andi %parallel_loop3A_311, %parallel_loop3A_313 : vector<16xi32>
      %parallel_loop3A_315 = arith.constant 2 : i32
      %parallel_loop3A_316 = vector.broadcast %parallel_loop3A_315 : i32 to vector<16xi32>
      %parallel_loop3A_317 = arith.shli %parallel_loop3A_301, %parallel_loop3A_316 : vector<16xi32>
      %parallel_loop3A_318 = arith.ori %parallel_loop3A_317, %parallel_loop3A_314 : vector<16xi32>
      %parallel_loop3A_319 = tpu.vector_load_idx %arg20[%parallel_loop3A_318] : memref<16xf32, #tpu.memory_space<vmem>>[vector<16xi32>], vector<16xf32>,
      %parallel_loop3A_320 = tpu.vector_load_idx %arg21[%parallel_loop3A_318] : memref<16xf32, #tpu.memory_space<vmem>>[vector<16xi32>], vector<16xf32>,
      %parallel_loop3A_321 = arith.subf %parallel_loop3A_288, %parallel_loop3A_320 : vector<16xf32>
      %parallel_loop3A_322 = arith.mulf %parallel_loop3A_319, %parallel_loop3A_321 : vector<16xf32>
      %parallel_loop3A_323 = arith.mulf %parallel_loop3A_322, %parallel_loop3A_321 : vector<16xf32>
      %parallel_loop3A_324 = arith.index_cast %parallel_loop3A_282 : i32 to index
      %parallel_loop3A_325 = tpu.vector_load %arg19[%parallel_loop3A_324] {strides = array<i32>} : memref<7936xf32, #tpu.memory_space<vmem>>, vector<16xf32>,
      tpu.vector_store %arg19[%parallel_loop3A_324], %parallel_loop3A_323 {strides = array<i32>} : memref<7936xf32, #tpu.memory_space<vmem>>, vector<16xf32>,
    } {sc.loop_unroll_factor = 8 : i64, sc.parallel_access}
    %mul3A_268 = arith.constant 8 : i32
    %mul3A_269 = arith.muli %add3A, %mul3A_268 : i32
    %add3A_270 = arith.constant 7 : i32
    %add3A_271 = arith.addi %mul3A_269, %add3A_270 : i32
    %mul3A_272 = arith.constant 7936 : i32
    %mul3A_273 = arith.muli %add3A_271, %mul3A_272 : i32
    %min3A_274 = arith.minsi %mul3A_273, %squeeze3A : i32
    %multiple_of3A_275 = tpu.assume_multiple %min3A_274, 8 : i32
    %dma_start3A_276 = tpu.memref_slice %arg10[%multiple_of3A_275] : memref<2000000xf32, #tpu.memory_space<hbm>> -> memref<7936xf32, #tpu.memory_space<hbm>>
    %dma_start3A_277 = tpu.memref_slice %arg10[%multiple_of3A_275] : memref<2000000xf32, #tpu.memory_space<hbm>> -> memref<7936xf32, #tpu.memory_space<hbm>>
    tpu.enqueue_dma source(%arg19 : memref<7936xf32, #tpu.memory_space<vmem>>) target(%dma_start3A_277 : memref<7936xf32, #tpu.memory_space<hbm>>) target_semaphore(%arg25 : memref<!tpu.dma_semaphore, #tpu.memory_space<semaphore_mem>>)
    %dma_wait3A_278 = tpu.memref_slice %arg10[%multiple_of3A_254] : memref<2000000xf32, #tpu.memory_space<hbm>> -> memref<7936xf32, #tpu.memory_space<hbm>>
    %dma_wait3A_279 = tpu.memref_slice %arg10[%multiple_of3A_254] : memref<2000000xf32, #tpu.memory_space<hbm>> -> memref<7936xf32, #tpu.memory_space<hbm>>
    tpu.wait_dma2 semaphore(%arg24 : memref<!tpu.dma_semaphore, #tpu.memory_space<semaphore_mem>>) src(%arg18 : memref<7936xf32, #tpu.memory_space<vmem>>) dst(%dma_wait3A_279 : memref<7936xf32, #tpu.memory_space<hbm>>)
    %dma_wait3A_280 = tpu.memref_slice %arg10[%multiple_of3A_275] : memref<2000000xf32, #tpu.memory_space<hbm>> -> memref<7936xf32, #tpu.memory_space<hbm>>
    %dma_wait3A_281 = tpu.memref_slice %arg10[%multiple_of3A_275] : memref<2000000xf32, #tpu.memory_space<hbm>> -> memref<7936xf32, #tpu.memory_space<hbm>>
    tpu.wait_dma2 semaphore(%arg25 : memref<!tpu.dma_semaphore, #tpu.memory_space<semaphore_mem>>) src(%arg19 : memref<7936xf32, #tpu.memory_space<vmem>>) dst(%dma_wait3A_281 : memref<7936xf32, #tpu.memory_space<hbm>>)
    return
  }
}

module attributes {stable_mosaic.version = 14 : i64} {
  func.func @_pack_body(%arg0: i32, %arg1: memref<32768xi32, #tpu.memory_space<vmem>>, %arg2: memref<32768xi32, #tpu.memory_space<vmem>>, %arg3: memref<32768xi32, #tpu.memory_space<vmem>>, %arg4: memref<32768xi32, #tpu.memory_space<vmem>>, %arg5: memref<32768xi32, #tpu.memory_space<vmem>>, %arg6: memref<32768xi32, #tpu.memory_space<vmem>>, %arg7: memref<32768xi32, #tpu.memory_space<vmem>>, %arg8: memref<32768xi32, #tpu.memory_space<vmem>>, %arg9: memref<32768xi32, #tpu.memory_space<vmem>>, %arg10: memref<32768xi32, #tpu.memory_space<vmem>>, %arg11: memref<32768xi32, #tpu.memory_space<vmem>>, %arg12: memref<32768xi32, #tpu.memory_space<vmem>>, %arg13: memref<32768xi32, #tpu.memory_space<vmem>>, %arg14: memref<32768xi32, #tpu.memory_space<vmem>>, %arg15: memref<32768xi32, #tpu.memory_space<vmem>>, %arg16: memref<32768xi32, #tpu.memory_space<vmem>>, %arg17: memref<32768xi32, #tpu.memory_space<vmem>>) attributes {dimension_semantics = [#tpu.dimension_semantics<arbitrary>], iteration_bounds = array<i64: 2>, scalar_prefetch = 0 : i64, scratch_operands = 0 : i64, tpu.core_type = #tpu.core_type<tc>, window_params = [{transform_indices = @transform_0, window_bounds = array<i64: 32768>}, {transform_indices = @transform_1, window_bounds = array<i64: 32768>}, {transform_indices = @transform_2, window_bounds = array<i64: 32768>}, {transform_indices = @transform_3, window_bounds = array<i64: 32768>}, {transform_indices = @transform_4, window_bounds = array<i64: 32768>}, {transform_indices = @transform_5, window_bounds = array<i64: 32768>}, {transform_indices = @transform_6, window_bounds = array<i64: 32768>}, {transform_indices = @transform_7, window_bounds = array<i64: 32768>}, {transform_indices = @transform_8, window_bounds = array<i64: 32768>}, {transform_indices = @transform_9, window_bounds = array<i64: 32768>}, {transform_indices = @transform_10, window_bounds = array<i64: 32768>}, {transform_indices = @transform_11, window_bounds = array<i64: 32768>}, {transform_indices = @transform_12, window_bounds = array<i64: 32768>}, {transform_indices = @transform_13, window_bounds = array<i64: 32768>}, {transform_indices = @transform_14, window_bounds = array<i64: 32768>}, {transform_indices = @transform_15, window_bounds = array<i64: 32768>}, {transform_indices = @transform_16, window_bounds = array<i64: 32768>}]} {
    %get3A = arith.constant 0 : index
    %get3A_0 = vector.load %arg1[%get3A] : memref<32768xi32, #tpu.memory_space<vmem>>, vector<32768xi32>
    %get3A_1 = arith.constant 0 : index
    %get3A_2 = vector.load %arg2[%get3A_1] : memref<32768xi32, #tpu.memory_space<vmem>>, vector<32768xi32>
    %shift_left3A = arith.constant 2 : i32
    %shift_left3A_3 = vector.broadcast %shift_left3A : i32 to vector<32768xi32>
    %shift_left3A_4 = arith.shli %get3A_2, %shift_left3A_3 : vector<32768xi32>
    %or3A = arith.ori %get3A_0, %shift_left3A_4 : vector<32768xi32>
    %get3A_5 = arith.constant 0 : index
    %get3A_6 = vector.load %arg3[%get3A_5] : memref<32768xi32, #tpu.memory_space<vmem>>, vector<32768xi32>
    %shift_left3A_7 = arith.constant 4 : i32
    %shift_left3A_8 = vector.broadcast %shift_left3A_7 : i32 to vector<32768xi32>
    %shift_left3A_9 = arith.shli %get3A_6, %shift_left3A_8 : vector<32768xi32>
    %or3A_10 = arith.ori %or3A, %shift_left3A_9 : vector<32768xi32>
    %get3A_11 = arith.constant 0 : index
    %get3A_12 = vector.load %arg4[%get3A_11] : memref<32768xi32, #tpu.memory_space<vmem>>, vector<32768xi32>
    %shift_left3A_13 = arith.constant 6 : i32
    %shift_left3A_14 = vector.broadcast %shift_left3A_13 : i32 to vector<32768xi32>
    %shift_left3A_15 = arith.shli %get3A_12, %shift_left3A_14 : vector<32768xi32>
    %or3A_16 = arith.ori %or3A_10, %shift_left3A_15 : vector<32768xi32>
    %get3A_17 = arith.constant 0 : index
    %get3A_18 = vector.load %arg5[%get3A_17] : memref<32768xi32, #tpu.memory_space<vmem>>, vector<32768xi32>
    %shift_left3A_19 = arith.constant 8 : i32
    %shift_left3A_20 = vector.broadcast %shift_left3A_19 : i32 to vector<32768xi32>
    %shift_left3A_21 = arith.shli %get3A_18, %shift_left3A_20 : vector<32768xi32>
    %or3A_22 = arith.ori %or3A_16, %shift_left3A_21 : vector<32768xi32>
    %get3A_23 = arith.constant 0 : index
    %get3A_24 = vector.load %arg6[%get3A_23] : memref<32768xi32, #tpu.memory_space<vmem>>, vector<32768xi32>
    %shift_left3A_25 = arith.constant 10 : i32
    %shift_left3A_26 = vector.broadcast %shift_left3A_25 : i32 to vector<32768xi32>
    %shift_left3A_27 = arith.shli %get3A_24, %shift_left3A_26 : vector<32768xi32>
    %or3A_28 = arith.ori %or3A_22, %shift_left3A_27 : vector<32768xi32>
    %get3A_29 = arith.constant 0 : index
    %get3A_30 = vector.load %arg7[%get3A_29] : memref<32768xi32, #tpu.memory_space<vmem>>, vector<32768xi32>
    %shift_left3A_31 = arith.constant 12 : i32
    %shift_left3A_32 = vector.broadcast %shift_left3A_31 : i32 to vector<32768xi32>
    %shift_left3A_33 = arith.shli %get3A_30, %shift_left3A_32 : vector<32768xi32>
    %or3A_34 = arith.ori %or3A_28, %shift_left3A_33 : vector<32768xi32>
    %get3A_35 = arith.constant 0 : index
    %get3A_36 = vector.load %arg8[%get3A_35] : memref<32768xi32, #tpu.memory_space<vmem>>, vector<32768xi32>
    %shift_left3A_37 = arith.constant 14 : i32
    %shift_left3A_38 = vector.broadcast %shift_left3A_37 : i32 to vector<32768xi32>
    %shift_left3A_39 = arith.shli %get3A_36, %shift_left3A_38 : vector<32768xi32>
    %or3A_40 = arith.ori %or3A_34, %shift_left3A_39 : vector<32768xi32>
    %get3A_41 = arith.constant 0 : index
    %get3A_42 = vector.load %arg9[%get3A_41] : memref<32768xi32, #tpu.memory_space<vmem>>, vector<32768xi32>
    %shift_left3A_43 = arith.constant 16 : i32
    %shift_left3A_44 = vector.broadcast %shift_left3A_43 : i32 to vector<32768xi32>
    %shift_left3A_45 = arith.shli %get3A_42, %shift_left3A_44 : vector<32768xi32>
    %or3A_46 = arith.ori %or3A_40, %shift_left3A_45 : vector<32768xi32>
    %get3A_47 = arith.constant 0 : index
    %get3A_48 = vector.load %arg10[%get3A_47] : memref<32768xi32, #tpu.memory_space<vmem>>, vector<32768xi32>
    %shift_left3A_49 = arith.constant 18 : i32
    %shift_left3A_50 = vector.broadcast %shift_left3A_49 : i32 to vector<32768xi32>
    %shift_left3A_51 = arith.shli %get3A_48, %shift_left3A_50 : vector<32768xi32>
    %or3A_52 = arith.ori %or3A_46, %shift_left3A_51 : vector<32768xi32>
    %get3A_53 = arith.constant 0 : index
    %get3A_54 = vector.load %arg11[%get3A_53] : memref<32768xi32, #tpu.memory_space<vmem>>, vector<32768xi32>
    %shift_left3A_55 = arith.constant 20 : i32
    %shift_left3A_56 = vector.broadcast %shift_left3A_55 : i32 to vector<32768xi32>
    %shift_left3A_57 = arith.shli %get3A_54, %shift_left3A_56 : vector<32768xi32>
    %or3A_58 = arith.ori %or3A_52, %shift_left3A_57 : vector<32768xi32>
    %get3A_59 = arith.constant 0 : index
    %get3A_60 = vector.load %arg12[%get3A_59] : memref<32768xi32, #tpu.memory_space<vmem>>, vector<32768xi32>
    %shift_left3A_61 = arith.constant 22 : i32
    %shift_left3A_62 = vector.broadcast %shift_left3A_61 : i32 to vector<32768xi32>
    %shift_left3A_63 = arith.shli %get3A_60, %shift_left3A_62 : vector<32768xi32>
    %or3A_64 = arith.ori %or3A_58, %shift_left3A_63 : vector<32768xi32>
    %get3A_65 = arith.constant 0 : index
    %get3A_66 = vector.load %arg13[%get3A_65] : memref<32768xi32, #tpu.memory_space<vmem>>, vector<32768xi32>
    %shift_left3A_67 = arith.constant 24 : i32
    %shift_left3A_68 = vector.broadcast %shift_left3A_67 : i32 to vector<32768xi32>
    %shift_left3A_69 = arith.shli %get3A_66, %shift_left3A_68 : vector<32768xi32>
    %or3A_70 = arith.ori %or3A_64, %shift_left3A_69 : vector<32768xi32>
    %get3A_71 = arith.constant 0 : index
    %get3A_72 = vector.load %arg14[%get3A_71] : memref<32768xi32, #tpu.memory_space<vmem>>, vector<32768xi32>
    %shift_left3A_73 = arith.constant 26 : i32
    %shift_left3A_74 = vector.broadcast %shift_left3A_73 : i32 to vector<32768xi32>
    %shift_left3A_75 = arith.shli %get3A_72, %shift_left3A_74 : vector<32768xi32>
    %or3A_76 = arith.ori %or3A_70, %shift_left3A_75 : vector<32768xi32>
    %get3A_77 = arith.constant 0 : index
    %get3A_78 = vector.load %arg15[%get3A_77] : memref<32768xi32, #tpu.memory_space<vmem>>, vector<32768xi32>
    %shift_left3A_79 = arith.constant 28 : i32
    %shift_left3A_80 = vector.broadcast %shift_left3A_79 : i32 to vector<32768xi32>
    %shift_left3A_81 = arith.shli %get3A_78, %shift_left3A_80 : vector<32768xi32>
    %or3A_82 = arith.ori %or3A_76, %shift_left3A_81 : vector<32768xi32>
    %get3A_83 = arith.constant 0 : index
    %get3A_84 = vector.load %arg16[%get3A_83] : memref<32768xi32, #tpu.memory_space<vmem>>, vector<32768xi32>
    %shift_left3A_85 = arith.constant 30 : i32
    %shift_left3A_86 = vector.broadcast %shift_left3A_85 : i32 to vector<32768xi32>
    %shift_left3A_87 = arith.shli %get3A_84, %shift_left3A_86 : vector<32768xi32>
    %or3A_88 = arith.ori %or3A_82, %shift_left3A_87 : vector<32768xi32>
    %swap3A = arith.constant 0 : index
    %swap3A_89 = vector.load %arg17[%swap3A] : memref<32768xi32, #tpu.memory_space<vmem>>, vector<32768xi32>
    tpu.vector_store %arg17[%swap3A], %or3A_88 {strides = array<i32>} : memref<32768xi32, #tpu.memory_space<vmem>>, vector<32768xi32>,
    return
  }
  func.func @transform_0(%arg0: i32) -> i32 {
    %add3A = arith.constant 0 : i32
    %add3A_0 = arith.addi %add3A, %arg0 : i32
    %c0_i32 = arith.constant 0 : i32
    return %add3A_0 : i32
  }
  func.func @transform_1(%arg0: i32) -> i32 {
    %add3A = arith.constant 2 : i32
    %add3A_0 = arith.addi %add3A, %arg0 : i32
    %c0_i32 = arith.constant 0 : i32
    return %add3A_0 : i32
  }
  func.func @transform_2(%arg0: i32) -> i32 {
    %add3A = arith.constant 4 : i32
    %add3A_0 = arith.addi %add3A, %arg0 : i32
    %c0_i32 = arith.constant 0 : i32
    return %add3A_0 : i32
  }
  func.func @transform_3(%arg0: i32) -> i32 {
    %add3A = arith.constant 6 : i32
    %add3A_0 = arith.addi %add3A, %arg0 : i32
    %c0_i32 = arith.constant 0 : i32
    return %add3A_0 : i32
  }
  func.func @transform_4(%arg0: i32) -> i32 {
    %add3A = arith.constant 8 : i32
    %add3A_0 = arith.addi %add3A, %arg0 : i32
    %c0_i32 = arith.constant 0 : i32
    return %add3A_0 : i32
  }
  func.func @transform_5(%arg0: i32) -> i32 {
    %add3A = arith.constant 10 : i32
    %add3A_0 = arith.addi %add3A, %arg0 : i32
    %c0_i32 = arith.constant 0 : i32
    return %add3A_0 : i32
  }
  func.func @transform_6(%arg0: i32) -> i32 {
    %add3A = arith.constant 12 : i32
    %add3A_0 = arith.addi %add3A, %arg0 : i32
    %c0_i32 = arith.constant 0 : i32
    return %add3A_0 : i32
  }
  func.func @transform_7(%arg0: i32) -> i32 {
    %add3A = arith.constant 14 : i32
    %add3A_0 = arith.addi %add3A, %arg0 : i32
    %c0_i32 = arith.constant 0 : i32
    return %add3A_0 : i32
  }
  func.func @transform_8(%arg0: i32) -> i32 {
    %add3A = arith.constant 16 : i32
    %add3A_0 = arith.addi %add3A, %arg0 : i32
    %c0_i32 = arith.constant 0 : i32
    return %add3A_0 : i32
  }
  func.func @transform_9(%arg0: i32) -> i32 {
    %add3A = arith.constant 18 : i32
    %add3A_0 = arith.addi %add3A, %arg0 : i32
    %c0_i32 = arith.constant 0 : i32
    return %add3A_0 : i32
  }
  func.func @transform_10(%arg0: i32) -> i32 {
    %add3A = arith.constant 20 : i32
    %add3A_0 = arith.addi %add3A, %arg0 : i32
    %c0_i32 = arith.constant 0 : i32
    return %add3A_0 : i32
  }
  func.func @transform_11(%arg0: i32) -> i32 {
    %add3A = arith.constant 22 : i32
    %add3A_0 = arith.addi %add3A, %arg0 : i32
    %c0_i32 = arith.constant 0 : i32
    return %add3A_0 : i32
  }
  func.func @transform_12(%arg0: i32) -> i32 {
    %add3A = arith.constant 24 : i32
    %add3A_0 = arith.addi %add3A, %arg0 : i32
    %c0_i32 = arith.constant 0 : i32
    return %add3A_0 : i32
  }
  func.func @transform_13(%arg0: i32) -> i32 {
    %add3A = arith.constant 26 : i32
    %add3A_0 = arith.addi %add3A, %arg0 : i32
    %c0_i32 = arith.constant 0 : i32
    return %add3A_0 : i32
  }
  func.func @transform_14(%arg0: i32) -> i32 {
    %add3A = arith.constant 28 : i32
    %add3A_0 = arith.addi %add3A, %arg0 : i32
    %c0_i32 = arith.constant 0 : i32
    return %add3A_0 : i32
  }
  func.func @transform_15(%arg0: i32) -> i32 {
    %add3A = arith.constant 0 : i32
    %add3A_0 = arith.addi %add3A, %arg0 : i32
    %c0_i32 = arith.constant 0 : i32
    return %add3A_0 : i32
  }
  func.func @transform_16(%arg0: i32) -> i32 {
    %c0_i32 = arith.constant 0 : i32
    return %arg0 : i32
  }
}

</mosaic_0001>

<sc_bundles>
// kernel: kernel.4.cloned.1.call-start
scs
__scs_entry_jumppad:
0x0: {  	(pc) =	sbr.rel $0x88, $3  }
0x1: {  	(tag) =	ssettag $0x0;
	lr =	simm.s32 $0x1  }
0x2: {  	[smem:$0x3F9B] =	sst lr;
	_ =	strace $0xD0000000  }
0x3: {  	_ = 	snop  }
0x4: {  	_ = 	snop  }
0x5: {  	_ = 	snop  }
0x6: {  	_ = 	snop  }
0x7: {  	_ = 	snop  }
__scs_overlays_trampoline_lowered:
0x8: {  	[smem:$0x3FAA] =	sst s0  }
0x9: {  	[smem:$0x3FAB] =	sst s1  }
0xa: {  	[smem:$0x3FAC] =	sst s2  }
0xb: {  	[smem:$0x3FAD] =	sst s3  }
0xc: {  	[smem:$0x3FAE] =	sst s4  }
0xd: {  	[smem:$0x3FAF] =	sst s5  }
0xe: {  	[smem:$0x3FB0] =	sst s6  }
0xf: {  	[smem:$0x3FB1] =	sst s7  }
0x10: {  	[smem:$0x3FB2] =	sst s8  }
0x11: {  	[smem:$0x3FB3] =	sst s9;
	s0 =	simm.s32 @!p0 $0x0  }
0x12: {  	s1 =	sld [smem:$0x3F99];
	s0 =	simm.s32 @p0 $0x1  }
0x13: {  	[smem:$0x3FB4] =	sst s0;
	s0 =	simm.s32 @!p1 $0x0  }
0x14: {  	s2 =	sld [smem:$0x3F98];
	s0 =	simm.s32 @p1 $0x1  }
0x15: {  	[smem:$0x3FB5] =	sst s0;
	s0 =	simm.s32 @!p2 $0x0  }
0x16: {  	s3 =	sld [smem:$0x3FDB];
	s0 =	simm.s32 @p2 $0x1  }
0x17: {  	s4 =	simm.s32 $0x1BF5;
	[smem:$0x3FB7] =	sst s0  }
0x18: {  	s0 =	sld [smem:$0x3F9A];
	_ =	swait.ge [sflag:s4], $0x0  }
0x19: {  	s7 =	sld [smem:$0x3F9B]  }
0x1a: {  	s8 =	sadd.s32 $0xFFFFE003, lr  }
0x1b: {  	s9 =	sadd.s32 $0xFFFFFEF7, lr;
	s5 =	simm.s32 $0xFFFFFFFF;
	p2 =	slt.u32 s8, $0xFFFFF086  }
0x1c: {  	p1 =	slt.u32 s9, $0xF7A;
	s5 =	simm.s32 @!p2 $0x0  }
0x1d: {  	s5 =	simm.s32 @p1 $0x1;
	p0 =	seq.s32 s7, s2  }
0x1e: {  	s7 =	smul.u32 @!p0 $0xF7A, s2;
	p2 =	seq.s32 @!p0 s5, $0x0  }
0x1f: {  	s9 =	smul.u32 $0xF7A, s1;
	s8 =	simm.s32 @!p0 $0x1BF5;
	p2 =	por !p2, p0  }
0x20: {  	[sflag:s8] =	ssyncset.s32 @!p0 $0xFFFFF086;
	s6 =	sadd.s32 @!p0 s3, s7;
	s7 =	simm.s32 @!p0 $0x108  }
0x21: {  	s3 =	sadd.s32 s3, s9;
	s6 =	sadd.s32 @!p0 $0x88, s6;
	s7 =	simm.s32 @p2 $0x1082  }
0x22: {  	[simem:s7], [sflag:s8] =	dma.local @!p0 [hbm:s6], $0xF7A  }
0x23: {  	s9 =	sor.u32 $0xD0000000, s2;
	s6 =	simm.s32 $0x108;
	_ =	swait.ge @!p0 [sflag:s8], $0x0  }
0x24: {  	s3 =	sadd.s32 $0x88, s3;
	s6 =	simm.s32 @!p1 $0x1082;
	[sflag:s4] =	ssyncset.s32 $0xFFFFF086  }
0x25: {  	[simem:s6], [sflag:s4] =	dma.local [hbm:s3], $0xF7A  }
0x26: {  	[smem:$0x3F9B] =	sst s1;
	(tag) =	ssettag s2;
	_ =	strace s9  }
0x27: {  	s1 =	sld [smem:$0x3FAB]  }
0x28: {  	s2 =	sld [smem:$0x3FAC]  }
0x29: {  	s4 =	sld [smem:$0x3FAE]  }
0x2a: {  	p0 =	seq.s32 s5, $0x0;
	s5 =	sld [smem:$0x3FAF]  }
0x2b: {  	s6 =	sld [smem:$0x3FB0]  }
0x2c: {  	s7 =	sld [smem:$0x3FB1]  }
0x2d: {  	s3 =	simm.s32 $0x108;
	s8 =	sld [smem:$0x3FB2]  }
0x2e: {  	s3 =	simm.s32 @!p0 $0x1082;
	s9 =	sld [smem:$0x3FB3]  }
0x2f: {  	lr =	sadd.s32 s0, s3;
	s0 =	sld [smem:$0x3FAA]  }
0x30: {  	s3 =	sld [smem:$0x3FAD]  }
0x31: {  	[smem:$0x3FB6] =	sst s10  }
0x32: {  	s10 =	sld [smem:$0x3FB4];
	_ =	sdelay $0x3  }
0x33: {  	p0 =	seq.s32 s10, $0x1;
	s10 =	sld [smem:$0x3FB6];
	_ =	sdelay $0x3  }
0x34: {  	[smem:$0x3FB6] =	sst s10  }
0x35: {  	s10 =	sld [smem:$0x3FB5];
	_ =	sdelay $0x3  }
0x36: {  	p1 =	seq.s32 s10, $0x1;
	s10 =	sld [smem:$0x3FB6];
	_ =	sdelay $0x3  }
0x37: {  	[smem:$0x3FB6] =	sst s10  }
0x38: {  	s10 =	sld [smem:$0x3FB7]  }
0x39: {  	_ = 	snop;
	(pc) =	sbr.ind lr, $3  }
0x3a: {  	_ = 	snop  }
0x3b: {  	_ = 	snop  }
0x3c: {  	p2 =	seq.s32 s10, $0x1;
	s10 =	sld [smem:$0x3FB6]  }
0x3d: {  	_ =	shalt  }
0x3e: {  	_ =	shalt  }
0x3f: {  	_ =	shalt  }
0x40: {  	_ =	shalt  }
0x41: {  	_ =	shalt  }
0x42: {  	_ =	shalt  }
0x43: {  	_ =	shalt  }
0x44: {  	_ =	shalt  }
0x45: {  	_ =	shalt  }
0x46: {  	_ =	shalt  }
0x47: {  	_ =	shalt  }
0x48: {  	_ =	shalt  }
0x49: {  	_ =	shalt  }
0x4a: {  	_ =	shalt  }
0x4b: {  	_ =	shalt  }
0x4c: {  	_ =	shalt  }
0x4d: {  	_ =	shalt  }
0x4e: {  	_ =	shalt  }
0x4f: {  	_ =	shalt  }
0x50: {  	_ =	shalt  }
0x51: {  	_ =	shalt  }
0x52: {  	_ =	shalt  }
0x53: {  	_ =	shalt  }
0x54: {  	_ =	shalt  }
0x55: {  	_ =	shalt  }
0x56: {  	_ =	shalt  }
0x57: {  	_ =	shalt  }
0x58: {  	_ =	shalt  }
0x59: {  	_ =	shalt  }
0x5a: {  	_ =	shalt  }
0x5b: {  	_ =	shalt  }
0x5c: {  	_ =	shalt  }
0x5d: {  	_ =	shalt  }
0x5e: {  	_ =	shalt  }
0x5f: {  	_ =	shalt  }
0x60: {  	_ =	shalt  }
0x61: {  	_ =	shalt  }
0x62: {  	_ =	shalt  }
0x63: {  	_ =	shalt  }
0x64: {  	_ =	shalt  }
0x65: {  	_ =	shalt  }
0x66: {  	_ =	shalt  }
0x67: {  	_ =	shalt  }
0x68: {  	_ =	shalt  }
0x69: {  	_ =	shalt  }
0x6a: {  	_ =	shalt  }
0x6b: {  	_ =	shalt  }
0x6c: {  	_ =	shalt  }
0x6d: {  	_ =	shalt  }
0x6e: {  	_ =	shalt  }
0x6f: {  	_ =	shalt  }
0x70: {  	_ =	shalt  }
0x71: {  	_ =	shalt  }
0x72: {  	_ =	shalt  }
0x73: {  	_ =	shalt  }
0x74: {  	_ =	shalt  }
0x75: {  	_ =	shalt  }
0x76: {  	_ =	shalt  }
0x77: {  	_ =	shalt  }
0x78: {  	_ =	shalt  }
0x79: {  	_ =	shalt  }
0x7a: {  	_ =	shalt  }
0x7b: {  	_ =	shalt  }
0x7c: {  	_ =	shalt  }
0x7d: {  	_ =	shalt  }
0x7e: {  	_ =	shalt  }
0x7f: {  	_ =	shalt  }
0x80: {  	_ =	shalt  }
0x81: {  	_ =	shalt  }
0x82: {  	_ =	shalt  }
0x83: {  	_ =	shalt  }
0x84: {  	_ =	shalt  }
0x85: {  	_ =	shalt  }
0x86: {  	_ =	shalt  }
0x87: {  	_ =	shalt  }
.Lfunc_end0:
.L_simem_size_0:
called_computation_lowered:
.L_overlay_start_0:
0x88: {  	s2 =	sld [smem:$0x3FD9]  }
0x89: {  	s3 =	sld [smem:$0x3FFE];
	_ =	sdelay $0x1  }
0x8a: {  	s1 =	srdreg.scid  }
0x8b: {  	s0 =	sand.u32 $0x1, s1  }
0x8c: {  	s17 =	sshll.u32 s0, $0xA;
	s2 =	sadd.s32 s3, s2  }
0x8d: {  	s2 =	sadd.s32 s2, s17  }
0x8e: {  	[smem:$0x3FC2] =	sst s2  }
0x8f: {  	_ = 	snop  }
0x90: {  	s2 =	sld [smem:$0x3FC8]  }
0x91: {  	s18 =	sld [smem:$0x3FC7]  }
0x92: {  	s4 =	sld [smem:$0x3FC6]  }
0x93: {  	s5 =	sld [smem:$0x3FD0];
	(tm) =	ssettm $0x1  }
0x94: {  	s6 =	sld [smem:$0x3FFB];
	_ =	sdelay $0x3  }
0x95: {  	_ =	strace s6  }
0x96: {  	s6 =	sld [smem:$0x3FFC];
	_ =	sdelay $0x3  }
0x97: {  	_ =	strace s6  }
0x98: {  	s6 =	sld [smem:$0x3FFD];
	_ =	sdelay $0x3  }
0x99: {  	_ =	strace s6  }
0x9a: {  	_ =	strace $0x8FFFFFFF  }
0x9b: {  	s19 =	sld [smem:$0x3FDB];
	_ =	sdelay $0x1  }
0x9c: {  	s7 =	simm.s32 $_scs_section_size  }
0x9d: {  	s8 =	simm.s32 $_size__tile_overlayer_lowered;
	s9 =	simm.s32 $_tile_overlayer_lowered  }
0x9e: {  	s22 =	simm.s32 $0x1BFF;
	s21 =	sshll.u32 s9, $0x1;
	s6 =	sadd.s32 s7, s19  }
0x9f: {  	s10 =	simm.s32 $0x0;
	s20 =	sshll.u32 s8, $0x1;
	s8 =	sadd.s32 s21, s6  }
0xa0: {  	[timem:s10], [sflag:s22] =	dma.local [hbm:s8], s20  }
0xa1: {  	_ =	swait.ge [sflag:s22], s20  }
0xa2: {  	s7 =	ssub.s32 $0x0, s20;
	[sflag:s22] =	ssyncset.done $0x0  }
0xa3: {  	[sflag:s22] =	ssyncadd.s32 s7;
	_ =	sdelay $0x1  }
0xa4: {  	s23 =	simm.s32 $0x1B8B  }
0xa5: {  	_ =	swait.ge [sflag:s23], $0x1  }
0xa6: {  	[sflag:s23] =	ssyncset.done $0x0  }
0xa7: {  	s25 =	simm.s32 $0x1B8E;
	s24 =	sld [smem:$0x3FFE];
	[sflag:s23] =	ssyncadd.s32 $0xFFFFFFFF  }
0xa8: {  	s26 =	simm.s32 $execute0_lowered;
	[smem:$0x3FD2] =	sst s25  }
0xa9: {  	s8 =	sshll.u32 s26, $0x1;
	_ =	strace $0x80000046;
	[dreg:$0x1] =	wrdreg $0xFFFFFFFF  }
0xaa: {  	s28 =	simm.s32 $_size_execute0_lowered;
	s6 =	sadd.s32 s6, s8;
	[dreg:$0x0] =	wrdreg $0x0  }
0xab: {  	s8 =	sshll.u32 s28, $0x1;
	[dreg:$0x2] =	wrdreg s6  }
0xac: {  	[dreg:$0x3] =	wrdreg s8  }
0xad: {  	[dreg:$0x4] =	wrdreg $0xC0  }
0xae: {  	_ =	task [dreg:s10], $0x5FFFF  }
0xaf: {  	[dreg:$0x1] =	wrdreg $0xFFFFFFFF  }
0xb0: {  	[dreg:$0x0] =	wrdreg $0x60  }
0xb1: {  	[dreg:$0x2] =	wrdreg s24  }
0xb2: {  	[dreg:$0x3] =	wrdreg s2  }
0xb3: {  	[dreg:$0x4] =	wrdreg s18  }
0xb4: {  	[dreg:$0x5] =	wrdreg s4  }
0xb5: {  	[dreg:$0x6] =	wrdreg s5  }
0xb6: {  	[dreg:$0x7] =	wrdreg $0x9  }
0xb7: {  	_ =	task.clear_ibuf [dreg:s10], $0x8FFFF;
	_ =	strace $0x90000046  }
0xb8: {  	s29 =	simm.s32 $0x9;
	_ =	strace $0x80000048  }
0xb9: {  	_ =	swait.ge [sflag:s29], $0x1  }
0xba: {  	[sflag:s29] =	ssyncadd.s32 $0xFFFFFFFF  }
0xbb: {  	_ =	strace $0x90000048  }
0xbc: {  	_ =	sfence  }
0xbd: {  	s30 =	sld [smem:$0x0];
	_ =	sdelay $0x2  }
0xbe: {  	s31 =	sshll.u32 s1, $0xD;
	s1 =	sshrl.u32 s1, $0x2  }
0xbf: {  	s3 =	sand.u32 $0x4000, s31;
	s1 =	sadd.s32 s1, s30  }
0xc0: {  	s0 =	sor.u32 s3, s0;
	s1 =	sshll.u32 s1, $0x11  }
0xc1: {  	s0 =	sor.u32 s1, s0  }
0xc2: {  	s0 =	sadd.s32 $0x8F2B, s0  }
0xc3: {  	[sflag:s0] =	ssyncadd.remote.s32 $0x1  }
0xc4: {  	_ =	sfence.sel $0xFFFF  }
0xc5: {  	[dreg:$0x0] =	wrdreg $0xFFFFFFFF;
	(pc) =	sbr.abs _section_cstart, $3  }
0xc6: {  	[dreg:$0x1] =	wrdreg $0xFFFFFFFF  }
0xc7: {  	_ =	task.clear_ibuf [dreg:s10], $0x2FFFF;
	_ =	strace $0x9FFFFFFF  }
0xc8: {  	(tm) =	ssettm $0x7FFFFFFF  }
0xc9: {  	_ =	shalt  }
tec
execute0_lowered:
.L_overlay_start_1:
0x0: {  	(tag) =	ssettag $0x1  }
0x1: {  	s0 =	rddreg [dreg:$0x0]  }
0x2: {  	s1 =	rddreg [dreg:$0x1]  }
0x3: {  	s2 =	rddreg [dreg:$0x2]  }
0x4: {  	s3 =	rddreg [dreg:$0x3]  }
0x5: {  	s4 =	rddreg [dreg:$0x4];
	s6 =	simm.s32 $0x0;
	s5 =	srdreg.scid  }
0x6: {  	s7 =	stileid.u32;
	s23 =	simm.s32 $0x5;
	s31 =	simm.s32 $0x1F800  }
0x7: {  	s21 =	simm.s32 $0x1BA00;
	s22 =	simm.s32 $0x2;
	s9 =	simm.s32 $0x4  }
0x8: {  	s11 =	simm.s32 $0x0;
	[smem:$0x7FF] =	sst s6;
	s8 =	sadd.s32 $0xC00, s0  }
0x9: {  	s26 =	sadd.s32 $0xA00, s0;
	_ =	strace $0x80000047;
	[dreg:$0x6] =	wrdreg s8  }
0xa: {  	s5 =	sand.u32 $0x1, s5;
	s28 =	sadd.s32 $0x800, s0;
	[dreg:$0x7] =	wrdreg s26  }
0xb: {  	s7 =	sshll.u32 s7, $0x1;
	s29 =	sadd.s32 $0x2C00, s0;
	[dreg:$0x8] =	wrdreg s28  }
0xc: {  	s0 =	sadd.s32 $0x2E00, s0;
	s7 =	sor.u32 s5, s7;
	[dreg:$0x9] =	wrdreg s29  }
0xd: {  	s5 =	ssub.s32 $0x2, s5;
	[dreg:$0xa] =	wrdreg s0;
	s10 =	smul.u32 $0xF800, s7  }
0xe: {  	s8 =	simm.s32 $0x3;
	s30 =	sshrl.u32 s5, $0x1;
	s7 =	simm.s32 $0x1D900  }
0xf: {  	s0 =	ssub.s32 s5, s30;
	s5 =	simm.s32 $0x1;
	s13 =	sadd.s32 $0x1F00, s10  }
0x10: {  	s14 =	sadd.s32 $0x3E00, s10;
	s15 =	sadd.s32 $0x5D00, s10;
	s16 =	sadd.s32 $0x7C00, s10  }
0x11: {  	s17 =	sadd.s32 $0x9B00, s10;
	s18 =	sadd.s32 $0xBA00, s10;
	s0 =	smax.u32 s0, $0x1  }
0x12: {  	s19 =	sadd.s32 $0xD900, s10;
	[dreg:$0xb] =	wrdreg s0;
	s0 =	simm.s32 $0x1F880  }
.LBB2_1:
0x13: {  	s12 =	rddreg [dreg:$0x9];
	s20 =	simm.s32 $0x1F900  }
0x14: {  	[tilespmem:s20], [sflag:$0x5] =	stream.linear.gather [hbm4b:s12+s6], $0x1, $0x38;
	[tilespmem:$0x1FA00] =	vst v63  }
0x15: {  	s24 =	simm.s32 $0x1F980;
	s20 =	rddreg [dreg:$0xa]  }
0x16: {  	[tilespmem:s24], [sflag:$0x5] =	stream.linear.gather [hbm4b:s20+s6], $0x1, $0x38;
	[tilespmem:$0x1FA00] =	vst v63  }
0x17: {  	_ =	swait.ge [sflag:s23], $0x1  }
0x18: {  	[sflag:s23] =	ssyncset.done $0x0  }
0x19: {  	[sflag:s23] =	ssyncadd.s32 $0xFFFFFFFF  }
0x1a: {  	_ =	swait.ge [sflag:s23], $0x1  }
0x1b: {  	[sflag:s23] =	ssyncset.done $0x0  }
0x1c: {  	[sflag:s23] =	ssyncadd.s32 $0xFFFFFFFF  }
0x1d: {  	v0 =	vld [tilespmem:$0x1F900];
	_ =	sdelay $0x4  }
0x1e: {  	(v2sf) =	vpush v0, $0x0;
	_ =	sdelay $0xe  }
0x1f: {  	s12 =	spop (v2sf)  }
0x20: {  	p0 =	slt.s32 s10, s12;
	s20 =	smov.u32 s12  }
0x21: {  	s20 =	smov.u32 @p0 s10  }
0x22: {  	s24 =	sshrl.u32 s20, $0x3  }
0x23: {  	s25 =	simm.s32 $0x10000;
	s20 =	sadd.s32 s1, s24  }
0x24: {  	v0 =	vld.msk [tilespmem:$0x1F980 ss:$0x0], $0xffff;
	[tilespmem:s25], [sflag:$0x1] =	stream.linear.gather [hbm4b:s20+s6], $0x1F00, $0x38  }
0x25: {  	p0 =	slt.s32 s13, s12;
	s20 =	smov.u32 s12  }
0x26: {  	s26 =	simm.s32 $0x13E00;
	s25 =	sadd.s32 s2, s24;
	s20 =	smov.u32 @p0 s13  }
0x27: {  	[tilespmem:s26], [sflag:$0x1] =	stream.linear.gather [hbm4b:s25+s6], $0x1F00, $0x38;
	[tilespmem:$0x1FA00] =	vst v63  }
0x28: {  	s25 =	sadd.s32 s3, s24;
	s26 =	simm.s32 $0x17C00;
	s20 =	sshrl.u32 s20, $0x3  }
0x29: {  	[tilespmem:s26], [sflag:$0x1] =	stream.linear.gather [hbm4b:s25+s6], $0x1F00, $0x38;
	[tilespmem:$0x1FA00] =	vst v63  }
0x2a: {  	s25 =	sadd.s32 s1, s20;
	s26 =	simm.s32 $0x11F00  }
0x2b: {  	[tilespmem:s26], [sflag:$0x2] =	stream.linear.gather [hbm4b:s25+s6], $0x1F00, $0x38;
	[tilespmem:$0x1FA00] =	vst v63  }
0x2c: {  	s25 =	sadd.s32 s2, s20;
	s26 =	simm.s32 $0x15D00  }
0x2d: {  	[tilespmem:s26], [sflag:$0x2] =	stream.linear.gather [hbm4b:s25+s6], $0x1F00, $0x38;
	[tilespmem:$0x1FA00] =	vst v63  }
0x2e: {  	s25 =	sadd.s32 s3, s20;
	s26 =	simm.s32 $0x19B00  }
0x2f: {  	[tilespmem:s26], [sflag:$0x2] =	stream.linear.gather [hbm4b:s25+s6], $0x1F00, $0x38;
	[tilespmem:$0x1FA00] =	vst v63  }
0x30: {  	s26 =	rddreg [dreg:$0x6]  }
0x31: {  	[tilespmem:s6], [sflag:$0x5] =	stream.linear.gather [hbm4b:s26+s6], $0x10000, $0x38;
	[tilespmem:$0x1FA00] =	vst v63  }
0x32: {  	_ =	swait.ge [sflag:s23], $0x10000  }
0x33: {  	[sflag:s23] =	ssyncset.done $0x0  }
0x34: {  	s26 =	rddreg [dreg:$0x7];
	[sflag:s23] =	ssyncadd.s32 $0xFFFF0000  }
0x35: {  	[tilespmem:s31], [sflag:$0x5] =	stream.linear.gather [hbm4b:s26+s6], $0x80, $0x38;
	[tilespmem:$0x1FA00] =	vst v63  }
0x36: {  	_ =	swait.ge [sflag:s23], $0x80  }
0x37: {  	[sflag:s23] =	ssyncset.done $0x0  }
0x38: {  	s26 =	rddreg [dreg:$0x8];
	[sflag:s23] =	ssyncadd.s32 $0xFFFFFF80  }
0x39: {  	[tilespmem:s0], [sflag:$0x5] =	stream.linear.gather [hbm4b:s26+s6], $0x80, $0x38;
	[tilespmem:$0x1FA00] =	vst v63  }
0x3a: {  	_ =	swait.ge [sflag:s23], $0x80  }
0x3b: {  	[sflag:s23] =	ssyncset.done $0x0  }
0x3c: {  	[sflag:s23] =	ssyncadd.s32 $0xFFFFFF80  }
0x3d: {  	_ =	swait.ge [sflag:s5], $0x1F00  }
0x3e: {  	[sflag:s5] =	ssyncset.done $0x0  }
0x3f: {  	[sflag:s5] =	ssyncadd.s32 $0xFFFFE100  }
0x40: {  	_ =	swait.ge [sflag:s5], $0x1F00  }
0x41: {  	[sflag:s5] =	ssyncset.done $0x0  }
0x42: {  	[sflag:s5] =	ssyncadd.s32 $0xFFFFE100  }
0x43: {  	_ =	swait.ge [sflag:s5], $0x1F00  }
0x44: {  	[sflag:s5] =	ssyncset.done $0x0  }
0x45: {  	s26 =	simm.s32 $0x10040;
	[sflag:s5] =	ssyncadd.s32 $0xFFFFE100  }
0x46: {  	s25 =	simm.s32 $0x13E40;
	v1 =	vld [tilespmem:s26+$0x30]  }
0x47: {  	v2 =	vld [tilespmem:s25+$0x30]  }
0x48: {  	v3 =	vld [tilespmem:s26+$0xFFFFFFD0]  }
0x49: {  	v4 =	vld [tilespmem:s26+$0xFFFFFFE0]  }
0x4a: {  	v5 =	vld [tilespmem:s26+$0xFFFFFFF0]  }
0x4b: {  	v6 =	vld [tilespmem:s26+$0x0]  }
0x4c: {  	v8 =	vld [tilespmem:s26+$0x10]  }
0x4d: {  	v10 =	vld [tilespmem:s26+$0x20]  }
0x4e: {  	v11 =	vld [tilespmem:s26+$0xFFFFFFC0]  }
0x4f: {  	v12 =	vld [tilespmem:s25+$0xFFFFFFC0]  }
0x50: {  	v15 =	vld [tilespmem:s25+$0xFFFFFFD0]  }
0x51: {  	v18 =	vld [tilespmem:s25+$0xFFFFFFE0]  }
0x52: {  	v20 =	vld [tilespmem:s25+$0xFFFFFFF0];
	v7 =	vand.u32 v0, v1  }
0x53: {  	v21 =	vld [tilespmem:s25+$0x0];
	v9 =	vand.u32 v0, v2  }
0x54: {  	v22 =	vld [tilespmem:s25+$0x10];
	v13 =	vand.u32 v0, v3;
	v3 =	vshra.s32 v3, $0xF;
	v14 =	vshra.s32 v4, $0xF  }
0x55: {  	v23 =	vld [tilespmem:s25+$0x20];
	s26 =	simm.s32 $0x17C40;
	v4 =	vand.u32 v0, v4;
	v16 =	vand.u32 v0, v5;
	v5 =	vshra.s32 v5, $0xF  }
0x56: {  	v51 =	vld [tilespmem:s26+$0xFFFFFFC0];
	v17 =	vand.u32 v0, v11;
	v19 =	vand.u32 v0, v6;
	v1 =	vshra.s32 v1, $0xF  }
0x57: {  	v6 =	vshra.s32 v6, $0xF;
	v2 =	vshra.s32 v2, $0xF;
	v46 =	vshra.s32 v10, $0xF;
	v7 =	vld.idx.msk [tilespmem:v7+s6+$0x0], $0xffff  }
0x58: {  	v47 =	vand.u32 v0, v12;
	v12 =	vshra.s32 v12, $0xF;
	v24 =	vand.u32 v0, v15;
	v9 =	vld.idx.msk [tilespmem:v9+s6+$0x0], $0xffff  }
0x59: {  	v52 =	vld [tilespmem:s26+$0xFFFFFFF0];
	v25 =	vand.u32 v0, v18;
	v15 =	vshra.s32 v15, $0xF;
	v26 =	vand.u32 v0, v20  }
0x5a: {  	v53 =	vld [tilespmem:s26+$0x0];
	v18 =	vshra.s32 v18, $0xF;
	v20 =	vshra.s32 v20, $0xF;
	v27 =	vand.u32 v0, v21  }
0x5b: {  	v54 =	vld [tilespmem:s26+$0x10];
	v21 =	vshra.s32 v21, $0xF;
	v29 =	vand.u32 v0, v22;
	v1 =	vand.u32 $0xFFFFFFFE, v1  }
0x5c: {  	v22 =	vshra.s32 v22, $0xF;
	v2 =	vand.u32 $0xFFFFFFFE, v2;
	v13 =	vld.idx.msk [tilespmem:v13+s6+$0x0], $0xffff;
	v1 =	vshra.s32 v7, v1  }
0x5d: {  	v3 =	vand.u32 $0xFFFFFFFE, v3;
	v4 =	vld.idx.msk [tilespmem:v4+s6+$0x0], $0xffff;
	v2 =	vshra.s32 v9, v2;
	v1 =	vshll.u32 v1, $0x2  }
0x5e: {  	v16 =	vld.idx.msk [tilespmem:v16+s6+$0x0], $0xffff;
	v7 =	vand.u32 v0, v8;
	v2 =	vand.u32 $0x3, v2;
	v1 =	vand.u32 $0xC, v1  }
0x5f: {  	v14 =	vand.u32 $0xFFFFFFFE, v14;
	v19 =	vld.idx.msk [tilespmem:v19+s6+$0x0], $0xffff;
	v1 =	vor.u32 v2, v1;
	v2 =	vand.u32 v0, v10  }
0x60: {  	v62 =	vld [tilespmem:s26+$0x20];
	v5 =	vand.u32 $0xFFFFFFFE, v5;
	v6 =	vand.u32 $0xFFFFFFFE, v6;
	v12 =	vand.u32 $0xFFFFFFFE, v12  }
0x61: {  	v15 =	vand.u32 $0xFFFFFFFE, v15;
	v18 =	vand.u32 $0xFFFFFFFE, v18;
	v20 =	vand.u32 $0xFFFFFFFE, v20;
	v9 =	vld.idx.msk [tilespmem:v17+s6+$0x0], $0xffff  }
0x62: {  	v21 =	vand.u32 $0xFFFFFFFE, v21;
	v22 =	vand.u32 $0xFFFFFFFE, v22;
	v8 =	vshra.s32 v8, $0xF;
	v17 =	vld.idx.msk [tilespmem:v47+s6+$0x0], $0xffff  }
0x63: {  	v3 =	vshra.s32 v13, v3;
	v13 =	vand.u32 v0, v23;
	v23 =	vshra.s32 v23, $0xF;
	v7 =	vld.idx.msk [tilespmem:v7+s6+$0x0], $0xffff  }
0x64: {  	v4 =	vshra.s32 v4, v14;
	v5 =	vshra.s32 v16, v5;
	v6 =	vshra.s32 v19, v6;
	v2 =	vld.idx.msk [tilespmem:v2+s6+$0x0], $0xffff  }
0x65: {  	v48 =	vld.idx.msk [tilespmem:v25+s6+$0x0], $0xffff;
	v8 =	vand.u32 $0xFFFFFFFE, v8;
	v23 =	vand.u32 $0xFFFFFFFE, v23;
	v10 =	vshra.s32 v11, $0xF  }
0x66: {  	v14 =	vld.idx.msk [tilespmem:v24+s6+$0x0], $0xffff;
	v3 =	vshll.u32 v3, $0x2;
	v4 =	vshll.u32 v4, $0x2;
	v10 =	vand.u32 $0xFFFFFFFE, v10  }
0x67: {  	v49 =	vld.idx.msk [tilespmem:v26+s6+$0x0], $0xffff;
	v5 =	vshll.u32 v5, $0x2;
	v6 =	vshll.u32 v6, $0x2;
	v9 =	vshra.s32 v9, v10  }
0x68: {  	v50 =	vld.idx.msk [tilespmem:v29+s6+$0x0], $0xffff;
	v3 =	vand.u32 $0xC, v3;
	v11 =	vand.u32 $0xFFFFFFFE, v46;
	v9 =	vshll.u32 v9, $0x2  }
0x69: {  	v7 =	vshra.s32 v7, v8;
	v8 =	vld.idx.msk [tilespmem:v27+s6+$0x0], $0xffff;
	v2 =	vshra.s32 v2, v11;
	v11 =	vshra.s32 v17, v12  }
0x6a: {  	v4 =	vand.u32 $0xC, v4;
	v10 =	vld [tilespmem:s26+$0x30];
	v9 =	vand.u32 $0xC, v9;
	v11 =	vand.u32 $0x3, v11  }
0x6b: {  	v5 =	vand.u32 $0xC, v5;
	v12 =	vld.idx.msk [tilespmem:v13+s6+$0x0], $0xffff;
	v13 =	vshra.s32 v14, v15;
	v9 =	vor.u32 v11, v9  }
0x6c: {  	v6 =	vand.u32 $0xC, v6;
	v28 =	vld.idx.msk [tilespmem:v1+s0+$0x0], $0xffff;
	v11 =	vand.u32 $0x3, v13;
	v13 =	vshra.s32 v48, v18  }
0x6d: {  	v1 =	vld.idx.msk [tilespmem:v1+s31+$0x0], $0xffff;
	v3 =	vor.u32 v11, v3;
	v11 =	vand.u32 $0x3, v13;
	v13 =	vshra.s32 v49, v20  }
0x6e: {  	v14 =	vld [tilespmem:s26+$0xFFFFFFD0];
	v8 =	vshra.s32 v8, v21;
	v4 =	vor.u32 v11, v4;
	v11 =	vand.u32 $0x3, v13  }
0x6f: {  	v15 =	vld [tilespmem:s26+$0xFFFFFFE0];
	v8 =	vand.u32 $0x3, v8;
	v5 =	vor.u32 v11, v5;
	v11 =	vshra.s32 v50, v22  }
0x70: {  	v8 =	vor.u32 v8, v6;
	v6 =	vand.u32 $0x3, v11;
	v11 =	vshra.s32 v12, v23;
	v12 =	vld.idx.msk [tilespmem:v9+s0+$0x0], $0xffff  }
0x71: {  	v7 =	vshll.u32 v7, $0x2;
	v63 =	vld.idx.msk [tilespmem:v9+s31+$0x0], $0xffff  }
0x72: {  	v7 =	vand.u32 $0xC, v7;
	v2 =	vshll.u32 v2, $0x2;
	v56 =	vld.idx.msk [tilespmem:v3+s0+$0x0], $0xffff  }
0x73: {  	v2 =	vand.u32 $0xC, v2;
	v55 =	vor.u32 v6, v7;
	v6 =	vand.u32 $0x3, v11;
	v13 =	vld.idx.msk [tilespmem:v3+s31+$0x0], $0xffff  }
0x74: {  	v57 =	vor.u32 v6, v2;
	v2 =	vld.idx.msk [tilespmem:v4+s0+$0x0], $0xffff  }
0x75: {  	v59 =	vld.idx.msk [tilespmem:v8+s0+$0x0], $0xffff  }
0x76: {  	v11 =	vld.idx.msk [tilespmem:v4+s31+$0x0], $0xffff  }
0x77: {  	v58 =	vld.idx.msk [tilespmem:v5+s0+$0x0], $0xffff  }
0x78: {  	v6 =	vsub.f32 v10, v28;
	v60 =	vld.idx.msk [tilespmem:v55+s0+$0x0], $0xffff  }
0x79: {  	v61 =	vld.idx.msk [tilespmem:v57+s0+$0x0], $0xffff  }
0x7a: {  	v10 =	vld.idx.msk [tilespmem:v8+s31+$0x0], $0xffff;
	v1 =	vmul.f32 v6, v1  }
0x7b: {  	v7 =	vsub.f32 v51, v12;
	v12 =	vld.idx.msk [tilespmem:v5+s31+$0x0], $0xffff  }
0x7c: {  	v1 =	vmul.f32 v1, v6;
	v9 =	vld.idx.msk [tilespmem:v55+s31+$0x0], $0xffff;
	v6 =	vsub.f32 v14, v56;
	v5 =	vsub.f32 v15, v2  }
0x7d: {  	s28 =	simm.s32 $0x1BA40;
	v8 =	vld.idx.msk [tilespmem:v57+s31+$0x0], $0xffff;
	v3 =	vsub.f32 v53, v59;
	v4 =	vsub.f32 v52, v58  }
0x7e: {  	s29 =	simm.s32 $0x0;
	s30 =	simm.s32 $0x100C0;
	[tilespmem:s28+$0x30] =	vst v1;
	v14 =	vmul.f32 v7, v63;
	v2 =	vsub.f32 v54, v60;
	v1 =	vsub.f32 v62, v61  }
.LBB2_2:
0x7f: {  	v15 =	vld [tilespmem:s30+$0x30];
	s29 =	sadd.s32 $0x80, s29;
	v13 =	vmul.f32 v6, v13;
	s25 =	sadd.s32 $0x80, s25  }
0x80: {  	v11 =	vmul.f32 v5, v11;
	v16 =	vld [tilespmem:s25+$0x30];
	p0 =	slt.u32 s29, $0x1E80;
	v7 =	vmul.f32 v14, v7  }
0x81: {  	v12 =	vmul.f32 v4, v12;
	v14 =	vld [tilespmem:s30+$0xFFFFFFD0];
	v6 =	vmul.f32 v13, v6  }
0x82: {  	v5 =	vmul.f32 v11, v5;
	v13 =	vld [tilespmem:s30+$0xFFFFFFE0];
	[tilespmem:s28+$0xFFFFFFC0] =	vst v7;
	v7 =	vmul.f32 v3, v10  }
0x83: {  	v4 =	vmul.f32 v12, v4;
	v10 =	vld [tilespmem:s30+$0xFFFFFFF0];
	[tilespmem:s28+$0xFFFFFFD0] =	vst v6;
	v6 =	vmul.f32 v2, v9  }
0x84: {  	v9 =	vld [tilespmem:s30+$0x0];
	v11 =	vand.u32 v0, v15;
	[tilespmem:s28+$0xFFFFFFE0] =	vst v5;
	v3 =	vmul.f32 v7, v3;
	v5 =	vmul.f32 v1, v8  }
0x85: {  	v7 =	vld [tilespmem:s30+$0x10];
	v8 =	vand.u32 v0, v16;
	[tilespmem:s28+$0xFFFFFFF0] =	vst v4;
	v2 =	vmul.f32 v6, v2  }
0x86: {  	v4 =	vand.u32 v0, v14;
	v6 =	vshra.s32 v14, $0xF;
	v12 =	vld [tilespmem:s30+$0x20];
	[tilespmem:s28+$0x0] =	vst v3;
	v1 =	vmul.f32 v5, v1  }
0x87: {  	v3 =	vld [tilespmem:s30+$0xFFFFFFC0];
	v5 =	vand.u32 $0xFFFFFFFE, v6;
	v6 =	vand.u32 v0, v13;
	v13 =	vshra.s32 v13, $0xF;
	[tilespmem:s28+$0x10] =	vst v2  }
0x88: {  	v2 =	vld [tilespmem:s25+$0xFFFFFFC0];
	v13 =	vand.u32 $0xFFFFFFFE, v13;
	v14 =	vand.u32 v0, v10;
	v10 =	vshra.s32 v10, $0xF;
	[tilespmem:s28+$0x20] =	vst v1  }
0x89: {  	v1 =	vand.u32 $0xFFFFFFFE, v10;
	v10 =	vand.u32 v0, v9;
	v9 =	vshra.s32 v9, $0xF;
	v11 =	vld.idx.msk [tilespmem:v11+s6+$0x0], $0xffff  }
0x8a: {  	v9 =	vand.u32 $0xFFFFFFFE, v9;
	v17 =	vand.u32 v0, v7;
	v7 =	vshra.s32 v7, $0xF;
	v8 =	vld.idx.msk [tilespmem:v8+s6+$0x0], $0xffff  }
0x8b: {  	v18 =	vld [tilespmem:s25+$0xFFFFFFD0];
	v7 =	vand.u32 $0xFFFFFFFE, v7;
	v19 =	vand.u32 v0, v12;
	v12 =	vshra.s32 v12, $0xF  }
0x8c: {  	v20 =	vand.u32 v0, v3;
	v3 =	vshra.s32 v3, $0xF;
	v21 =	vld [tilespmem:s25+$0xFFFFFFE0];
	v12 =	vand.u32 $0xFFFFFFFE, v12  }
0x8d: {  	v15 =	vshra.s32 v15, $0xF;
	v3 =	vand.u32 $0xFFFFFFFE, v3;
	v22 =	vand.u32 v0, v2;
	v23 =	vld [tilespmem:s25+$0xFFFFFFF0]  }
0x8e: {  	v15 =	vand.u32 $0xFFFFFFFE, v15;
	v16 =	vshra.s32 v16, $0xF;
	v2 =	vshra.s32 v2, $0xF;
	v24 =	vld [tilespmem:s25+$0x0]  }
0x8f: {  	v2 =	vand.u32 $0xFFFFFFFE, v2;
	v11 =	vshra.s32 v11, v15;
	v15 =	vand.u32 $0xFFFFFFFE, v16;
	v25 =	vld [tilespmem:s25+$0x10]  }
0x90: {  	v8 =	vshra.s32 v8, v15;
	v11 =	vshll.u32 v11, $0x2;
	v16 =	vand.u32 v0, v18;
	v26 =	vld [tilespmem:s25+$0x20]  }
0x91: {  	v8 =	vand.u32 $0x3, v8;
	v11 =	vand.u32 $0xC, v11;
	v15 =	vld.idx.msk [tilespmem:v20+s6+$0x0], $0xffff;
	v20 =	vand.u32 v0, v21  }
0x92: {  	v18 =	vshra.s32 v18, $0xF;
	v8 =	vor.u32 v8, v11;
	v4 =	vld.idx.msk [tilespmem:v4+s6+$0x0], $0xffff;
	v27 =	vand.u32 v0, v23  }
0x93: {  	v11 =	vshra.s32 v21, $0xF;
	v21 =	vshra.s32 v23, $0xF;
	v6 =	vld.idx.msk [tilespmem:v6+s6+$0x0], $0xffff;
	v23 =	vand.u32 v0, v24  }
0x94: {  	v24 =	vshra.s32 v24, $0xF;
	v14 =	vld.idx.msk [tilespmem:v14+s6+$0x0], $0xffff;
	v28 =	vand.u32 v0, v25;
	v25 =	vshra.s32 v25, $0xF  }
0x95: {  	v18 =	vand.u32 $0xFFFFFFFE, v18;
	v10 =	vld.idx.msk [tilespmem:v10+s6+$0x0], $0xffff;
	v29 =	vand.u32 v0, v26;
	v26 =	vshra.s32 v26, $0xF  }
0x96: {  	v11 =	vand.u32 $0xFFFFFFFE, v11;
	v21 =	vand.u32 $0xFFFFFFFE, v21;
	v24 =	vand.u32 $0xFFFFFFFE, v24;
	v17 =	vld.idx.msk [tilespmem:v17+s6+$0x0], $0xffff  }
0x97: {  	s26 =	sadd.s32 $0x80, s26;
	v3 =	vshra.s32 v15, v3;
	v15 =	vand.u32 $0xFFFFFFFE, v25;
	v25 =	vand.u32 $0xFFFFFFFE, v26;
	v26 =	vld.idx.msk [tilespmem:v8+s0+$0x0], $0xffff  }
0x98: {  	v3 =	vshll.u32 v3, $0x2;
	v4 =	vshra.s32 v4, v5;
	v5 =	vld [tilespmem:s26+$0x30]  }
0x99: {  	v3 =	vand.u32 $0xC, v3;
	v4 =	vshll.u32 v4, $0x2;
	v6 =	vshra.s32 v6, v13;
	v8 =	vld.idx.msk [tilespmem:v8+s31+$0x0], $0xffff  }
0x9a: {  	v4 =	vand.u32 $0xC, v4;
	v6 =	vshll.u32 v6, $0x2;
	v1 =	vshra.s32 v14, v1;
	v13 =	vld.idx.msk [tilespmem:v19+s6+$0x0], $0xffff  }
0x9b: {  	v6 =	vand.u32 $0xC, v6;
	v1 =	vshll.u32 v1, $0x2;
	v9 =	vshra.s32 v10, v9;
	v14 =	vld.idx.msk [tilespmem:v22+s6+$0x0], $0xffff  }
0x9c: {  	v1 =	vand.u32 $0xC, v1;
	v9 =	vshll.u32 v9, $0x2;
	v7 =	vshra.s32 v17, v7;
	v10 =	vld.idx.msk [tilespmem:v16+s6+$0x0], $0xffff  }
0x9d: {  	v9 =	vand.u32 $0xC, v9;
	v7 =	vshll.u32 v7, $0x2;
	v16 =	vld.idx.msk [tilespmem:v20+s6+$0x0], $0xffff;
	v5 =	vsub.f32 v5, v26  }
0x9e: {  	v7 =	vand.u32 $0xC, v7;
	v17 =	vld.idx.msk [tilespmem:v27+s6+$0x0], $0xffff  }
0x9f: {  	v19 =	vld.idx.msk [tilespmem:v23+s6+$0x0], $0xffff;
	v8 =	vmul.f32 v5, v8  }
0xa0: {  	v12 =	vshra.s32 v13, v12;
	v20 =	vld.idx.msk [tilespmem:v28+s6+$0x0], $0xffff  }
0xa1: {  	v2 =	vshra.s32 v14, v2;
	v12 =	vshll.u32 v12, $0x2;
	v13 =	vld.idx.msk [tilespmem:v29+s6+$0x0], $0xffff;
	v5 =	vmul.f32 v8, v5  }
0xa2: {  	s28 =	sadd.s32 $0x80, s28;
	v2 =	vand.u32 $0x3, v2;
	v10 =	vshra.s32 v10, v18;
	v12 =	vand.u32 $0xC, v12;
	v8 =	vld [tilespmem:s26+$0xFFFFFFC0]  }
0xa3: {  	v2 =	vor.u32 v2, v3;
	v10 =	vand.u32 $0x3, v10;
	v11 =	vshra.s32 v16, v11;
	v3 =	vld [tilespmem:s26+$0xFFFFFFD0];
	[tilespmem:s28+$0x30] =	vst v5  }
0xa4: {  	v4 =	vor.u32 v10, v4;
	v10 =	vand.u32 $0x3, v11;
	v11 =	vshra.s32 v17, v21;
	v5 =	vld [tilespmem:s26+$0xFFFFFFE0]  }
0xa5: {  	v10 =	vor.u32 v10, v6;
	v6 =	vand.u32 $0x3, v11;
	v11 =	vshra.s32 v19, v24;
	v14 =	vld [tilespmem:s26+$0xFFFFFFF0]  }
0xa6: {  	v1 =	vor.u32 v6, v1;
	v6 =	vand.u32 $0x3, v11;
	v11 =	vshra.s32 v20, v15;
	v16 =	vld [tilespmem:s26+$0x0]  }
0xa7: {  	v9 =	vor.u32 v6, v9;
	v6 =	vand.u32 $0x3, v11;
	v11 =	vshra.s32 v13, v25;
	v15 =	vld [tilespmem:s26+$0x10]  }
0xa8: {  	v17 =	vor.u32 v6, v7;
	v6 =	vand.u32 $0x3, v11;
	v13 =	vld.idx.msk [tilespmem:v2+s0+$0x0], $0xffff  }
0xa9: {  	v18 =	vor.u32 v6, v12;
	v11 =	vld.idx.msk [tilespmem:v4+s0+$0x0], $0xffff  }
0xaa: {  	v12 =	vld.idx.msk [tilespmem:v10+s0+$0x0], $0xffff  }
0xab: {  	v19 =	vld.idx.msk [tilespmem:v1+s0+$0x0], $0xffff  }
0xac: {  	v20 =	vld.idx.msk [tilespmem:v9+s0+$0x0], $0xffff  }
0xad: {  	v21 =	vld.idx.msk [tilespmem:v17+s0+$0x0], $0xffff  }
0xae: {  	v7 =	vsub.f32 v8, v13;
	v8 =	vld.idx.msk [tilespmem:v18+s0+$0x0], $0xffff  }
0xaf: {  	v6 =	vsub.f32 v3, v11;
	v22 =	vld [tilespmem:s26+$0x20]  }
0xb0: {  	v5 =	vsub.f32 v5, v12;
	v23 =	vld.idx.msk [tilespmem:v2+s31+$0x0], $0xffff  }
0xb1: {  	v13 =	vld.idx.msk [tilespmem:v4+s31+$0x0], $0xffff;
	v4 =	vsub.f32 v14, v19  }
.Ltmp0:
0xb2: {  	v3 =	vsub.f32 v16, v20;
	v11 =	vld.idx.msk [tilespmem:v10+s31+$0x0], $0xffff;
	(pc) =	sbr.rel @p0 .LBB2_2-.Ltmp0, $4  }
0xb3: {  	v2 =	vsub.f32 v15, v21;
	v12 =	vld.idx.msk [tilespmem:v1+s31+$0x0], $0xffff  }
0xb4: {  	v10 =	vld.idx.msk [tilespmem:v9+s31+$0x0], $0xffff;
	v1 =	vsub.f32 v22, v8  }
0xb5: {  	v9 =	vld.idx.msk [tilespmem:v17+s31+$0x0], $0xffff  }
0xb6: {  	s30 =	sadd.s32 $0x80, s30;
	v14 =	vmul.f32 v7, v23;
	v8 =	vld.idx.msk [tilespmem:v18+s31+$0x0], $0xffff  }
0xb7: {  	v13 =	vmul.f32 v6, v13  }
0xb8: {  	v11 =	vmul.f32 v5, v11;
	v7 =	vmul.f32 v14, v7  }
0xb9: {  	v12 =	vmul.f32 v4, v12;
	v6 =	vmul.f32 v13, v6  }
0xba: {  	v5 =	vmul.f32 v11, v5;
	[tilespmem:s28+$0xFFFFFFC0] =	vst v7;
	v7 =	vmul.f32 v3, v10  }
0xbb: {  	v4 =	vmul.f32 v12, v4;
	[tilespmem:s28+$0xFFFFFFD0] =	vst v6;
	v6 =	vmul.f32 v2, v9  }
0xbc: {  	[tilespmem:s28+$0xFFFFFFE0] =	vst v5;
	v5 =	vmul.f32 v1, v8;
	v3 =	vmul.f32 v7, v3  }
0xbd: {  	[tilespmem:s28+$0xFFFFFFF0] =	vst v4;
	v2 =	vmul.f32 v6, v2  }
0xbe: {  	v1 =	vmul.f32 v5, v1;
	[tilespmem:s28+$0x0] =	vst v3  }
0xbf: {  	[tilespmem:s28+$0x10] =	vst v2  }
0xc0: {  	s24 =	sadd.s32 s4, s24;
	[tilespmem:s28+$0x20] =	vst v1  }
0xc1: {  	[hbm4b:s24+s6] =	stream.linear.scatter [tilespmem:s21], [sflag:$0x3], $0x1F00, $0x38;
	[tilespmem:$0x1FA00] =	vst v63  }
0xc2: {  	p0 =	slt.s32 s14, s12;
	s24 =	smov.u32 s12  }
0xc3: {  	s24 =	smov.u32 @p0 s14  }
0xc4: {  	s24 =	sshrl.u32 s24, $0x3  }
0xc5: {  	s26 =	simm.s32 $0x10000;
	s25 =	sadd.s32 s1, s24  }
0xc6: {  	[tilespmem:s26], [sflag:$0x1] =	stream.linear.gather [hbm4b:s25+s6], $0x1F00, $0x38;
	[tilespmem:$0x1FA00] =	vst v63  }
0xc7: {  	s25 =	sadd.s32 s2, s24;
	s26 =	simm.s32 $0x13E00  }
0xc8: {  	[tilespmem:s26], [sflag:$0x1] =	stream.linear.gather [hbm4b:s25+s6], $0x1F00, $0x38;
	[tilespmem:$0x1FA00] =	vst v63  }
0xc9: {  	s25 =	sadd.s32 s3, s24;
	s26 =	simm.s32 $0x17C00  }
0xca: {  	[tilespmem:s26], [sflag:$0x1] =	stream.linear.gather [hbm4b:s25+s6], $0x1F00, $0x38;
	[tilespmem:$0x1FA00] =	vst v63  }
0xcb: {  	_ =	swait.ge [sflag:s22], $0x1F00  }
0xcc: {  	[sflag:s22] =	ssyncset.done $0x0  }
0xcd: {  	[sflag:s22] =	ssyncadd.s32 $0xFFFFE100  }
0xce: {  	_ =	swait.ge [sflag:s22], $0x1F00  }
0xcf: {  	[sflag:s22] =	ssyncset.done $0x0  }
0xd0: {  	[sflag:s22] =	ssyncadd.s32 $0xFFFFE100  }
0xd1: {  	_ =	swait.ge [sflag:s22], $0x1F00  }
0xd2: {  	[sflag:s22] =	ssyncset.done $0x0  }
0xd3: {  	s26 =	simm.s32 $0x11F40;
	[sflag:s22] =	ssyncadd.s32 $0xFFFFE100  }
0xd4: {  	s25 =	simm.s32 $0x15D40;
	v1 =	vld [tilespmem:s26+$0x30]  }
0xd5: {  	v2 =	vld [tilespmem:s25+$0x30]  }
0xd6: {  	v3 =	vld [tilespmem:s26+$0xFFFFFFD0]  }
0xd7: {  	v4 =	vld [tilespmem:s26+$0xFFFFFFE0]  }
0xd8: {  	v5 =	vld [tilespmem:s26+$0xFFFFFFF0]  }
0xd9: {  	v6 =	vld [tilespmem:s26+$0x0]  }
0xda: {  	v8 =	vld [tilespmem:s26+$0x10]  }
0xdb: {  	v10 =	vld [tilespmem:s26+$0x20]  }
0xdc: {  	v11 =	vld [tilespmem:s26+$0xFFFFFFC0]  }
0xdd: {  	v12 =	vld [tilespmem:s25+$0xFFFFFFC0]  }
0xde: {  	v15 =	vld [tilespmem:s25+$0xFFFFFFD0]  }
0xdf: {  	v18 =	vld [tilespmem:s25+$0xFFFFFFE0]  }
0xe0: {  	v20 =	vld [tilespmem:s25+$0xFFFFFFF0];
	v7 =	vand.u32 v0, v1  }
0xe1: {  	v21 =	vld [tilespmem:s25+$0x0];
	v9 =	vand.u32 v0, v2  }
0xe2: {  	v22 =	vld [tilespmem:s25+$0x10];
	v13 =	vand.u32 v0, v3;
	v3 =	vshra.s32 v3, $0xF;
	v14 =	vshra.s32 v4, $0xF  }
0xe3: {  	v23 =	vld [tilespmem:s25+$0x20];
	s26 =	simm.s32 $0x19B40;
	v4 =	vand.u32 v0, v4;
	v16 =	vand.u32 v0, v5;
	v5 =	vshra.s32 v5, $0xF  }
0xe4: {  	v51 =	vld [tilespmem:s26+$0xFFFFFFC0];
	v17 =	vand.u32 v0, v11;
	v19 =	vand.u32 v0, v6;
	v1 =	vshra.s32 v1, $0xF  }
0xe5: {  	v6 =	vshra.s32 v6, $0xF;
	v2 =	vshra.s32 v2, $0xF;
	v46 =	vshra.s32 v10, $0xF;
	v7 =	vld.idx.msk [tilespmem:v7+s6+$0x0], $0xffff  }
0xe6: {  	v47 =	vand.u32 v0, v12;
	v12 =	vshra.s32 v12, $0xF;
	v24 =	vand.u32 v0, v15;
	v9 =	vld.idx.msk [tilespmem:v9+s6+$0x0], $0xffff  }
0xe7: {  	v52 =	vld [tilespmem:s26+$0xFFFFFFF0];
	v25 =	vand.u32 v0, v18;
	v15 =	vshra.s32 v15, $0xF;
	v26 =	vand.u32 v0, v20  }
0xe8: {  	v53 =	vld [tilespmem:s26+$0x0];
	v18 =	vshra.s32 v18, $0xF;
	v20 =	vshra.s32 v20, $0xF;
	v27 =	vand.u32 v0, v21  }
0xe9: {  	v54 =	vld [tilespmem:s26+$0x10];
	v21 =	vshra.s32 v21, $0xF;
	v29 =	vand.u32 v0, v22;
	v1 =	vand.u32 $0xFFFFFFFE, v1  }
0xea: {  	v22 =	vshra.s32 v22, $0xF;
	v2 =	vand.u32 $0xFFFFFFFE, v2;
	v13 =	vld.idx.msk [tilespmem:v13+s6+$0x0], $0xffff;
	v1 =	vshra.s32 v7, v1  }
0xeb: {  	v3 =	vand.u32 $0xFFFFFFFE, v3;
	v4 =	vld.idx.msk [tilespmem:v4+s6+$0x0], $0xffff;
	v2 =	vshra.s32 v9, v2;
	v1 =	vshll.u32 v1, $0x2  }
0xec: {  	v16 =	vld.idx.msk [tilespmem:v16+s6+$0x0], $0xffff;
	v7 =	vand.u32 v0, v8;
	v2 =	vand.u32 $0x3, v2;
	v1 =	vand.u32 $0xC, v1  }
0xed: {  	v14 =	vand.u32 $0xFFFFFFFE, v14;
	v19 =	vld.idx.msk [tilespmem:v19+s6+$0x0], $0xffff;
	v1 =	vor.u32 v2, v1;
	v2 =	vand.u32 v0, v10  }
0xee: {  	v62 =	vld [tilespmem:s26+$0x20];
	v5 =	vand.u32 $0xFFFFFFFE, v5;
	v6 =	vand.u32 $0xFFFFFFFE, v6;
	v12 =	vand.u32 $0xFFFFFFFE, v12  }
0xef: {  	v15 =	vand.u32 $0xFFFFFFFE, v15;
	v18 =	vand.u32 $0xFFFFFFFE, v18;
	v20 =	vand.u32 $0xFFFFFFFE, v20;
	v9 =	vld.idx.msk [tilespmem:v17+s6+$0x0], $0xffff  }
0xf0: {  	v21 =	vand.u32 $0xFFFFFFFE, v21;
	v22 =	vand.u32 $0xFFFFFFFE, v22;
	v8 =	vshra.s32 v8, $0xF;
	v17 =	vld.idx.msk [tilespmem:v47+s6+$0x0], $0xffff  }
0xf1: {  	v3 =	vshra.s32 v13, v3;
	v13 =	vand.u32 v0, v23;
	v23 =	vshra.s32 v23, $0xF;
	v7 =	vld.idx.msk [tilespmem:v7+s6+$0x0], $0xffff  }
0xf2: {  	v4 =	vshra.s32 v4, v14;
	v5 =	vshra.s32 v16, v5;
	v6 =	vshra.s32 v19, v6;
	v2 =	vld.idx.msk [tilespmem:v2+s6+$0x0], $0xffff  }
0xf3: {  	v48 =	vld.idx.msk [tilespmem:v25+s6+$0x0], $0xffff;
	v8 =	vand.u32 $0xFFFFFFFE, v8;
	v23 =	vand.u32 $0xFFFFFFFE, v23;
	v10 =	vshra.s32 v11, $0xF  }
0xf4: {  	v14 =	vld.idx.msk [tilespmem:v24+s6+$0x0], $0xffff;
	v3 =	vshll.u32 v3, $0x2;
	v4 =	vshll.u32 v4, $0x2;
	v10 =	vand.u32 $0xFFFFFFFE, v10  }
0xf5: {  	v49 =	vld.idx.msk [tilespmem:v26+s6+$0x0], $0xffff;
	v5 =	vshll.u32 v5, $0x2;
	v6 =	vshll.u32 v6, $0x2;
	v9 =	vshra.s32 v9, v10  }
0xf6: {  	v50 =	vld.idx.msk [tilespmem:v29+s6+$0x0], $0xffff;
	v3 =	vand.u32 $0xC, v3;
	v11 =	vand.u32 $0xFFFFFFFE, v46;
	v9 =	vshll.u32 v9, $0x2  }
0xf7: {  	v7 =	vshra.s32 v7, v8;
	v8 =	vld.idx.msk [tilespmem:v27+s6+$0x0], $0xffff;
	v2 =	vshra.s32 v2, v11;
	v11 =	vshra.s32 v17, v12  }
0xf8: {  	v4 =	vand.u32 $0xC, v4;
	v10 =	vld [tilespmem:s26+$0x30];
	v9 =	vand.u32 $0xC, v9;
	v11 =	vand.u32 $0x3, v11  }
0xf9: {  	v5 =	vand.u32 $0xC, v5;
	v12 =	vld.idx.msk [tilespmem:v13+s6+$0x0], $0xffff;
	v13 =	vshra.s32 v14, v15;
	v9 =	vor.u32 v11, v9  }
0xfa: {  	v6 =	vand.u32 $0xC, v6;
	v28 =	vld.idx.msk [tilespmem:v1+s0+$0x0], $0xffff;
	v11 =	vand.u32 $0x3, v13;
	v13 =	vshra.s32 v48, v18  }
0xfb: {  	v1 =	vld.idx.msk [tilespmem:v1+s31+$0x0], $0xffff;
	v3 =	vor.u32 v11, v3;
	v11 =	vand.u32 $0x3, v13;
	v13 =	vshra.s32 v49, v20  }
0xfc: {  	v14 =	vld [tilespmem:s26+$0xFFFFFFD0];
	v8 =	vshra.s32 v8, v21;
	v4 =	vor.u32 v11, v4;
	v11 =	vand.u32 $0x3, v13  }
0xfd: {  	v15 =	vld [tilespmem:s26+$0xFFFFFFE0];
	v8 =	vand.u32 $0x3, v8;
	v5 =	vor.u32 v11, v5;
	v11 =	vshra.s32 v50, v22  }
0xfe: {  	v8 =	vor.u32 v8, v6;
	v6 =	vand.u32 $0x3, v11;
	v11 =	vshra.s32 v12, v23;
	v12 =	vld.idx.msk [tilespmem:v9+s0+$0x0], $0xffff  }
0xff: {  	v7 =	vshll.u32 v7, $0x2;
	v63 =	vld.idx.msk [tilespmem:v9+s31+$0x0], $0xffff  }
0x100: {  	v7 =	vand.u32 $0xC, v7;
	v2 =	vshll.u32 v2, $0x2;
	v56 =	vld.idx.msk [tilespmem:v3+s0+$0x0], $0xffff  }
0x101: {  	v2 =	vand.u32 $0xC, v2;
	v55 =	vor.u32 v6, v7;
	v6 =	vand.u32 $0x3, v11;
	v13 =	vld.idx.msk [tilespmem:v3+s31+$0x0], $0xffff  }
0x102: {  	v57 =	vor.u32 v6, v2;
	v2 =	vld.idx.msk [tilespmem:v4+s0+$0x0], $0xffff  }
0x103: {  	v59 =	vld.idx.msk [tilespmem:v8+s0+$0x0], $0xffff  }
0x104: {  	v11 =	vld.idx.msk [tilespmem:v4+s31+$0x0], $0xffff  }
0x105: {  	v58 =	vld.idx.msk [tilespmem:v5+s0+$0x0], $0xffff  }
0x106: {  	v6 =	vsub.f32 v10, v28;
	v60 =	vld.idx.msk [tilespmem:v55+s0+$0x0], $0xffff  }
0x107: {  	v61 =	vld.idx.msk [tilespmem:v57+s0+$0x0], $0xffff  }
0x108: {  	v10 =	vld.idx.msk [tilespmem:v8+s31+$0x0], $0xffff;
	v1 =	vmul.f32 v6, v1  }
0x109: {  	v7 =	vsub.f32 v51, v12;
	v12 =	vld.idx.msk [tilespmem:v5+s31+$0x0], $0xffff  }
0x10a: {  	v1 =	vmul.f32 v1, v6;
	v9 =	vld.idx.msk [tilespmem:v55+s31+$0x0], $0xffff;
	v6 =	vsub.f32 v14, v56;
	v5 =	vsub.f32 v15, v2  }
0x10b: {  	s28 =	simm.s32 $0x1D940;
	v8 =	vld.idx.msk [tilespmem:v57+s31+$0x0], $0xffff;
	v3 =	vsub.f32 v53, v59;
	v4 =	vsub.f32 v52, v58  }
0x10c: {  	s29 =	simm.s32 $0x0;
	s30 =	simm.s32 $0x11FC0;
	[tilespmem:s28+$0x30] =	vst v1;
	v14 =	vmul.f32 v7, v63;
	v2 =	vsub.f32 v54, v60;
	v1 =	vsub.f32 v62, v61  }
.LBB2_4:
0x10d: {  	v15 =	vld [tilespmem:s30+$0x30];
	s29 =	sadd.s32 $0x80, s29;
	v13 =	vmul.f32 v6, v13;
	s25 =	sadd.s32 $0x80, s25  }
0x10e: {  	v11 =	vmul.f32 v5, v11;
	v16 =	vld [tilespmem:s25+$0x30];
	p0 =	slt.u32 s29, $0x1E80;
	v7 =	vmul.f32 v14, v7  }
0x10f: {  	v12 =	vmul.f32 v4, v12;
	v14 =	vld [tilespmem:s30+$0xFFFFFFD0];
	v6 =	vmul.f32 v13, v6  }
0x110: {  	v5 =	vmul.f32 v11, v5;
	v13 =	vld [tilespmem:s30+$0xFFFFFFE0];
	[tilespmem:s28+$0xFFFFFFC0] =	vst v7;
	v7 =	vmul.f32 v3, v10  }
0x111: {  	v4 =	vmul.f32 v12, v4;
	v10 =	vld [tilespmem:s30+$0xFFFFFFF0];
	[tilespmem:s28+$0xFFFFFFD0] =	vst v6;
	v6 =	vmul.f32 v2, v9  }
0x112: {  	v9 =	vld [tilespmem:s30+$0x0];
	v11 =	vand.u32 v0, v15;
	[tilespmem:s28+$0xFFFFFFE0] =	vst v5;
	v3 =	vmul.f32 v7, v3;
	v5 =	vmul.f32 v1, v8  }
0x113: {  	v7 =	vld [tilespmem:s30+$0x10];
	v8 =	vand.u32 v0, v16;
	[tilespmem:s28+$0xFFFFFFF0] =	vst v4;
	v2 =	vmul.f32 v6, v2  }
0x114: {  	v4 =	vand.u32 v0, v14;
	v6 =	vshra.s32 v14, $0xF;
	v12 =	vld [tilespmem:s30+$0x20];
	[tilespmem:s28+$0x0] =	vst v3;
	v1 =	vmul.f32 v5, v1  }
0x115: {  	v3 =	vld [tilespmem:s30+$0xFFFFFFC0];
	v5 =	vand.u32 $0xFFFFFFFE, v6;
	v6 =	vand.u32 v0, v13;
	v13 =	vshra.s32 v13, $0xF;
	[tilespmem:s28+$0x10] =	vst v2  }
0x116: {  	v2 =	vld [tilespmem:s25+$0xFFFFFFC0];
	v13 =	vand.u32 $0xFFFFFFFE, v13;
	v14 =	vand.u32 v0, v10;
	v10 =	vshra.s32 v10, $0xF;
	[tilespmem:s28+$0x20] =	vst v1  }
0x117: {  	v1 =	vand.u32 $0xFFFFFFFE, v10;
	v10 =	vand.u32 v0, v9;
	v9 =	vshra.s32 v9, $0xF;
	v11 =	vld.idx.msk [tilespmem:v11+s6+$0x0], $0xffff  }
0x118: {  	v9 =	vand.u32 $0xFFFFFFFE, v9;
	v17 =	vand.u32 v0, v7;
	v7 =	vshra.s32 v7, $0xF;
	v8 =	vld.idx.msk [tilespmem:v8+s6+$0x0], $0xffff  }
0x119: {  	v18 =	vld [tilespmem:s25+$0xFFFFFFD0];
	v7 =	vand.u32 $0xFFFFFFFE, v7;
	v19 =	vand.u32 v0, v12;
	v12 =	vshra.s32 v12, $0xF  }
0x11a: {  	v20 =	vand.u32 v0, v3;
	v3 =	vshra.s32 v3, $0xF;
	v21 =	vld [tilespmem:s25+$0xFFFFFFE0];
	v12 =	vand.u32 $0xFFFFFFFE, v12  }
0x11b: {  	v15 =	vshra.s32 v15, $0xF;
	v3 =	vand.u32 $0xFFFFFFFE, v3;
	v22 =	vand.u32 v0, v2;
	v23 =	vld [tilespmem:s25+$0xFFFFFFF0]  }
0x11c: {  	v15 =	vand.u32 $0xFFFFFFFE, v15;
	v16 =	vshra.s32 v16, $0xF;
	v2 =	vshra.s32 v2, $0xF;
	v24 =	vld [tilespmem:s25+$0x0]  }
0x11d: {  	v2 =	vand.u32 $0xFFFFFFFE, v2;
	v11 =	vshra.s32 v11, v15;
	v15 =	vand.u32 $0xFFFFFFFE, v16;
	v25 =	vld [tilespmem:s25+$0x10]  }
0x11e: {  	v8 =	vshra.s32 v8, v15;
	v11 =	vshll.u32 v11, $0x2;
	v16 =	vand.u32 v0, v18;
	v26 =	vld [tilespmem:s25+$0x20]  }
0x11f: {  	v8 =	vand.u32 $0x3, v8;
	v11 =	vand.u32 $0xC, v11;
	v15 =	vld.idx.msk [tilespmem:v20+s6+$0x0], $0xffff;
	v20 =	vand.u32 v0, v21  }
0x120: {  	v18 =	vshra.s32 v18, $0xF;
	v8 =	vor.u32 v8, v11;
	v4 =	vld.idx.msk [tilespmem:v4+s6+$0x0], $0xffff;
	v27 =	vand.u32 v0, v23  }
0x121: {  	v11 =	vshra.s32 v21, $0xF;
	v21 =	vshra.s32 v23, $0xF;
	v6 =	vld.idx.msk [tilespmem:v6+s6+$0x0], $0xffff;
	v23 =	vand.u32 v0, v24  }
0x122: {  	v24 =	vshra.s32 v24, $0xF;
	v14 =	vld.idx.msk [tilespmem:v14+s6+$0x0], $0xffff;
	v28 =	vand.u32 v0, v25;
	v25 =	vshra.s32 v25, $0xF  }
0x123: {  	v18 =	vand.u32 $0xFFFFFFFE, v18;
	v10 =	vld.idx.msk [tilespmem:v10+s6+$0x0], $0xffff;
	v29 =	vand.u32 v0, v26;
	v26 =	vshra.s32 v26, $0xF  }
0x124: {  	v11 =	vand.u32 $0xFFFFFFFE, v11;
	v21 =	vand.u32 $0xFFFFFFFE, v21;
	v24 =	vand.u32 $0xFFFFFFFE, v24;
	v17 =	vld.idx.msk [tilespmem:v17+s6+$0x0], $0xffff  }
0x125: {  	s26 =	sadd.s32 $0x80, s26;
	v3 =	vshra.s32 v15, v3;
	v15 =	vand.u32 $0xFFFFFFFE, v25;
	v25 =	vand.u32 $0xFFFFFFFE, v26;
	v26 =	vld.idx.msk [tilespmem:v8+s0+$0x0], $0xffff  }
0x126: {  	v3 =	vshll.u32 v3, $0x2;
	v4 =	vshra.s32 v4, v5;
	v5 =	vld [tilespmem:s26+$0x30]  }
0x127: {  	v3 =	vand.u32 $0xC, v3;
	v4 =	vshll.u32 v4, $0x2;
	v6 =	vshra.s32 v6, v13;
	v8 =	vld.idx.msk [tilespmem:v8+s31+$0x0], $0xffff  }
0x128: {  	v4 =	vand.u32 $0xC, v4;
	v6 =	vshll.u32 v6, $0x2;
	v1 =	vshra.s32 v14, v1;
	v13 =	vld.idx.msk [tilespmem:v19+s6+$0x0], $0xffff  }
0x129: {  	v6 =	vand.u32 $0xC, v6;
	v1 =	vshll.u32 v1, $0x2;
	v9 =	vshra.s32 v10, v9;
	v14 =	vld.idx.msk [tilespmem:v22+s6+$0x0], $0xffff  }
0x12a: {  	v1 =	vand.u32 $0xC, v1;
	v9 =	vshll.u32 v9, $0x2;
	v7 =	vshra.s32 v17, v7;
	v10 =	vld.idx.msk [tilespmem:v16+s6+$0x0], $0xffff  }
0x12b: {  	v9 =	vand.u32 $0xC, v9;
	v7 =	vshll.u32 v7, $0x2;
	v16 =	vld.idx.msk [tilespmem:v20+s6+$0x0], $0xffff;
	v5 =	vsub.f32 v5, v26  }
0x12c: {  	v7 =	vand.u32 $0xC, v7;
	v17 =	vld.idx.msk [tilespmem:v27+s6+$0x0], $0xffff  }
0x12d: {  	v19 =	vld.idx.msk [tilespmem:v23+s6+$0x0], $0xffff;
	v8 =	vmul.f32 v5, v8  }
0x12e: {  	v12 =	vshra.s32 v13, v12;
	v20 =	vld.idx.msk [tilespmem:v28+s6+$0x0], $0xffff  }
0x12f: {  	v2 =	vshra.s32 v14, v2;
	v12 =	vshll.u32 v12, $0x2;
	v13 =	vld.idx.msk [tilespmem:v29+s6+$0x0], $0xffff;
	v5 =	vmul.f32 v8, v5  }
0x130: {  	s28 =	sadd.s32 $0x80, s28;
	v2 =	vand.u32 $0x3, v2;
	v10 =	vshra.s32 v10, v18;
	v12 =	vand.u32 $0xC, v12;
	v8 =	vld [tilespmem:s26+$0xFFFFFFC0]  }
0x131: {  	v2 =	vor.u32 v2, v3;
	v10 =	vand.u32 $0x3, v10;
	v11 =	vshra.s32 v16, v11;
	v3 =	vld [tilespmem:s26+$0xFFFFFFD0];
	[tilespmem:s28+$0x30] =	vst v5  }
0x132: {  	v4 =	vor.u32 v10, v4;
	v10 =	vand.u32 $0x3, v11;
	v11 =	vshra.s32 v17, v21;
	v5 =	vld [tilespmem:s26+$0xFFFFFFE0]  }
0x133: {  	v10 =	vor.u32 v10, v6;
	v6 =	vand.u32 $0x3, v11;
	v11 =	vshra.s32 v19, v24;
	v14 =	vld [tilespmem:s26+$0xFFFFFFF0]  }
0x134: {  	v1 =	vor.u32 v6, v1;
	v6 =	vand.u32 $0x3, v11;
	v11 =	vshra.s32 v20, v15;
	v16 =	vld [tilespmem:s26+$0x0]  }
0x135: {  	v9 =	vor.u32 v6, v9;
	v6 =	vand.u32 $0x3, v11;
	v11 =	vshra.s32 v13, v25;
	v15 =	vld [tilespmem:s26+$0x10]  }
0x136: {  	v17 =	vor.u32 v6, v7;
	v6 =	vand.u32 $0x3, v11;
	v13 =	vld.idx.msk [tilespmem:v2+s0+$0x0], $0xffff  }
0x137: {  	v18 =	vor.u32 v6, v12;
	v11 =	vld.idx.msk [tilespmem:v4+s0+$0x0], $0xffff  }
0x138: {  	v12 =	vld.idx.msk [tilespmem:v10+s0+$0x0], $0xffff  }
0x139: {  	v19 =	vld.idx.msk [tilespmem:v1+s0+$0x0], $0xffff  }
0x13a: {  	v20 =	vld.idx.msk [tilespmem:v9+s0+$0x0], $0xffff  }
0x13b: {  	v21 =	vld.idx.msk [tilespmem:v17+s0+$0x0], $0xffff  }
0x13c: {  	v7 =	vsub.f32 v8, v13;
	v8 =	vld.idx.msk [tilespmem:v18+s0+$0x0], $0xffff  }
0x13d: {  	v6 =	vsub.f32 v3, v11;
	v22 =	vld [tilespmem:s26+$0x20]  }
0x13e: {  	v5 =	vsub.f32 v5, v12;
	v23 =	vld.idx.msk [tilespmem:v2+s31+$0x0], $0xffff  }
0x13f: {  	v13 =	vld.idx.msk [tilespmem:v4+s31+$0x0], $0xffff;
	v4 =	vsub.f32 v14, v19  }
.Ltmp1:
0x140: {  	v3 =	vsub.f32 v16, v20;
	v11 =	vld.idx.msk [tilespmem:v10+s31+$0x0], $0xffff;
	(pc) =	sbr.rel @p0 .LBB2_4-.Ltmp1, $4  }
0x141: {  	v2 =	vsub.f32 v15, v21;
	v12 =	vld.idx.msk [tilespmem:v1+s31+$0x0], $0xffff  }
0x142: {  	v10 =	vld.idx.msk [tilespmem:v9+s31+$0x0], $0xffff;
	v1 =	vsub.f32 v22, v8  }
0x143: {  	v9 =	vld.idx.msk [tilespmem:v17+s31+$0x0], $0xffff  }
0x144: {  	s30 =	sadd.s32 $0x80, s30;
	v14 =	vmul.f32 v7, v23;
	v8 =	vld.idx.msk [tilespmem:v18+s31+$0x0], $0xffff  }
0x145: {  	v13 =	vmul.f32 v6, v13  }
0x146: {  	v11 =	vmul.f32 v5, v11;
	v7 =	vmul.f32 v14, v7  }
0x147: {  	v12 =	vmul.f32 v4, v12;
	v6 =	vmul.f32 v13, v6  }
0x148: {  	v5 =	vmul.f32 v11, v5;
	[tilespmem:s28+$0xFFFFFFC0] =	vst v7;
	v7 =	vmul.f32 v3, v10  }
0x149: {  	v4 =	vmul.f32 v12, v4;
	[tilespmem:s28+$0xFFFFFFD0] =	vst v6;
	v6 =	vmul.f32 v2, v9  }
0x14a: {  	[tilespmem:s28+$0xFFFFFFE0] =	vst v5;
	v5 =	vmul.f32 v1, v8;
	v3 =	vmul.f32 v7, v3  }
0x14b: {  	[tilespmem:s28+$0xFFFFFFF0] =	vst v4;
	v2 =	vmul.f32 v6, v2  }
0x14c: {  	v1 =	vmul.f32 v5, v1;
	[tilespmem:s28+$0x0] =	vst v3  }
0x14d: {  	[tilespmem:s28+$0x10] =	vst v2  }
0x14e: {  	s20 =	sadd.s32 s4, s20;
	[tilespmem:s28+$0x20] =	vst v1  }
0x14f: {  	[hbm4b:s20+s6] =	stream.linear.scatter [tilespmem:s7], [sflag:$0x4], $0x1F00, $0x38;
	[tilespmem:$0x1FA00] =	vst v63  }
0x150: {  	p0 =	slt.s32 s15, s12;
	s20 =	smov.u32 s12  }
0x151: {  	s20 =	smov.u32 @p0 s15  }
0x152: {  	s20 =	sshrl.u32 s20, $0x3  }
0x153: {  	s26 =	simm.s32 $0x11F00;
	s25 =	sadd.s32 s1, s20  }
0x154: {  	[tilespmem:s26], [sflag:$0x2] =	stream.linear.gather [hbm4b:s25+s6], $0x1F00, $0x38;
	[tilespmem:$0x1FA00] =	vst v63  }
0x155: {  	s25 =	sadd.s32 s2, s20;
	s26 =	simm.s32 $0x15D00  }
0x156: {  	[tilespmem:s26], [sflag:$0x2] =	stream.linear.gather [hbm4b:s25+s6], $0x1F00, $0x38;
	[tilespmem:$0x1FA00] =	vst v63  }
0x157: {  	s25 =	sadd.s32 s3, s20;
	s26 =	simm.s32 $0x19B00  }
0x158: {  	[tilespmem:s26], [sflag:$0x2] =	stream.linear.gather [hbm4b:s25+s6], $0x1F00, $0x38;
	[tilespmem:$0x1FA00] =	vst v63  }
0x159: {  	_ =	swait.ge [sflag:s5], $0x1F00  }
0x15a: {  	[sflag:s5] =	ssyncset.done $0x0  }
0x15b: {  	[sflag:s5] =	ssyncadd.s32 $0xFFFFE100  }
0x15c: {  	_ =	swait.ge [sflag:s5], $0x1F00  }
0x15d: {  	[sflag:s5] =	ssyncset.done $0x0  }
0x15e: {  	[sflag:s5] =	ssyncadd.s32 $0xFFFFE100  }
0x15f: {  	_ =	swait.ge [sflag:s5], $0x1F00  }
0x160: {  	[sflag:s5] =	ssyncset.done $0x0  }
0x161: {  	[sflag:s5] =	ssyncadd.s32 $0xFFFFE100  }
0x162: {  	_ =	swait.ge [sflag:s8], $0x1F00  }
0x163: {  	[sflag:s8] =	ssyncset.done $0x0  }
0x164: {  	s26 =	simm.s32 $0x10040;
	[sflag:s8] =	ssyncadd.s32 $0xFFFFE100  }
0x165: {  	s25 =	simm.s32 $0x13E40;
	v1 =	vld [tilespmem:s26+$0x30]  }
0x166: {  	v2 =	vld [tilespmem:s25+$0x30]  }
0x167: {  	v3 =	vld [tilespmem:s26+$0xFFFFFFD0]  }
0x168: {  	v4 =	vld [tilespmem:s26+$0xFFFFFFE0]  }
0x169: {  	v5 =	vld [tilespmem:s26+$0xFFFFFFF0]  }
0x16a: {  	v6 =	vld [tilespmem:s26+$0x0]  }
0x16b: {  	v8 =	vld [tilespmem:s26+$0x10]  }
0x16c: {  	v10 =	vld [tilespmem:s26+$0x20]  }
0x16d: {  	v11 =	vld [tilespmem:s26+$0xFFFFFFC0]  }
0x16e: {  	v12 =	vld [tilespmem:s25+$0xFFFFFFC0]  }
0x16f: {  	v15 =	vld [tilespmem:s25+$0xFFFFFFD0]  }
0x170: {  	v18 =	vld [tilespmem:s25+$0xFFFFFFE0]  }
0x171: {  	v20 =	vld [tilespmem:s25+$0xFFFFFFF0];
	v7 =	vand.u32 v0, v1  }
0x172: {  	v21 =	vld [tilespmem:s25+$0x0];
	v9 =	vand.u32 v0, v2  }
0x173: {  	v22 =	vld [tilespmem:s25+$0x10];
	v13 =	vand.u32 v0, v3;
	v3 =	vshra.s32 v3, $0xF;
	v14 =	vshra.s32 v4, $0xF  }
0x174: {  	v23 =	vld [tilespmem:s25+$0x20];
	s26 =	simm.s32 $0x17C40;
	v4 =	vand.u32 v0, v4;
	v16 =	vand.u32 v0, v5;
	v5 =	vshra.s32 v5, $0xF  }
0x175: {  	v51 =	vld [tilespmem:s26+$0xFFFFFFC0];
	v17 =	vand.u32 v0, v11;
	v19 =	vand.u32 v0, v6;
	v1 =	vshra.s32 v1, $0xF  }
0x176: {  	v6 =	vshra.s32 v6, $0xF;
	v2 =	vshra.s32 v2, $0xF;
	v46 =	vshra.s32 v10, $0xF;
	v7 =	vld.idx.msk [tilespmem:v7+s6+$0x0], $0xffff  }
0x177: {  	v47 =	vand.u32 v0, v12;
	v12 =	vshra.s32 v12, $0xF;
	v24 =	vand.u32 v0, v15;
	v9 =	vld.idx.msk [tilespmem:v9+s6+$0x0], $0xffff  }
0x178: {  	v52 =	vld [tilespmem:s26+$0xFFFFFFF0];
	v25 =	vand.u32 v0, v18;
	v15 =	vshra.s32 v15, $0xF;
	v26 =	vand.u32 v0, v20  }
0x179: {  	v53 =	vld [tilespmem:s26+$0x0];
	v18 =	vshra.s32 v18, $0xF;
	v20 =	vshra.s32 v20, $0xF;
	v27 =	vand.u32 v0, v21  }
0x17a: {  	v54 =	vld [tilespmem:s26+$0x10];
	v21 =	vshra.s32 v21, $0xF;
	v29 =	vand.u32 v0, v22;
	v1 =	vand.u32 $0xFFFFFFFE, v1  }
0x17b: {  	v22 =	vshra.s32 v22, $0xF;
	v2 =	vand.u32 $0xFFFFFFFE, v2;
	v13 =	vld.idx.msk [tilespmem:v13+s6+$0x0], $0xffff;
	v1 =	vshra.s32 v7, v1  }
0x17c: {  	v3 =	vand.u32 $0xFFFFFFFE, v3;
	v4 =	vld.idx.msk [tilespmem:v4+s6+$0x0], $0xffff;
	v2 =	vshra.s32 v9, v2;
	v1 =	vshll.u32 v1, $0x2  }
0x17d: {  	v16 =	vld.idx.msk [tilespmem:v16+s6+$0x0], $0xffff;
	v7 =	vand.u32 v0, v8;
	v2 =	vand.u32 $0x3, v2;
	v1 =	vand.u32 $0xC, v1  }
0x17e: {  	v14 =	vand.u32 $0xFFFFFFFE, v14;
	v19 =	vld.idx.msk [tilespmem:v19+s6+$0x0], $0xffff;
	v1 =	vor.u32 v2, v1;
	v2 =	vand.u32 v0, v10  }
0x17f: {  	v62 =	vld [tilespmem:s26+$0x20];
	v5 =	vand.u32 $0xFFFFFFFE, v5;
	v6 =	vand.u32 $0xFFFFFFFE, v6;
	v12 =	vand.u32 $0xFFFFFFFE, v12  }
0x180: {  	v15 =	vand.u32 $0xFFFFFFFE, v15;
	v18 =	vand.u32 $0xFFFFFFFE, v18;
	v20 =	vand.u32 $0xFFFFFFFE, v20;
	v9 =	vld.idx.msk [tilespmem:v17+s6+$0x0], $0xffff  }
0x181: {  	v21 =	vand.u32 $0xFFFFFFFE, v21;
	v22 =	vand.u32 $0xFFFFFFFE, v22;
	v8 =	vshra.s32 v8, $0xF;
	v17 =	vld.idx.msk [tilespmem:v47+s6+$0x0], $0xffff  }
0x182: {  	v3 =	vshra.s32 v13, v3;
	v13 =	vand.u32 v0, v23;
	v23 =	vshra.s32 v23, $0xF;
	v7 =	vld.idx.msk [tilespmem:v7+s6+$0x0], $0xffff  }
0x183: {  	v4 =	vshra.s32 v4, v14;
	v5 =	vshra.s32 v16, v5;
	v6 =	vshra.s32 v19, v6;
	v2 =	vld.idx.msk [tilespmem:v2+s6+$0x0], $0xffff  }
0x184: {  	v48 =	vld.idx.msk [tilespmem:v25+s6+$0x0], $0xffff;
	v8 =	vand.u32 $0xFFFFFFFE, v8;
	v23 =	vand.u32 $0xFFFFFFFE, v23;
	v10 =	vshra.s32 v11, $0xF  }
0x185: {  	v14 =	vld.idx.msk [tilespmem:v24+s6+$0x0], $0xffff;
	v3 =	vshll.u32 v3, $0x2;
	v4 =	vshll.u32 v4, $0x2;
	v10 =	vand.u32 $0xFFFFFFFE, v10  }
0x186: {  	v49 =	vld.idx.msk [tilespmem:v26+s6+$0x0], $0xffff;
	v5 =	vshll.u32 v5, $0x2;
	v6 =	vshll.u32 v6, $0x2;
	v9 =	vshra.s32 v9, v10  }
0x187: {  	v50 =	vld.idx.msk [tilespmem:v29+s6+$0x0], $0xffff;
	v3 =	vand.u32 $0xC, v3;
	v11 =	vand.u32 $0xFFFFFFFE, v46;
	v9 =	vshll.u32 v9, $0x2  }
0x188: {  	v7 =	vshra.s32 v7, v8;
	v8 =	vld.idx.msk [tilespmem:v27+s6+$0x0], $0xffff;
	v2 =	vshra.s32 v2, v11;
	v11 =	vshra.s32 v17, v12  }
0x189: {  	v4 =	vand.u32 $0xC, v4;
	v10 =	vld [tilespmem:s26+$0x30];
	v9 =	vand.u32 $0xC, v9;
	v11 =	vand.u32 $0x3, v11  }
0x18a: {  	v5 =	vand.u32 $0xC, v5;
	v12 =	vld.idx.msk [tilespmem:v13+s6+$0x0], $0xffff;
	v13 =	vshra.s32 v14, v15;
	v9 =	vor.u32 v11, v9  }
0x18b: {  	v6 =	vand.u32 $0xC, v6;
	v28 =	vld.idx.msk [tilespmem:v1+s0+$0x0], $0xffff;
	v11 =	vand.u32 $0x3, v13;
	v13 =	vshra.s32 v48, v18  }
0x18c: {  	v1 =	vld.idx.msk [tilespmem:v1+s31+$0x0], $0xffff;
	v3 =	vor.u32 v11, v3;
	v11 =	vand.u32 $0x3, v13;
	v13 =	vshra.s32 v49, v20  }
0x18d: {  	v14 =	vld [tilespmem:s26+$0xFFFFFFD0];
	v8 =	vshra.s32 v8, v21;
	v4 =	vor.u32 v11, v4;
	v11 =	vand.u32 $0x3, v13  }
0x18e: {  	v15 =	vld [tilespmem:s26+$0xFFFFFFE0];
	v8 =	vand.u32 $0x3, v8;
	v5 =	vor.u32 v11, v5;
	v11 =	vshra.s32 v50, v22  }
0x18f: {  	v8 =	vor.u32 v8, v6;
	v6 =	vand.u32 $0x3, v11;
	v11 =	vshra.s32 v12, v23;
	v12 =	vld.idx.msk [tilespmem:v9+s0+$0x0], $0xffff  }
0x190: {  	v7 =	vshll.u32 v7, $0x2;
	v63 =	vld.idx.msk [tilespmem:v9+s31+$0x0], $0xffff  }
0x191: {  	v7 =	vand.u32 $0xC, v7;
	v2 =	vshll.u32 v2, $0x2;
	v56 =	vld.idx.msk [tilespmem:v3+s0+$0x0], $0xffff  }
0x192: {  	v2 =	vand.u32 $0xC, v2;
	v55 =	vor.u32 v6, v7;
	v6 =	vand.u32 $0x3, v11;
	v13 =	vld.idx.msk [tilespmem:v3+s31+$0x0], $0xffff  }
0x193: {  	v57 =	vor.u32 v6, v2;
	v2 =	vld.idx.msk [tilespmem:v4+s0+$0x0], $0xffff  }
0x194: {  	v59 =	vld.idx.msk [tilespmem:v8+s0+$0x0], $0xffff  }
0x195: {  	v11 =	vld.idx.msk [tilespmem:v4+s31+$0x0], $0xffff  }
0x196: {  	v58 =	vld.idx.msk [tilespmem:v5+s0+$0x0], $0xffff  }
0x197: {  	v6 =	vsub.f32 v10, v28;
	v60 =	vld.idx.msk [tilespmem:v55+s0+$0x0], $0xffff  }
0x198: {  	v61 =	vld.idx.msk [tilespmem:v57+s0+$0x0], $0xffff  }
0x199: {  	v10 =	vld.idx.msk [tilespmem:v8+s31+$0x0], $0xffff;
	v1 =	vmul.f32 v6, v1  }
0x19a: {  	v7 =	vsub.f32 v51, v12;
	v12 =	vld.idx.msk [tilespmem:v5+s31+$0x0], $0xffff  }
0x19b: {  	v1 =	vmul.f32 v1, v6;
	v9 =	vld.idx.msk [tilespmem:v55+s31+$0x0], $0xffff;
	v6 =	vsub.f32 v14, v56;
	v5 =	vsub.f32 v15, v2  }
0x19c: {  	s28 =	simm.s32 $0x1BA40;
	v8 =	vld.idx.msk [tilespmem:v57+s31+$0x0], $0xffff;
	v3 =	vsub.f32 v53, v59;
	v4 =	vsub.f32 v52, v58  }
0x19d: {  	s29 =	simm.s32 $0x0;
	s30 =	simm.s32 $0x100C0;
	[tilespmem:s28+$0x30] =	vst v1;
	v14 =	vmul.f32 v7, v63;
	v2 =	vsub.f32 v54, v60;
	v1 =	vsub.f32 v62, v61  }
.LBB2_6:
0x19e: {  	v15 =	vld [tilespmem:s30+$0x30];
	s29 =	sadd.s32 $0x80, s29;
	v13 =	vmul.f32 v6, v13;
	s25 =	sadd.s32 $0x80, s25  }
0x19f: {  	v11 =	vmul.f32 v5, v11;
	v16 =	vld [tilespmem:s25+$0x30];
	p0 =	slt.u32 s29, $0x1E80;
	v7 =	vmul.f32 v14, v7  }
0x1a0: {  	v12 =	vmul.f32 v4, v12;
	v14 =	vld [tilespmem:s30+$0xFFFFFFD0];
	v6 =	vmul.f32 v13, v6  }
0x1a1: {  	v5 =	vmul.f32 v11, v5;
	v13 =	vld [tilespmem:s30+$0xFFFFFFE0];
	[tilespmem:s28+$0xFFFFFFC0] =	vst v7;
	v7 =	vmul.f32 v3, v10  }
0x1a2: {  	v4 =	vmul.f32 v12, v4;
	v10 =	vld [tilespmem:s30+$0xFFFFFFF0];
	[tilespmem:s28+$0xFFFFFFD0] =	vst v6;
	v6 =	vmul.f32 v2, v9  }
0x1a3: {  	v9 =	vld [tilespmem:s30+$0x0];
	v11 =	vand.u32 v0, v15;
	[tilespmem:s28+$0xFFFFFFE0] =	vst v5;
	v3 =	vmul.f32 v7, v3;
	v5 =	vmul.f32 v1, v8  }
0x1a4: {  	v7 =	vld [tilespmem:s30+$0x10];
	v8 =	vand.u32 v0, v16;
	[tilespmem:s28+$0xFFFFFFF0] =	vst v4;
	v2 =	vmul.f32 v6, v2  }
0x1a5: {  	v4 =	vand.u32 v0, v14;
	v6 =	vshra.s32 v14, $0xF;
	v12 =	vld [tilespmem:s30+$0x20];
	[tilespmem:s28+$0x0] =	vst v3;
	v1 =	vmul.f32 v5, v1  }
0x1a6: {  	v3 =	vld [tilespmem:s30+$0xFFFFFFC0];
	v5 =	vand.u32 $0xFFFFFFFE, v6;
	v6 =	vand.u32 v0, v13;
	v13 =	vshra.s32 v13, $0xF;
	[tilespmem:s28+$0x10] =	vst v2  }
0x1a7: {  	v2 =	vld [tilespmem:s25+$0xFFFFFFC0];
	v13 =	vand.u32 $0xFFFFFFFE, v13;
	v14 =	vand.u32 v0, v10;
	v10 =	vshra.s32 v10, $0xF;
	[tilespmem:s28+$0x20] =	vst v1  }
0x1a8: {  	v1 =	vand.u32 $0xFFFFFFFE, v10;
	v10 =	vand.u32 v0, v9;
	v9 =	vshra.s32 v9, $0xF;
	v11 =	vld.idx.msk [tilespmem:v11+s6+$0x0], $0xffff  }
0x1a9: {  	v9 =	vand.u32 $0xFFFFFFFE, v9;
	v17 =	vand.u32 v0, v7;
	v7 =	vshra.s32 v7, $0xF;
	v8 =	vld.idx.msk [tilespmem:v8+s6+$0x0], $0xffff  }
0x1aa: {  	v18 =	vld [tilespmem:s25+$0xFFFFFFD0];
	v7 =	vand.u32 $0xFFFFFFFE, v7;
	v19 =	vand.u32 v0, v12;
	v12 =	vshra.s32 v12, $0xF  }
0x1ab: {  	v20 =	vand.u32 v0, v3;
	v3 =	vshra.s32 v3, $0xF;
	v21 =	vld [tilespmem:s25+$0xFFFFFFE0];
	v12 =	vand.u32 $0xFFFFFFFE, v12  }
0x1ac: {  	v15 =	vshra.s32 v15, $0xF;
	v3 =	vand.u32 $0xFFFFFFFE, v3;
	v22 =	vand.u32 v0, v2;
	v23 =	vld [tilespmem:s25+$0xFFFFFFF0]  }
0x1ad: {  	v15 =	vand.u32 $0xFFFFFFFE, v15;
	v16 =	vshra.s32 v16, $0xF;
	v2 =	vshra.s32 v2, $0xF;
	v24 =	vld [tilespmem:s25+$0x0]  }
0x1ae: {  	v2 =	vand.u32 $0xFFFFFFFE, v2;
	v11 =	vshra.s32 v11, v15;
	v15 =	vand.u32 $0xFFFFFFFE, v16;
	v25 =	vld [tilespmem:s25+$0x10]  }
0x1af: {  	v8 =	vshra.s32 v8, v15;
	v11 =	vshll.u32 v11, $0x2;
	v16 =	vand.u32 v0, v18;
	v26 =	vld [tilespmem:s25+$0x20]  }
0x1b0: {  	v8 =	vand.u32 $0x3, v8;
	v11 =	vand.u32 $0xC, v11;
	v15 =	vld.idx.msk [tilespmem:v20+s6+$0x0], $0xffff;
	v20 =	vand.u32 v0, v21  }
0x1b1: {  	v18 =	vshra.s32 v18, $0xF;
	v8 =	vor.u32 v8, v11;
	v4 =	vld.idx.msk [tilespmem:v4+s6+$0x0], $0xffff;
	v27 =	vand.u32 v0, v23  }
0x1b2: {  	v11 =	vshra.s32 v21, $0xF;
	v21 =	vshra.s32 v23, $0xF;
	v6 =	vld.idx.msk [tilespmem:v6+s6+$0x0], $0xffff;
	v23 =	vand.u32 v0, v24  }
0x1b3: {  	v24 =	vshra.s32 v24, $0xF;
	v14 =	vld.idx.msk [tilespmem:v14+s6+$0x0], $0xffff;
	v28 =	vand.u32 v0, v25;
	v25 =	vshra.s32 v25, $0xF  }
0x1b4: {  	v18 =	vand.u32 $0xFFFFFFFE, v18;
	v10 =	vld.idx.msk [tilespmem:v10+s6+$0x0], $0xffff;
	v29 =	vand.u32 v0, v26;
	v26 =	vshra.s32 v26, $0xF  }
0x1b5: {  	v11 =	vand.u32 $0xFFFFFFFE, v11;
	v21 =	vand.u32 $0xFFFFFFFE, v21;
	v24 =	vand.u32 $0xFFFFFFFE, v24;
	v17 =	vld.idx.msk [tilespmem:v17+s6+$0x0], $0xffff  }
0x1b6: {  	s26 =	sadd.s32 $0x80, s26;
	v3 =	vshra.s32 v15, v3;
	v15 =	vand.u32 $0xFFFFFFFE, v25;
	v25 =	vand.u32 $0xFFFFFFFE, v26;
	v26 =	vld.idx.msk [tilespmem:v8+s0+$0x0], $0xffff  }
0x1b7: {  	v3 =	vshll.u32 v3, $0x2;
	v4 =	vshra.s32 v4, v5;
	v5 =	vld [tilespmem:s26+$0x30]  }
0x1b8: {  	v3 =	vand.u32 $0xC, v3;
	v4 =	vshll.u32 v4, $0x2;
	v6 =	vshra.s32 v6, v13;
	v8 =	vld.idx.msk [tilespmem:v8+s31+$0x0], $0xffff  }
0x1b9: {  	v4 =	vand.u32 $0xC, v4;
	v6 =	vshll.u32 v6, $0x2;
	v1 =	vshra.s32 v14, v1;
	v13 =	vld.idx.msk [tilespmem:v19+s6+$0x0], $0xffff  }
0x1ba: {  	v6 =	vand.u32 $0xC, v6;
	v1 =	vshll.u32 v1, $0x2;
	v9 =	vshra.s32 v10, v9;
	v14 =	vld.idx.msk [tilespmem:v22+s6+$0x0], $0xffff  }
0x1bb: {  	v1 =	vand.u32 $0xC, v1;
	v9 =	vshll.u32 v9, $0x2;
	v7 =	vshra.s32 v17, v7;
	v10 =	vld.idx.msk [tilespmem:v16+s6+$0x0], $0xffff  }
0x1bc: {  	v9 =	vand.u32 $0xC, v9;
	v7 =	vshll.u32 v7, $0x2;
	v16 =	vld.idx.msk [tilespmem:v20+s6+$0x0], $0xffff;
	v5 =	vsub.f32 v5, v26  }
0x1bd: {  	v7 =	vand.u32 $0xC, v7;
	v17 =	vld.idx.msk [tilespmem:v27+s6+$0x0], $0xffff  }
0x1be: {  	v19 =	vld.idx.msk [tilespmem:v23+s6+$0x0], $0xffff;
	v8 =	vmul.f32 v5, v8  }
0x1bf: {  	v12 =	vshra.s32 v13, v12;
	v20 =	vld.idx.msk [tilespmem:v28+s6+$0x0], $0xffff  }
0x1c0: {  	v2 =	vshra.s32 v14, v2;
	v12 =	vshll.u32 v12, $0x2;
	v13 =	vld.idx.msk [tilespmem:v29+s6+$0x0], $0xffff;
	v5 =	vmul.f32 v8, v5  }
0x1c1: {  	s28 =	sadd.s32 $0x80, s28;
	v2 =	vand.u32 $0x3, v2;
	v10 =	vshra.s32 v10, v18;
	v12 =	vand.u32 $0xC, v12;
	v8 =	vld [tilespmem:s26+$0xFFFFFFC0]  }
0x1c2: {  	v2 =	vor.u32 v2, v3;
	v10 =	vand.u32 $0x3, v10;
	v11 =	vshra.s32 v16, v11;
	v3 =	vld [tilespmem:s26+$0xFFFFFFD0];
	[tilespmem:s28+$0x30] =	vst v5  }
0x1c3: {  	v4 =	vor.u32 v10, v4;
	v10 =	vand.u32 $0x3, v11;
	v11 =	vshra.s32 v17, v21;
	v5 =	vld [tilespmem:s26+$0xFFFFFFE0]  }
0x1c4: {  	v10 =	vor.u32 v10, v6;
	v6 =	vand.u32 $0x3, v11;
	v11 =	vshra.s32 v19, v24;
	v14 =	vld [tilespmem:s26+$0xFFFFFFF0]  }
0x1c5: {  	v1 =	vor.u32 v6, v1;
	v6 =	vand.u32 $0x3, v11;
	v11 =	vshra.s32 v20, v15;
	v16 =	vld [tilespmem:s26+$0x0]  }
0x1c6: {  	v9 =	vor.u32 v6, v9;
	v6 =	vand.u32 $0x3, v11;
	v11 =	vshra.s32 v13, v25;
	v15 =	vld [tilespmem:s26+$0x10]  }
0x1c7: {  	v17 =	vor.u32 v6, v7;
	v6 =	vand.u32 $0x3, v11;
	v13 =	vld.idx.msk [tilespmem:v2+s0+$0x0], $0xffff  }
0x1c8: {  	v18 =	vor.u32 v6, v12;
	v11 =	vld.idx.msk [tilespmem:v4+s0+$0x0], $0xffff  }
0x1c9: {  	v12 =	vld.idx.msk [tilespmem:v10+s0+$0x0], $0xffff  }
0x1ca: {  	v19 =	vld.idx.msk [tilespmem:v1+s0+$0x0], $0xffff  }
0x1cb: {  	v20 =	vld.idx.msk [tilespmem:v9+s0+$0x0], $0xffff  }
0x1cc: {  	v21 =	vld.idx.msk [tilespmem:v17+s0+$0x0], $0xffff  }
0x1cd: {  	v7 =	vsub.f32 v8, v13;
	v8 =	vld.idx.msk [tilespmem:v18+s0+$0x0], $0xffff  }
0x1ce: {  	v6 =	vsub.f32 v3, v11;
	v22 =	vld [tilespmem:s26+$0x20]  }
0x1cf: {  	v5 =	vsub.f32 v5, v12;
	v23 =	vld.idx.msk [tilespmem:v2+s31+$0x0], $0xffff  }
0x1d0: {  	v13 =	vld.idx.msk [tilespmem:v4+s31+$0x0], $0xffff;
	v4 =	vsub.f32 v14, v19  }
.Ltmp2:
0x1d1: {  	v3 =	vsub.f32 v16, v20;
	v11 =	vld.idx.msk [tilespmem:v10+s31+$0x0], $0xffff;
	(pc) =	sbr.rel @p0 .LBB2_6-.Ltmp2, $4  }
0x1d2: {  	v2 =	vsub.f32 v15, v21;
	v12 =	vld.idx.msk [tilespmem:v1+s31+$0x0], $0xffff  }
0x1d3: {  	v10 =	vld.idx.msk [tilespmem:v9+s31+$0x0], $0xffff;
	v1 =	vsub.f32 v22, v8  }
0x1d4: {  	v9 =	vld.idx.msk [tilespmem:v17+s31+$0x0], $0xffff  }
0x1d5: {  	s30 =	sadd.s32 $0x80, s30;
	v14 =	vmul.f32 v7, v23;
	v8 =	vld.idx.msk [tilespmem:v18+s31+$0x0], $0xffff  }
0x1d6: {  	v13 =	vmul.f32 v6, v13  }
0x1d7: {  	v11 =	vmul.f32 v5, v11;
	v7 =	vmul.f32 v14, v7  }
0x1d8: {  	v12 =	vmul.f32 v4, v12;
	v6 =	vmul.f32 v13, v6  }
0x1d9: {  	v5 =	vmul.f32 v11, v5;
	[tilespmem:s28+$0xFFFFFFC0] =	vst v7;
	v7 =	vmul.f32 v3, v10  }
0x1da: {  	v4 =	vmul.f32 v12, v4;
	[tilespmem:s28+$0xFFFFFFD0] =	vst v6;
	v6 =	vmul.f32 v2, v9  }
0x1db: {  	[tilespmem:s28+$0xFFFFFFE0] =	vst v5;
	v5 =	vmul.f32 v1, v8;
	v3 =	vmul.f32 v7, v3  }
0x1dc: {  	[tilespmem:s28+$0xFFFFFFF0] =	vst v4;
	v2 =	vmul.f32 v6, v2  }
0x1dd: {  	v1 =	vmul.f32 v5, v1;
	[tilespmem:s28+$0x0] =	vst v3  }
0x1de: {  	[tilespmem:s28+$0x10] =	vst v2  }
0x1df: {  	s24 =	sadd.s32 s4, s24;
	[tilespmem:s28+$0x20] =	vst v1  }
0x1e0: {  	[hbm4b:s24+s6] =	stream.linear.scatter [tilespmem:s21], [sflag:$0x3], $0x1F00, $0x38;
	[tilespmem:$0x1FA00] =	vst v63  }
0x1e1: {  	p0 =	slt.s32 s16, s12;
	s24 =	smov.u32 s12  }
0x1e2: {  	s24 =	smov.u32 @p0 s16  }
0x1e3: {  	s24 =	sshrl.u32 s24, $0x3  }
0x1e4: {  	s26 =	simm.s32 $0x10000;
	s25 =	sadd.s32 s1, s24  }
0x1e5: {  	[tilespmem:s26], [sflag:$0x1] =	stream.linear.gather [hbm4b:s25+s6], $0x1F00, $0x38;
	[tilespmem:$0x1FA00] =	vst v63  }
0x1e6: {  	s25 =	sadd.s32 s2, s24;
	s26 =	simm.s32 $0x13E00  }
0x1e7: {  	[tilespmem:s26], [sflag:$0x1] =	stream.linear.gather [hbm4b:s25+s6], $0x1F00, $0x38;
	[tilespmem:$0x1FA00] =	vst v63  }
0x1e8: {  	s25 =	sadd.s32 s3, s24;
	s26 =	simm.s32 $0x17C00  }
0x1e9: {  	[tilespmem:s26], [sflag:$0x1] =	stream.linear.gather [hbm4b:s25+s6], $0x1F00, $0x38;
	[tilespmem:$0x1FA00] =	vst v63  }
0x1ea: {  	_ =	swait.ge [sflag:s22], $0x1F00  }
0x1eb: {  	[sflag:s22] =	ssyncset.done $0x0  }
0x1ec: {  	[sflag:s22] =	ssyncadd.s32 $0xFFFFE100  }
0x1ed: {  	_ =	swait.ge [sflag:s22], $0x1F00  }
0x1ee: {  	[sflag:s22] =	ssyncset.done $0x0  }
0x1ef: {  	[sflag:s22] =	ssyncadd.s32 $0xFFFFE100  }
0x1f0: {  	_ =	swait.ge [sflag:s22], $0x1F00  }
0x1f1: {  	[sflag:s22] =	ssyncset.done $0x0  }
0x1f2: {  	[sflag:s22] =	ssyncadd.s32 $0xFFFFE100  }
0x1f3: {  	_ =	swait.ge [sflag:s9], $0x1F00  }
0x1f4: {  	[sflag:s9] =	ssyncset.done $0x0  }
0x1f5: {  	s26 =	simm.s32 $0x11F40;
	[sflag:s9] =	ssyncadd.s32 $0xFFFFE100  }
0x1f6: {  	s25 =	simm.s32 $0x15D40;
	v1 =	vld [tilespmem:s26+$0x30]  }
0x1f7: {  	v2 =	vld [tilespmem:s25+$0x30]  }
0x1f8: {  	v3 =	vld [tilespmem:s26+$0xFFFFFFD0]  }
0x1f9: {  	v4 =	vld [tilespmem:s26+$0xFFFFFFE0]  }
0x1fa: {  	v5 =	vld [tilespmem:s26+$0xFFFFFFF0]  }
0x1fb: {  	v6 =	vld [tilespmem:s26+$0x0]  }
0x1fc: {  	v8 =	vld [tilespmem:s26+$0x10]  }
0x1fd: {  	v10 =	vld [tilespmem:s26+$0x20]  }
0x1fe: {  	v11 =	vld [tilespmem:s26+$0xFFFFFFC0]  }
0x1ff: {  	v12 =	vld [tilespmem:s25+$0xFFFFFFC0]  }
0x200: {  	v15 =	vld [tilespmem:s25+$0xFFFFFFD0]  }
0x201: {  	v18 =	vld [tilespmem:s25+$0xFFFFFFE0]  }
0x202: {  	v20 =	vld [tilespmem:s25+$0xFFFFFFF0];
	v7 =	vand.u32 v0, v1  }
0x203: {  	v21 =	vld [tilespmem:s25+$0x0];
	v9 =	vand.u32 v0, v2  }
0x204: {  	v22 =	vld [tilespmem:s25+$0x10];
	v13 =	vand.u32 v0, v3;
	v3 =	vshra.s32 v3, $0xF;
	v14 =	vshra.s32 v4, $0xF  }
0x205: {  	v23 =	vld [tilespmem:s25+$0x20];
	s26 =	simm.s32 $0x19B40;
	v4 =	vand.u32 v0, v4;
	v16 =	vand.u32 v0, v5;
	v5 =	vshra.s32 v5, $0xF  }
0x206: {  	v51 =	vld [tilespmem:s26+$0xFFFFFFC0];
	v17 =	vand.u32 v0, v11;
	v19 =	vand.u32 v0, v6;
	v1 =	vshra.s32 v1, $0xF  }
0x207: {  	v6 =	vshra.s32 v6, $0xF;
	v2 =	vshra.s32 v2, $0xF;
	v46 =	vshra.s32 v10, $0xF;
	v7 =	vld.idx.msk [tilespmem:v7+s6+$0x0], $0xffff  }
0x208: {  	v47 =	vand.u32 v0, v12;
	v12 =	vshra.s32 v12, $0xF;
	v24 =	vand.u32 v0, v15;
	v9 =	vld.idx.msk [tilespmem:v9+s6+$0x0], $0xffff  }
0x209: {  	v52 =	vld [tilespmem:s26+$0xFFFFFFF0];
	v25 =	vand.u32 v0, v18;
	v15 =	vshra.s32 v15, $0xF;
	v26 =	vand.u32 v0, v20  }
0x20a: {  	v53 =	vld [tilespmem:s26+$0x0];
	v18 =	vshra.s32 v18, $0xF;
	v20 =	vshra.s32 v20, $0xF;
	v27 =	vand.u32 v0, v21  }
0x20b: {  	v54 =	vld [tilespmem:s26+$0x10];
	v21 =	vshra.s32 v21, $0xF;
	v29 =	vand.u32 v0, v22;
	v1 =	vand.u32 $0xFFFFFFFE, v1  }
0x20c: {  	v22 =	vshra.s32 v22, $0xF;
	v2 =	vand.u32 $0xFFFFFFFE, v2;
	v13 =	vld.idx.msk [tilespmem:v13+s6+$0x0], $0xffff;
	v1 =	vshra.s32 v7, v1  }
0x20d: {  	v3 =	vand.u32 $0xFFFFFFFE, v3;
	v4 =	vld.idx.msk [tilespmem:v4+s6+$0x0], $0xffff;
	v2 =	vshra.s32 v9, v2;
	v1 =	vshll.u32 v1, $0x2  }
0x20e: {  	v16 =	vld.idx.msk [tilespmem:v16+s6+$0x0], $0xffff;
	v7 =	vand.u32 v0, v8;
	v2 =	vand.u32 $0x3, v2;
	v1 =	vand.u32 $0xC, v1  }
0x20f: {  	v14 =	vand.u32 $0xFFFFFFFE, v14;
	v19 =	vld.idx.msk [tilespmem:v19+s6+$0x0], $0xffff;
	v1 =	vor.u32 v2, v1;
	v2 =	vand.u32 v0, v10  }
0x210: {  	v62 =	vld [tilespmem:s26+$0x20];
	v5 =	vand.u32 $0xFFFFFFFE, v5;
	v6 =	vand.u32 $0xFFFFFFFE, v6;
	v12 =	vand.u32 $0xFFFFFFFE, v12  }
0x211: {  	v15 =	vand.u32 $0xFFFFFFFE, v15;
	v18 =	vand.u32 $0xFFFFFFFE, v18;
	v20 =	vand.u32 $0xFFFFFFFE, v20;
	v9 =	vld.idx.msk [tilespmem:v17+s6+$0x0], $0xffff  }
0x212: {  	v21 =	vand.u32 $0xFFFFFFFE, v21;
	v22 =	vand.u32 $0xFFFFFFFE, v22;
	v8 =	vshra.s32 v8, $0xF;
	v17 =	vld.idx.msk [tilespmem:v47+s6+$0x0], $0xffff  }
0x213: {  	v3 =	vshra.s32 v13, v3;
	v13 =	vand.u32 v0, v23;
	v23 =	vshra.s32 v23, $0xF;
	v7 =	vld.idx.msk [tilespmem:v7+s6+$0x0], $0xffff  }
0x214: {  	v4 =	vshra.s32 v4, v14;
	v5 =	vshra.s32 v16, v5;
	v6 =	vshra.s32 v19, v6;
	v2 =	vld.idx.msk [tilespmem:v2+s6+$0x0], $0xffff  }
0x215: {  	v48 =	vld.idx.msk [tilespmem:v25+s6+$0x0], $0xffff;
	v8 =	vand.u32 $0xFFFFFFFE, v8;
	v23 =	vand.u32 $0xFFFFFFFE, v23;
	v10 =	vshra.s32 v11, $0xF  }
0x216: {  	v14 =	vld.idx.msk [tilespmem:v24+s6+$0x0], $0xffff;
	v3 =	vshll.u32 v3, $0x2;
	v4 =	vshll.u32 v4, $0x2;
	v10 =	vand.u32 $0xFFFFFFFE, v10  }
0x217: {  	v49 =	vld.idx.msk [tilespmem:v26+s6+$0x0], $0xffff;
	v5 =	vshll.u32 v5, $0x2;
	v6 =	vshll.u32 v6, $0x2;
	v9 =	vshra.s32 v9, v10  }
0x218: {  	v50 =	vld.idx.msk [tilespmem:v29+s6+$0x0], $0xffff;
	v3 =	vand.u32 $0xC, v3;
	v11 =	vand.u32 $0xFFFFFFFE, v46;
	v9 =	vshll.u32 v9, $0x2  }
0x219: {  	v7 =	vshra.s32 v7, v8;
	v8 =	vld.idx.msk [tilespmem:v27+s6+$0x0], $0xffff;
	v2 =	vshra.s32 v2, v11;
	v11 =	vshra.s32 v17, v12  }
0x21a: {  	v4 =	vand.u32 $0xC, v4;
	v10 =	vld [tilespmem:s26+$0x30];
	v9 =	vand.u32 $0xC, v9;
	v11 =	vand.u32 $0x3, v11  }
0x21b: {  	v5 =	vand.u32 $0xC, v5;
	v12 =	vld.idx.msk [tilespmem:v13+s6+$0x0], $0xffff;
	v13 =	vshra.s32 v14, v15;
	v9 =	vor.u32 v11, v9  }
0x21c: {  	v6 =	vand.u32 $0xC, v6;
	v28 =	vld.idx.msk [tilespmem:v1+s0+$0x0], $0xffff;
	v11 =	vand.u32 $0x3, v13;
	v13 =	vshra.s32 v48, v18  }
0x21d: {  	v1 =	vld.idx.msk [tilespmem:v1+s31+$0x0], $0xffff;
	v3 =	vor.u32 v11, v3;
	v11 =	vand.u32 $0x3, v13;
	v13 =	vshra.s32 v49, v20  }
0x21e: {  	v14 =	vld [tilespmem:s26+$0xFFFFFFD0];
	v8 =	vshra.s32 v8, v21;
	v4 =	vor.u32 v11, v4;
	v11 =	vand.u32 $0x3, v13  }
0x21f: {  	v15 =	vld [tilespmem:s26+$0xFFFFFFE0];
	v8 =	vand.u32 $0x3, v8;
	v5 =	vor.u32 v11, v5;
	v11 =	vshra.s32 v50, v22  }
0x220: {  	v8 =	vor.u32 v8, v6;
	v6 =	vand.u32 $0x3, v11;
	v11 =	vshra.s32 v12, v23;
	v12 =	vld.idx.msk [tilespmem:v9+s0+$0x0], $0xffff  }
0x221: {  	v7 =	vshll.u32 v7, $0x2;
	v63 =	vld.idx.msk [tilespmem:v9+s31+$0x0], $0xffff  }
0x222: {  	v7 =	vand.u32 $0xC, v7;
	v2 =	vshll.u32 v2, $0x2;
	v56 =	vld.idx.msk [tilespmem:v3+s0+$0x0], $0xffff  }
0x223: {  	v2 =	vand.u32 $0xC, v2;
	v55 =	vor.u32 v6, v7;
	v6 =	vand.u32 $0x3, v11;
	v13 =	vld.idx.msk [tilespmem:v3+s31+$0x0], $0xffff  }
0x224: {  	v57 =	vor.u32 v6, v2;
	v2 =	vld.idx.msk [tilespmem:v4+s0+$0x0], $0xffff  }
0x225: {  	v59 =	vld.idx.msk [tilespmem:v8+s0+$0x0], $0xffff  }
0x226: {  	v11 =	vld.idx.msk [tilespmem:v4+s31+$0x0], $0xffff  }
0x227: {  	v58 =	vld.idx.msk [tilespmem:v5+s0+$0x0], $0xffff  }
0x228: {  	v6 =	vsub.f32 v10, v28;
	v60 =	vld.idx.msk [tilespmem:v55+s0+$0x0], $0xffff  }
0x229: {  	v61 =	vld.idx.msk [tilespmem:v57+s0+$0x0], $0xffff  }
0x22a: {  	v10 =	vld.idx.msk [tilespmem:v8+s31+$0x0], $0xffff;
	v1 =	vmul.f32 v6, v1  }
0x22b: {  	v7 =	vsub.f32 v51, v12;
	v12 =	vld.idx.msk [tilespmem:v5+s31+$0x0], $0xffff  }
0x22c: {  	v1 =	vmul.f32 v1, v6;
	v9 =	vld.idx.msk [tilespmem:v55+s31+$0x0], $0xffff;
	v6 =	vsub.f32 v14, v56;
	v5 =	vsub.f32 v15, v2  }
0x22d: {  	s28 =	simm.s32 $0x1D940;
	v8 =	vld.idx.msk [tilespmem:v57+s31+$0x0], $0xffff;
	v3 =	vsub.f32 v53, v59;
	v4 =	vsub.f32 v52, v58  }
0x22e: {  	s29 =	simm.s32 $0x0;
	s30 =	simm.s32 $0x11FC0;
	[tilespmem:s28+$0x30] =	vst v1;
	v14 =	vmul.f32 v7, v63;
	v2 =	vsub.f32 v54, v60;
	v1 =	vsub.f32 v62, v61  }
.LBB2_8:
0x22f: {  	v15 =	vld [tilespmem:s30+$0x30];
	s29 =	sadd.s32 $0x80, s29;
	v13 =	vmul.f32 v6, v13;
	s25 =	sadd.s32 $0x80, s25  }
0x230: {  	v11 =	vmul.f32 v5, v11;
	v16 =	vld [tilespmem:s25+$0x30];
	p0 =	slt.u32 s29, $0x1E80;
	v7 =	vmul.f32 v14, v7  }
0x231: {  	v12 =	vmul.f32 v4, v12;
	v14 =	vld [tilespmem:s30+$0xFFFFFFD0];
	v6 =	vmul.f32 v13, v6  }
0x232: {  	v5 =	vmul.f32 v11, v5;
	v13 =	vld [tilespmem:s30+$0xFFFFFFE0];
	[tilespmem:s28+$0xFFFFFFC0] =	vst v7;
	v7 =	vmul.f32 v3, v10  }
0x233: {  	v4 =	vmul.f32 v12, v4;
	v10 =	vld [tilespmem:s30+$0xFFFFFFF0];
	[tilespmem:s28+$0xFFFFFFD0] =	vst v6;
	v6 =	vmul.f32 v2, v9  }
0x234: {  	v9 =	vld [tilespmem:s30+$0x0];
	v11 =	vand.u32 v0, v15;
	[tilespmem:s28+$0xFFFFFFE0] =	vst v5;
	v3 =	vmul.f32 v7, v3;
	v5 =	vmul.f32 v1, v8  }
0x235: {  	v7 =	vld [tilespmem:s30+$0x10];
	v8 =	vand.u32 v0, v16;
	[tilespmem:s28+$0xFFFFFFF0] =	vst v4;
	v2 =	vmul.f32 v6, v2  }
0x236: {  	v4 =	vand.u32 v0, v14;
	v6 =	vshra.s32 v14, $0xF;
	v12 =	vld [tilespmem:s30+$0x20];
	[tilespmem:s28+$0x0] =	vst v3;
	v1 =	vmul.f32 v5, v1  }
0x237: {  	v3 =	vld [tilespmem:s30+$0xFFFFFFC0];
	v5 =	vand.u32 $0xFFFFFFFE, v6;
	v6 =	vand.u32 v0, v13;
	v13 =	vshra.s32 v13, $0xF;
	[tilespmem:s28+$0x10] =	vst v2  }
0x238: {  	v2 =	vld [tilespmem:s25+$0xFFFFFFC0];
	v13 =	vand.u32 $0xFFFFFFFE, v13;
	v14 =	vand.u32 v0, v10;
	v10 =	vshra.s32 v10, $0xF;
	[tilespmem:s28+$0x20] =	vst v1  }
0x239: {  	v1 =	vand.u32 $0xFFFFFFFE, v10;
	v10 =	vand.u32 v0, v9;
	v9 =	vshra.s32 v9, $0xF;
	v11 =	vld.idx.msk [tilespmem:v11+s6+$0x0], $0xffff  }
0x23a: {  	v9 =	vand.u32 $0xFFFFFFFE, v9;
	v17 =	vand.u32 v0, v7;
	v7 =	vshra.s32 v7, $0xF;
	v8 =	vld.idx.msk [tilespmem:v8+s6+$0x0], $0xffff  }
0x23b: {  	v18 =	vld [tilespmem:s25+$0xFFFFFFD0];
	v7 =	vand.u32 $0xFFFFFFFE, v7;
	v19 =	vand.u32 v0, v12;
	v12 =	vshra.s32 v12, $0xF  }
0x23c: {  	v20 =	vand.u32 v0, v3;
	v3 =	vshra.s32 v3, $0xF;
	v21 =	vld [tilespmem:s25+$0xFFFFFFE0];
	v12 =	vand.u32 $0xFFFFFFFE, v12  }
0x23d: {  	v15 =	vshra.s32 v15, $0xF;
	v3 =	vand.u32 $0xFFFFFFFE, v3;
	v22 =	vand.u32 v0, v2;
	v23 =	vld [tilespmem:s25+$0xFFFFFFF0]  }
0x23e: {  	v15 =	vand.u32 $0xFFFFFFFE, v15;
	v16 =	vshra.s32 v16, $0xF;
	v2 =	vshra.s32 v2, $0xF;
	v24 =	vld [tilespmem:s25+$0x0]  }
0x23f: {  	v2 =	vand.u32 $0xFFFFFFFE, v2;
	v11 =	vshra.s32 v11, v15;
	v15 =	vand.u32 $0xFFFFFFFE, v16;
	v25 =	vld [tilespmem:s25+$0x10]  }
0x240: {  	v8 =	vshra.s32 v8, v15;
	v11 =	vshll.u32 v11, $0x2;
	v16 =	vand.u32 v0, v18;
	v26 =	vld [tilespmem:s25+$0x20]  }
0x241: {  	v8 =	vand.u32 $0x3, v8;
	v11 =	vand.u32 $0xC, v11;
	v15 =	vld.idx.msk [tilespmem:v20+s6+$0x0], $0xffff;
	v20 =	vand.u32 v0, v21  }
0x242: {  	v18 =	vshra.s32 v18, $0xF;
	v8 =	vor.u32 v8, v11;
	v4 =	vld.idx.msk [tilespmem:v4+s6+$0x0], $0xffff;
	v27 =	vand.u32 v0, v23  }
0x243: {  	v11 =	vshra.s32 v21, $0xF;
	v21 =	vshra.s32 v23, $0xF;
	v6 =	vld.idx.msk [tilespmem:v6+s6+$0x0], $0xffff;
	v23 =	vand.u32 v0, v24  }
0x244: {  	v24 =	vshra.s32 v24, $0xF;
	v14 =	vld.idx.msk [tilespmem:v14+s6+$0x0], $0xffff;
	v28 =	vand.u32 v0, v25;
	v25 =	vshra.s32 v25, $0xF  }
0x245: {  	v18 =	vand.u32 $0xFFFFFFFE, v18;
	v10 =	vld.idx.msk [tilespmem:v10+s6+$0x0], $0xffff;
	v29 =	vand.u32 v0, v26;
	v26 =	vshra.s32 v26, $0xF  }
0x246: {  	v11 =	vand.u32 $0xFFFFFFFE, v11;
	v21 =	vand.u32 $0xFFFFFFFE, v21;
	v24 =	vand.u32 $0xFFFFFFFE, v24;
	v17 =	vld.idx.msk [tilespmem:v17+s6+$0x0], $0xffff  }
0x247: {  	s26 =	sadd.s32 $0x80, s26;
	v3 =	vshra.s32 v15, v3;
	v15 =	vand.u32 $0xFFFFFFFE, v25;
	v25 =	vand.u32 $0xFFFFFFFE, v26;
	v26 =	vld.idx.msk [tilespmem:v8+s0+$0x0], $0xffff  }
0x248: {  	v3 =	vshll.u32 v3, $0x2;
	v4 =	vshra.s32 v4, v5;
	v5 =	vld [tilespmem:s26+$0x30]  }
0x249: {  	v3 =	vand.u32 $0xC, v3;
	v4 =	vshll.u32 v4, $0x2;
	v6 =	vshra.s32 v6, v13;
	v8 =	vld.idx.msk [tilespmem:v8+s31+$0x0], $0xffff  }
0x24a: {  	v4 =	vand.u32 $0xC, v4;
	v6 =	vshll.u32 v6, $0x2;
	v1 =	vshra.s32 v14, v1;
	v13 =	vld.idx.msk [tilespmem:v19+s6+$0x0], $0xffff  }
0x24b: {  	v6 =	vand.u32 $0xC, v6;
	v1 =	vshll.u32 v1, $0x2;
	v9 =	vshra.s32 v10, v9;
	v14 =	vld.idx.msk [tilespmem:v22+s6+$0x0], $0xffff  }
0x24c: {  	v1 =	vand.u32 $0xC, v1;
	v9 =	vshll.u32 v9, $0x2;
	v7 =	vshra.s32 v17, v7;
	v10 =	vld.idx.msk [tilespmem:v16+s6+$0x0], $0xffff  }
0x24d: {  	v9 =	vand.u32 $0xC, v9;
	v7 =	vshll.u32 v7, $0x2;
	v16 =	vld.idx.msk [tilespmem:v20+s6+$0x0], $0xffff;
	v5 =	vsub.f32 v5, v26  }
0x24e: {  	v7 =	vand.u32 $0xC, v7;
	v17 =	vld.idx.msk [tilespmem:v27+s6+$0x0], $0xffff  }
0x24f: {  	v19 =	vld.idx.msk [tilespmem:v23+s6+$0x0], $0xffff;
	v8 =	vmul.f32 v5, v8  }
0x250: {  	v12 =	vshra.s32 v13, v12;
	v20 =	vld.idx.msk [tilespmem:v28+s6+$0x0], $0xffff  }
0x251: {  	v2 =	vshra.s32 v14, v2;
	v12 =	vshll.u32 v12, $0x2;
	v13 =	vld.idx.msk [tilespmem:v29+s6+$0x0], $0xffff;
	v5 =	vmul.f32 v8, v5  }
0x252: {  	s28 =	sadd.s32 $0x80, s28;
	v2 =	vand.u32 $0x3, v2;
	v10 =	vshra.s32 v10, v18;
	v12 =	vand.u32 $0xC, v12;
	v8 =	vld [tilespmem:s26+$0xFFFFFFC0]  }
0x253: {  	v2 =	vor.u32 v2, v3;
	v10 =	vand.u32 $0x3, v10;
	v11 =	vshra.s32 v16, v11;
	v3 =	vld [tilespmem:s26+$0xFFFFFFD0];
	[tilespmem:s28+$0x30] =	vst v5  }
0x254: {  	v4 =	vor.u32 v10, v4;
	v10 =	vand.u32 $0x3, v11;
	v11 =	vshra.s32 v17, v21;
	v5 =	vld [tilespmem:s26+$0xFFFFFFE0]  }
0x255: {  	v10 =	vor.u32 v10, v6;
	v6 =	vand.u32 $0x3, v11;
	v11 =	vshra.s32 v19, v24;
	v14 =	vld [tilespmem:s26+$0xFFFFFFF0]  }
0x256: {  	v1 =	vor.u32 v6, v1;
	v6 =	vand.u32 $0x3, v11;
	v11 =	vshra.s32 v20, v15;
	v16 =	vld [tilespmem:s26+$0x0]  }
0x257: {  	v9 =	vor.u32 v6, v9;
	v6 =	vand.u32 $0x3, v11;
	v11 =	vshra.s32 v13, v25;
	v15 =	vld [tilespmem:s26+$0x10]  }
0x258: {  	v17 =	vor.u32 v6, v7;
	v6 =	vand.u32 $0x3, v11;
	v13 =	vld.idx.msk [tilespmem:v2+s0+$0x0], $0xffff  }
0x259: {  	v18 =	vor.u32 v6, v12;
	v11 =	vld.idx.msk [tilespmem:v4+s0+$0x0], $0xffff  }
0x25a: {  	v12 =	vld.idx.msk [tilespmem:v10+s0+$0x0], $0xffff  }
0x25b: {  	v19 =	vld.idx.msk [tilespmem:v1+s0+$0x0], $0xffff  }
0x25c: {  	v20 =	vld.idx.msk [tilespmem:v9+s0+$0x0], $0xffff  }
0x25d: {  	v21 =	vld.idx.msk [tilespmem:v17+s0+$0x0], $0xffff  }
0x25e: {  	v7 =	vsub.f32 v8, v13;
	v8 =	vld.idx.msk [tilespmem:v18+s0+$0x0], $0xffff  }
0x25f: {  	v6 =	vsub.f32 v3, v11;
	v22 =	vld [tilespmem:s26+$0x20]  }
0x260: {  	v5 =	vsub.f32 v5, v12;
	v23 =	vld.idx.msk [tilespmem:v2+s31+$0x0], $0xffff  }
0x261: {  	v13 =	vld.idx.msk [tilespmem:v4+s31+$0x0], $0xffff;
	v4 =	vsub.f32 v14, v19  }
.Ltmp3:
0x262: {  	v3 =	vsub.f32 v16, v20;
	v11 =	vld.idx.msk [tilespmem:v10+s31+$0x0], $0xffff;
	(pc) =	sbr.rel @p0 .LBB2_8-.Ltmp3, $4  }
0x263: {  	v2 =	vsub.f32 v15, v21;
	v12 =	vld.idx.msk [tilespmem:v1+s31+$0x0], $0xffff  }
0x264: {  	v10 =	vld.idx.msk [tilespmem:v9+s31+$0x0], $0xffff;
	v1 =	vsub.f32 v22, v8  }
0x265: {  	v9 =	vld.idx.msk [tilespmem:v17+s31+$0x0], $0xffff  }
0x266: {  	s30 =	sadd.s32 $0x80, s30;
	v14 =	vmul.f32 v7, v23;
	v8 =	vld.idx.msk [tilespmem:v18+s31+$0x0], $0xffff  }
0x267: {  	v13 =	vmul.f32 v6, v13  }
0x268: {  	v11 =	vmul.f32 v5, v11;
	v7 =	vmul.f32 v14, v7  }
0x269: {  	v12 =	vmul.f32 v4, v12;
	v6 =	vmul.f32 v13, v6  }
0x26a: {  	v5 =	vmul.f32 v11, v5;
	[tilespmem:s28+$0xFFFFFFC0] =	vst v7;
	v7 =	vmul.f32 v3, v10  }
0x26b: {  	v4 =	vmul.f32 v12, v4;
	[tilespmem:s28+$0xFFFFFFD0] =	vst v6;
	v6 =	vmul.f32 v2, v9  }
0x26c: {  	[tilespmem:s28+$0xFFFFFFE0] =	vst v5;
	v5 =	vmul.f32 v1, v8;
	v3 =	vmul.f32 v7, v3  }
0x26d: {  	[tilespmem:s28+$0xFFFFFFF0] =	vst v4;
	v2 =	vmul.f32 v6, v2  }
0x26e: {  	v1 =	vmul.f32 v5, v1;
	[tilespmem:s28+$0x0] =	vst v3  }
0x26f: {  	[tilespmem:s28+$0x10] =	vst v2  }
0x270: {  	s20 =	sadd.s32 s4, s20;
	[tilespmem:s28+$0x20] =	vst v1  }
0x271: {  	[hbm4b:s20+s6] =	stream.linear.scatter [tilespmem:s7], [sflag:$0x4], $0x1F00, $0x38;
	[tilespmem:$0x1FA00] =	vst v63  }
0x272: {  	p0 =	slt.s32 s17, s12;
	s20 =	smov.u32 s12  }
0x273: {  	s20 =	smov.u32 @p0 s17  }
0x274: {  	s20 =	sshrl.u32 s20, $0x3  }
0x275: {  	s26 =	simm.s32 $0x11F00;
	s25 =	sadd.s32 s1, s20  }
0x276: {  	[tilespmem:s26], [sflag:$0x2] =	stream.linear.gather [hbm4b:s25+s6], $0x1F00, $0x38;
	[tilespmem:$0x1FA00] =	vst v63  }
0x277: {  	s25 =	sadd.s32 s2, s20;
	s26 =	simm.s32 $0x15D00  }
0x278: {  	[tilespmem:s26], [sflag:$0x2] =	stream.linear.gather [hbm4b:s25+s6], $0x1F00, $0x38;
	[tilespmem:$0x1FA00] =	vst v63  }
0x279: {  	s25 =	sadd.s32 s3, s20;
	s26 =	simm.s32 $0x19B00  }
0x27a: {  	[tilespmem:s26], [sflag:$0x2] =	stream.linear.gather [hbm4b:s25+s6], $0x1F00, $0x38;
	[tilespmem:$0x1FA00] =	vst v63  }
0x27b: {  	_ =	swait.ge [sflag:s5], $0x1F00  }
0x27c: {  	[sflag:s5] =	ssyncset.done $0x0  }
0x27d: {  	[sflag:s5] =	ssyncadd.s32 $0xFFFFE100  }
0x27e: {  	_ =	swait.ge [sflag:s5], $0x1F00  }
0x27f: {  	[sflag:s5] =	ssyncset.done $0x0  }
0x280: {  	[sflag:s5] =	ssyncadd.s32 $0xFFFFE100  }
0x281: {  	_ =	swait.ge [sflag:s5], $0x1F00  }
0x282: {  	[sflag:s5] =	ssyncset.done $0x0  }
0x283: {  	[sflag:s5] =	ssyncadd.s32 $0xFFFFE100  }
0x284: {  	_ =	swait.ge [sflag:s8], $0x1F00  }
0x285: {  	[sflag:s8] =	ssyncset.done $0x0  }
0x286: {  	s26 =	simm.s32 $0x10040;
	[sflag:s8] =	ssyncadd.s32 $0xFFFFE100  }
0x287: {  	s25 =	simm.s32 $0x13E40;
	v1 =	vld [tilespmem:s26+$0x30]  }
0x288: {  	v2 =	vld [tilespmem:s25+$0x30]  }
0x289: {  	v3 =	vld [tilespmem:s26+$0xFFFFFFD0]  }
0x28a: {  	v4 =	vld [tilespmem:s26+$0xFFFFFFE0]  }
0x28b: {  	v5 =	vld [tilespmem:s26+$0xFFFFFFF0]  }
0x28c: {  	v6 =	vld [tilespmem:s26+$0x0]  }
0x28d: {  	v8 =	vld [tilespmem:s26+$0x10]  }
0x28e: {  	v10 =	vld [tilespmem:s26+$0x20]  }
0x28f: {  	v11 =	vld [tilespmem:s26+$0xFFFFFFC0]  }
0x290: {  	v12 =	vld [tilespmem:s25+$0xFFFFFFC0]  }
0x291: {  	v15 =	vld [tilespmem:s25+$0xFFFFFFD0]  }
0x292: {  	v18 =	vld [tilespmem:s25+$0xFFFFFFE0]  }
0x293: {  	v20 =	vld [tilespmem:s25+$0xFFFFFFF0];
	v7 =	vand.u32 v0, v1  }
0x294: {  	v21 =	vld [tilespmem:s25+$0x0];
	v9 =	vand.u32 v0, v2  }
0x295: {  	v22 =	vld [tilespmem:s25+$0x10];
	v13 =	vand.u32 v0, v3;
	v3 =	vshra.s32 v3, $0xF;
	v14 =	vshra.s32 v4, $0xF  }
0x296: {  	v23 =	vld [tilespmem:s25+$0x20];
	s26 =	simm.s32 $0x17C40;
	v4 =	vand.u32 v0, v4;
	v16 =	vand.u32 v0, v5;
	v5 =	vshra.s32 v5, $0xF  }
0x297: {  	v51 =	vld [tilespmem:s26+$0xFFFFFFC0];
	v17 =	vand.u32 v0, v11;
	v19 =	vand.u32 v0, v6;
	v1 =	vshra.s32 v1, $0xF  }
0x298: {  	v6 =	vshra.s32 v6, $0xF;
	v2 =	vshra.s32 v2, $0xF;
	v46 =	vshra.s32 v10, $0xF;
	v7 =	vld.idx.msk [tilespmem:v7+s6+$0x0], $0xffff  }
0x299: {  	v47 =	vand.u32 v0, v12;
	v12 =	vshra.s32 v12, $0xF;
	v24 =	vand.u32 v0, v15;
	v9 =	vld.idx.msk [tilespmem:v9+s6+$0x0], $0xffff  }
0x29a: {  	v52 =	vld [tilespmem:s26+$0xFFFFFFF0];
	v25 =	vand.u32 v0, v18;
	v15 =	vshra.s32 v15, $0xF;
	v26 =	vand.u32 v0, v20  }
0x29b: {  	v53 =	vld [tilespmem:s26+$0x0];
	v18 =	vshra.s32 v18, $0xF;
	v20 =	vshra.s32 v20, $0xF;
	v27 =	vand.u32 v0, v21  }
0x29c: {  	v54 =	vld [tilespmem:s26+$0x10];
	v21 =	vshra.s32 v21, $0xF;
	v29 =	vand.u32 v0, v22;
	v1 =	vand.u32 $0xFFFFFFFE, v1  }
0x29d: {  	v22 =	vshra.s32 v22, $0xF;
	v2 =	vand.u32 $0xFFFFFFFE, v2;
	v13 =	vld.idx.msk [tilespmem:v13+s6+$0x0], $0xffff;
	v1 =	vshra.s32 v7, v1  }
0x29e: {  	v3 =	vand.u32 $0xFFFFFFFE, v3;
	v4 =	vld.idx.msk [tilespmem:v4+s6+$0x0], $0xffff;
	v2 =	vshra.s32 v9, v2;
	v1 =	vshll.u32 v1, $0x2  }
0x29f: {  	v16 =	vld.idx.msk [tilespmem:v16+s6+$0x0], $0xffff;
	v7 =	vand.u32 v0, v8;
	v2 =	vand.u32 $0x3, v2;
	v1 =	vand.u32 $0xC, v1  }
0x2a0: {  	v14 =	vand.u32 $0xFFFFFFFE, v14;
	v19 =	vld.idx.msk [tilespmem:v19+s6+$0x0], $0xffff;
	v1 =	vor.u32 v2, v1;
	v2 =	vand.u32 v0, v10  }
0x2a1: {  	v62 =	vld [tilespmem:s26+$0x20];
	v5 =	vand.u32 $0xFFFFFFFE, v5;
	v6 =	vand.u32 $0xFFFFFFFE, v6;
	v12 =	vand.u32 $0xFFFFFFFE, v12  }
0x2a2: {  	v15 =	vand.u32 $0xFFFFFFFE, v15;
	v18 =	vand.u32 $0xFFFFFFFE, v18;
	v20 =	vand.u32 $0xFFFFFFFE, v20;
	v9 =	vld.idx.msk [tilespmem:v17+s6+$0x0], $0xffff  }
0x2a3: {  	v21 =	vand.u32 $0xFFFFFFFE, v21;
	v22 =	vand.u32 $0xFFFFFFFE, v22;
	v8 =	vshra.s32 v8, $0xF;
	v17 =	vld.idx.msk [tilespmem:v47+s6+$0x0], $0xffff  }
0x2a4: {  	v3 =	vshra.s32 v13, v3;
	v13 =	vand.u32 v0, v23;
	v23 =	vshra.s32 v23, $0xF;
	v7 =	vld.idx.msk [tilespmem:v7+s6+$0x0], $0xffff  }
0x2a5: {  	v4 =	vshra.s32 v4, v14;
	v5 =	vshra.s32 v16, v5;
	v6 =	vshra.s32 v19, v6;
	v2 =	vld.idx.msk [tilespmem:v2+s6+$0x0], $0xffff  }
0x2a6: {  	v48 =	vld.idx.msk [tilespmem:v25+s6+$0x0], $0xffff;
	v8 =	vand.u32 $0xFFFFFFFE, v8;
	v23 =	vand.u32 $0xFFFFFFFE, v23;
	v10 =	vshra.s32 v11, $0xF  }
0x2a7: {  	v14 =	vld.idx.msk [tilespmem:v24+s6+$0x0], $0xffff;
	v3 =	vshll.u32 v3, $0x2;
	v4 =	vshll.u32 v4, $0x2;
	v10 =	vand.u32 $0xFFFFFFFE, v10  }
0x2a8: {  	v49 =	vld.idx.msk [tilespmem:v26+s6+$0x0], $0xffff;
	v5 =	vshll.u32 v5, $0x2;
	v6 =	vshll.u32 v6, $0x2;
	v9 =	vshra.s32 v9, v10  }
0x2a9: {  	v50 =	vld.idx.msk [tilespmem:v29+s6+$0x0], $0xffff;
	v3 =	vand.u32 $0xC, v3;
	v11 =	vand.u32 $0xFFFFFFFE, v46;
	v9 =	vshll.u32 v9, $0x2  }
0x2aa: {  	v7 =	vshra.s32 v7, v8;
	v8 =	vld.idx.msk [tilespmem:v27+s6+$0x0], $0xffff;
	v2 =	vshra.s32 v2, v11;
	v11 =	vshra.s32 v17, v12  }
0x2ab: {  	v4 =	vand.u32 $0xC, v4;
	v10 =	vld [tilespmem:s26+$0x30];
	v9 =	vand.u32 $0xC, v9;
	v11 =	vand.u32 $0x3, v11  }
0x2ac: {  	v5 =	vand.u32 $0xC, v5;
	v12 =	vld.idx.msk [tilespmem:v13+s6+$0x0], $0xffff;
	v13 =	vshra.s32 v14, v15;
	v9 =	vor.u32 v11, v9  }
0x2ad: {  	v6 =	vand.u32 $0xC, v6;
	v28 =	vld.idx.msk [tilespmem:v1+s0+$0x0], $0xffff;
	v11 =	vand.u32 $0x3, v13;
	v13 =	vshra.s32 v48, v18  }
0x2ae: {  	v1 =	vld.idx.msk [tilespmem:v1+s31+$0x0], $0xffff;
	v3 =	vor.u32 v11, v3;
	v11 =	vand.u32 $0x3, v13;
	v13 =	vshra.s32 v49, v20  }
0x2af: {  	v14 =	vld [tilespmem:s26+$0xFFFFFFD0];
	v8 =	vshra.s32 v8, v21;
	v4 =	vor.u32 v11, v4;
	v11 =	vand.u32 $0x3, v13  }
0x2b0: {  	v15 =	vld [tilespmem:s26+$0xFFFFFFE0];
	v8 =	vand.u32 $0x3, v8;
	v5 =	vor.u32 v11, v5;
	v11 =	vshra.s32 v50, v22  }
0x2b1: {  	v8 =	vor.u32 v8, v6;
	v6 =	vand.u32 $0x3, v11;
	v11 =	vshra.s32 v12, v23;
	v12 =	vld.idx.msk [tilespmem:v9+s0+$0x0], $0xffff  }
0x2b2: {  	v7 =	vshll.u32 v7, $0x2;
	v63 =	vld.idx.msk [tilespmem:v9+s31+$0x0], $0xffff  }
0x2b3: {  	v7 =	vand.u32 $0xC, v7;
	v2 =	vshll.u32 v2, $0x2;
	v56 =	vld.idx.msk [tilespmem:v3+s0+$0x0], $0xffff  }
0x2b4: {  	v2 =	vand.u32 $0xC, v2;
	v55 =	vor.u32 v6, v7;
	v6 =	vand.u32 $0x3, v11;
	v13 =	vld.idx.msk [tilespmem:v3+s31+$0x0], $0xffff  }
0x2b5: {  	v57 =	vor.u32 v6, v2;
	v2 =	vld.idx.msk [tilespmem:v4+s0+$0x0], $0xffff  }
0x2b6: {  	v59 =	vld.idx.msk [tilespmem:v8+s0+$0x0], $0xffff  }
0x2b7: {  	v11 =	vld.idx.msk [tilespmem:v4+s31+$0x0], $0xffff  }
0x2b8: {  	v58 =	vld.idx.msk [tilespmem:v5+s0+$0x0], $0xffff  }
0x2b9: {  	v6 =	vsub.f32 v10, v28;
	v60 =	vld.idx.msk [tilespmem:v55+s0+$0x0], $0xffff  }
0x2ba: {  	v61 =	vld.idx.msk [tilespmem:v57+s0+$0x0], $0xffff  }
0x2bb: {  	v10 =	vld.idx.msk [tilespmem:v8+s31+$0x0], $0xffff;
	v1 =	vmul.f32 v6, v1  }
0x2bc: {  	v7 =	vsub.f32 v51, v12;
	v12 =	vld.idx.msk [tilespmem:v5+s31+$0x0], $0xffff  }
0x2bd: {  	v1 =	vmul.f32 v1, v6;
	v9 =	vld.idx.msk [tilespmem:v55+s31+$0x0], $0xffff;
	v6 =	vsub.f32 v14, v56;
	v5 =	vsub.f32 v15, v2  }
0x2be: {  	s28 =	simm.s32 $0x1BA40;
	v8 =	vld.idx.msk [tilespmem:v57+s31+$0x0], $0xffff;
	v3 =	vsub.f32 v53, v59;
	v4 =	vsub.f32 v52, v58  }
0x2bf: {  	s29 =	simm.s32 $0x0;
	s30 =	simm.s32 $0x100C0;
	[tilespmem:s28+$0x30] =	vst v1;
	v14 =	vmul.f32 v7, v63;
	v2 =	vsub.f32 v54, v60;
	v1 =	vsub.f32 v62, v61  }
.LBB2_10:
0x2c0: {  	v15 =	vld [tilespmem:s30+$0x30];
	s29 =	sadd.s32 $0x80, s29;
	v13 =	vmul.f32 v6, v13;
	s25 =	sadd.s32 $0x80, s25  }
0x2c1: {  	v11 =	vmul.f32 v5, v11;
	v16 =	vld [tilespmem:s25+$0x30];
	p0 =	slt.u32 s29, $0x1E80;
	v7 =	vmul.f32 v14, v7  }
0x2c2: {  	v12 =	vmul.f32 v4, v12;
	v14 =	vld [tilespmem:s30+$0xFFFFFFD0];
	v6 =	vmul.f32 v13, v6  }
0x2c3: {  	v5 =	vmul.f32 v11, v5;
	v13 =	vld [tilespmem:s30+$0xFFFFFFE0];
	[tilespmem:s28+$0xFFFFFFC0] =	vst v7;
	v7 =	vmul.f32 v3, v10  }
0x2c4: {  	v4 =	vmul.f32 v12, v4;
	v10 =	vld [tilespmem:s30+$0xFFFFFFF0];
	[tilespmem:s28+$0xFFFFFFD0] =	vst v6;
	v6 =	vmul.f32 v2, v9  }
0x2c5: {  	v9 =	vld [tilespmem:s30+$0x0];
	v11 =	vand.u32 v0, v15;
	[tilespmem:s28+$0xFFFFFFE0] =	vst v5;
	v3 =	vmul.f32 v7, v3;
	v5 =	vmul.f32 v1, v8  }
0x2c6: {  	v7 =	vld [tilespmem:s30+$0x10];
	v8 =	vand.u32 v0, v16;
	[tilespmem:s28+$0xFFFFFFF0] =	vst v4;
	v2 =	vmul.f32 v6, v2  }
0x2c7: {  	v4 =	vand.u32 v0, v14;
	v6 =	vshra.s32 v14, $0xF;
	v12 =	vld [tilespmem:s30+$0x20];
	[tilespmem:s28+$0x0] =	vst v3;
	v1 =	vmul.f32 v5, v1  }
0x2c8: {  	v3 =	vld [tilespmem:s30+$0xFFFFFFC0];
	v5 =	vand.u32 $0xFFFFFFFE, v6;
	v6 =	vand.u32 v0, v13;
	v13 =	vshra.s32 v13, $0xF;
	[tilespmem:s28+$0x10] =	vst v2  }
0x2c9: {  	v2 =	vld [tilespmem:s25+$0xFFFFFFC0];
	v13 =	vand.u32 $0xFFFFFFFE, v13;
	v14 =	vand.u32 v0, v10;
	v10 =	vshra.s32 v10, $0xF;
	[tilespmem:s28+$0x20] =	vst v1  }
0x2ca: {  	v1 =	vand.u32 $0xFFFFFFFE, v10;
	v10 =	vand.u32 v0, v9;
	v9 =	vshra.s32 v9, $0xF;
	v11 =	vld.idx.msk [tilespmem:v11+s6+$0x0], $0xffff  }
0x2cb: {  	v9 =	vand.u32 $0xFFFFFFFE, v9;
	v17 =	vand.u32 v0, v7;
	v7 =	vshra.s32 v7, $0xF;
	v8 =	vld.idx.msk [tilespmem:v8+s6+$0x0], $0xffff  }
0x2cc: {  	v18 =	vld [tilespmem:s25+$0xFFFFFFD0];
	v7 =	vand.u32 $0xFFFFFFFE, v7;
	v19 =	vand.u32 v0, v12;
	v12 =	vshra.s32 v12, $0xF  }
0x2cd: {  	v20 =	vand.u32 v0, v3;
	v3 =	vshra.s32 v3, $0xF;
	v21 =	vld [tilespmem:s25+$0xFFFFFFE0];
	v12 =	vand.u32 $0xFFFFFFFE, v12  }
0x2ce: {  	v15 =	vshra.s32 v15, $0xF;
	v3 =	vand.u32 $0xFFFFFFFE, v3;
	v22 =	vand.u32 v0, v2;
	v23 =	vld [tilespmem:s25+$0xFFFFFFF0]  }
0x2cf: {  	v15 =	vand.u32 $0xFFFFFFFE, v15;
	v16 =	vshra.s32 v16, $0xF;
	v2 =	vshra.s32 v2, $0xF;
	v24 =	vld [tilespmem:s25+$0x0]  }
0x2d0: {  	v2 =	vand.u32 $0xFFFFFFFE, v2;
	v11 =	vshra.s32 v11, v15;
	v15 =	vand.u32 $0xFFFFFFFE, v16;
	v25 =	vld [tilespmem:s25+$0x10]  }
0x2d1: {  	v8 =	vshra.s32 v8, v15;
	v11 =	vshll.u32 v11, $0x2;
	v16 =	vand.u32 v0, v18;
	v26 =	vld [tilespmem:s25+$0x20]  }
0x2d2: {  	v8 =	vand.u32 $0x3, v8;
	v11 =	vand.u32 $0xC, v11;
	v15 =	vld.idx.msk [tilespmem:v20+s6+$0x0], $0xffff;
	v20 =	vand.u32 v0, v21  }
0x2d3: {  	v18 =	vshra.s32 v18, $0xF;
	v8 =	vor.u32 v8, v11;
	v4 =	vld.idx.msk [tilespmem:v4+s6+$0x0], $0xffff;
	v27 =	vand.u32 v0, v23  }
0x2d4: {  	v11 =	vshra.s32 v21, $0xF;
	v21 =	vshra.s32 v23, $0xF;
	v6 =	vld.idx.msk [tilespmem:v6+s6+$0x0], $0xffff;
	v23 =	vand.u32 v0, v24  }
0x2d5: {  	v24 =	vshra.s32 v24, $0xF;
	v14 =	vld.idx.msk [tilespmem:v14+s6+$0x0], $0xffff;
	v28 =	vand.u32 v0, v25;
	v25 =	vshra.s32 v25, $0xF  }
0x2d6: {  	v18 =	vand.u32 $0xFFFFFFFE, v18;
	v10 =	vld.idx.msk [tilespmem:v10+s6+$0x0], $0xffff;
	v29 =	vand.u32 v0, v26;
	v26 =	vshra.s32 v26, $0xF  }
0x2d7: {  	v11 =	vand.u32 $0xFFFFFFFE, v11;
	v21 =	vand.u32 $0xFFFFFFFE, v21;
	v24 =	vand.u32 $0xFFFFFFFE, v24;
	v17 =	vld.idx.msk [tilespmem:v17+s6+$0x0], $0xffff  }
0x2d8: {  	s26 =	sadd.s32 $0x80, s26;
	v3 =	vshra.s32 v15, v3;
	v15 =	vand.u32 $0xFFFFFFFE, v25;
	v25 =	vand.u32 $0xFFFFFFFE, v26;
	v26 =	vld.idx.msk [tilespmem:v8+s0+$0x0], $0xffff  }
0x2d9: {  	v3 =	vshll.u32 v3, $0x2;
	v4 =	vshra.s32 v4, v5;
	v5 =	vld [tilespmem:s26+$0x30]  }
0x2da: {  	v3 =	vand.u32 $0xC, v3;
	v4 =	vshll.u32 v4, $0x2;
	v6 =	vshra.s32 v6, v13;
	v8 =	vld.idx.msk [tilespmem:v8+s31+$0x0], $0xffff  }
0x2db: {  	v4 =	vand.u32 $0xC, v4;
	v6 =	vshll.u32 v6, $0x2;
	v1 =	vshra.s32 v14, v1;
	v13 =	vld.idx.msk [tilespmem:v19+s6+$0x0], $0xffff  }
0x2dc: {  	v6 =	vand.u32 $0xC, v6;
	v1 =	vshll.u32 v1, $0x2;
	v9 =	vshra.s32 v10, v9;
	v14 =	vld.idx.msk [tilespmem:v22+s6+$0x0], $0xffff  }
0x2dd: {  	v1 =	vand.u32 $0xC, v1;
	v9 =	vshll.u32 v9, $0x2;
	v7 =	vshra.s32 v17, v7;
	v10 =	vld.idx.msk [tilespmem:v16+s6+$0x0], $0xffff  }
0x2de: {  	v9 =	vand.u32 $0xC, v9;
	v7 =	vshll.u32 v7, $0x2;
	v16 =	vld.idx.msk [tilespmem:v20+s6+$0x0], $0xffff;
	v5 =	vsub.f32 v5, v26  }
0x2df: {  	v7 =	vand.u32 $0xC, v7;
	v17 =	vld.idx.msk [tilespmem:v27+s6+$0x0], $0xffff  }
0x2e0: {  	v19 =	vld.idx.msk [tilespmem:v23+s6+$0x0], $0xffff;
	v8 =	vmul.f32 v5, v8  }
0x2e1: {  	v12 =	vshra.s32 v13, v12;
	v20 =	vld.idx.msk [tilespmem:v28+s6+$0x0], $0xffff  }
0x2e2: {  	v2 =	vshra.s32 v14, v2;
	v12 =	vshll.u32 v12, $0x2;
	v13 =	vld.idx.msk [tilespmem:v29+s6+$0x0], $0xffff;
	v5 =	vmul.f32 v8, v5  }
0x2e3: {  	s28 =	sadd.s32 $0x80, s28;
	v2 =	vand.u32 $0x3, v2;
	v10 =	vshra.s32 v10, v18;
	v12 =	vand.u32 $0xC, v12;
	v8 =	vld [tilespmem:s26+$0xFFFFFFC0]  }
0x2e4: {  	v2 =	vor.u32 v2, v3;
	v10 =	vand.u32 $0x3, v10;
	v11 =	vshra.s32 v16, v11;
	v3 =	vld [tilespmem:s26+$0xFFFFFFD0];
	[tilespmem:s28+$0x30] =	vst v5  }
0x2e5: {  	v4 =	vor.u32 v10, v4;
	v10 =	vand.u32 $0x3, v11;
	v11 =	vshra.s32 v17, v21;
	v5 =	vld [tilespmem:s26+$0xFFFFFFE0]  }
0x2e6: {  	v10 =	vor.u32 v10, v6;
	v6 =	vand.u32 $0x3, v11;
	v11 =	vshra.s32 v19, v24;
	v14 =	vld [tilespmem:s26+$0xFFFFFFF0]  }
0x2e7: {  	v1 =	vor.u32 v6, v1;
	v6 =	vand.u32 $0x3, v11;
	v11 =	vshra.s32 v20, v15;
	v16 =	vld [tilespmem:s26+$0x0]  }
0x2e8: {  	v9 =	vor.u32 v6, v9;
	v6 =	vand.u32 $0x3, v11;
	v11 =	vshra.s32 v13, v25;
	v15 =	vld [tilespmem:s26+$0x10]  }
0x2e9: {  	v17 =	vor.u32 v6, v7;
	v6 =	vand.u32 $0x3, v11;
	v13 =	vld.idx.msk [tilespmem:v2+s0+$0x0], $0xffff  }
0x2ea: {  	v18 =	vor.u32 v6, v12;
	v11 =	vld.idx.msk [tilespmem:v4+s0+$0x0], $0xffff  }
0x2eb: {  	v12 =	vld.idx.msk [tilespmem:v10+s0+$0x0], $0xffff  }
0x2ec: {  	v19 =	vld.idx.msk [tilespmem:v1+s0+$0x0], $0xffff  }
0x2ed: {  	v20 =	vld.idx.msk [tilespmem:v9+s0+$0x0], $0xffff  }
0x2ee: {  	v21 =	vld.idx.msk [tilespmem:v17+s0+$0x0], $0xffff  }
0x2ef: {  	v7 =	vsub.f32 v8, v13;
	v8 =	vld.idx.msk [tilespmem:v18+s0+$0x0], $0xffff  }
0x2f0: {  	v6 =	vsub.f32 v3, v11;
	v22 =	vld [tilespmem:s26+$0x20]  }
0x2f1: {  	v5 =	vsub.f32 v5, v12;
	v23 =	vld.idx.msk [tilespmem:v2+s31+$0x0], $0xffff  }
0x2f2: {  	v13 =	vld.idx.msk [tilespmem:v4+s31+$0x0], $0xffff;
	v4 =	vsub.f32 v14, v19  }
.Ltmp4:
0x2f3: {  	v3 =	vsub.f32 v16, v20;
	v11 =	vld.idx.msk [tilespmem:v10+s31+$0x0], $0xffff;
	(pc) =	sbr.rel @p0 .LBB2_10-.Ltmp4, $4  }
0x2f4: {  	v2 =	vsub.f32 v15, v21;
	v12 =	vld.idx.msk [tilespmem:v1+s31+$0x0], $0xffff  }
0x2f5: {  	v10 =	vld.idx.msk [tilespmem:v9+s31+$0x0], $0xffff;
	v1 =	vsub.f32 v22, v8  }
0x2f6: {  	v9 =	vld.idx.msk [tilespmem:v17+s31+$0x0], $0xffff  }
0x2f7: {  	s30 =	sadd.s32 $0x80, s30;
	v14 =	vmul.f32 v7, v23;
	v8 =	vld.idx.msk [tilespmem:v18+s31+$0x0], $0xffff  }
0x2f8: {  	v13 =	vmul.f32 v6, v13  }
0x2f9: {  	v11 =	vmul.f32 v5, v11;
	v7 =	vmul.f32 v14, v7  }
0x2fa: {  	v12 =	vmul.f32 v4, v12;
	v6 =	vmul.f32 v13, v6  }
0x2fb: {  	v5 =	vmul.f32 v11, v5;
	[tilespmem:s28+$0xFFFFFFC0] =	vst v7;
	v7 =	vmul.f32 v3, v10  }
0x2fc: {  	v4 =	vmul.f32 v12, v4;
	[tilespmem:s28+$0xFFFFFFD0] =	vst v6;
	v6 =	vmul.f32 v2, v9  }
0x2fd: {  	[tilespmem:s28+$0xFFFFFFE0] =	vst v5;
	v5 =	vmul.f32 v1, v8;
	v3 =	vmul.f32 v7, v3  }
0x2fe: {  	[tilespmem:s28+$0xFFFFFFF0] =	vst v4;
	v2 =	vmul.f32 v6, v2  }
0x2ff: {  	v1 =	vmul.f32 v5, v1;
	[tilespmem:s28+$0x0] =	vst v3  }
0x300: {  	[tilespmem:s28+$0x10] =	vst v2  }
0x301: {  	s24 =	sadd.s32 s4, s24;
	[tilespmem:s28+$0x20] =	vst v1  }
0x302: {  	[hbm4b:s24+s6] =	stream.linear.scatter [tilespmem:s21], [sflag:$0x3], $0x1F00, $0x38;
	[tilespmem:$0x1FA00] =	vst v63  }
0x303: {  	p0 =	slt.s32 s18, s12;
	s24 =	smov.u32 s12  }
0x304: {  	s24 =	smov.u32 @p0 s18  }
0x305: {  	s24 =	sshrl.u32 s24, $0x3  }
0x306: {  	s26 =	simm.s32 $0x10000;
	s25 =	sadd.s32 s1, s24  }
0x307: {  	[tilespmem:s26], [sflag:$0x1] =	stream.linear.gather [hbm4b:s25+s6], $0x1F00, $0x38;
	[tilespmem:$0x1FA00] =	vst v63  }
0x308: {  	s25 =	sadd.s32 s2, s24;
	s26 =	simm.s32 $0x13E00  }
0x309: {  	[tilespmem:s26], [sflag:$0x1] =	stream.linear.gather [hbm4b:s25+s6], $0x1F00, $0x38;
	[tilespmem:$0x1FA00] =	vst v63  }
0x30a: {  	s25 =	sadd.s32 s3, s24;
	s26 =	simm.s32 $0x17C00  }
0x30b: {  	[tilespmem:s26], [sflag:$0x1] =	stream.linear.gather [hbm4b:s25+s6], $0x1F00, $0x38;
	[tilespmem:$0x1FA00] =	vst v63  }
0x30c: {  	_ =	swait.ge [sflag:s22], $0x1F00  }
0x30d: {  	[sflag:s22] =	ssyncset.done $0x0  }
0x30e: {  	[sflag:s22] =	ssyncadd.s32 $0xFFFFE100  }
0x30f: {  	_ =	swait.ge [sflag:s22], $0x1F00  }
0x310: {  	[sflag:s22] =	ssyncset.done $0x0  }
0x311: {  	[sflag:s22] =	ssyncadd.s32 $0xFFFFE100  }
0x312: {  	_ =	swait.ge [sflag:s22], $0x1F00  }
0x313: {  	[sflag:s22] =	ssyncset.done $0x0  }
0x314: {  	[sflag:s22] =	ssyncadd.s32 $0xFFFFE100  }
0x315: {  	_ =	swait.ge [sflag:s9], $0x1F00  }
0x316: {  	[sflag:s9] =	ssyncset.done $0x0  }
0x317: {  	s26 =	simm.s32 $0x11F40;
	[sflag:s9] =	ssyncadd.s32 $0xFFFFE100  }
0x318: {  	s25 =	simm.s32 $0x15D40;
	v1 =	vld [tilespmem:s26+$0x30]  }
0x319: {  	v2 =	vld [tilespmem:s25+$0x30]  }
0x31a: {  	v3 =	vld [tilespmem:s26+$0xFFFFFFD0]  }
0x31b: {  	v4 =	vld [tilespmem:s26+$0xFFFFFFE0]  }
0x31c: {  	v5 =	vld [tilespmem:s26+$0xFFFFFFF0]  }
0x31d: {  	v6 =	vld [tilespmem:s26+$0x0]  }
0x31e: {  	v8 =	vld [tilespmem:s26+$0x10]  }
0x31f: {  	v10 =	vld [tilespmem:s26+$0x20]  }
0x320: {  	v11 =	vld [tilespmem:s26+$0xFFFFFFC0]  }
0x321: {  	v12 =	vld [tilespmem:s25+$0xFFFFFFC0]  }
0x322: {  	v15 =	vld [tilespmem:s25+$0xFFFFFFD0]  }
0x323: {  	v18 =	vld [tilespmem:s25+$0xFFFFFFE0]  }
0x324: {  	v20 =	vld [tilespmem:s25+$0xFFFFFFF0];
	v7 =	vand.u32 v0, v1  }
0x325: {  	v21 =	vld [tilespmem:s25+$0x0];
	v9 =	vand.u32 v0, v2  }
0x326: {  	v22 =	vld [tilespmem:s25+$0x10];
	v13 =	vand.u32 v0, v3;
	v3 =	vshra.s32 v3, $0xF;
	v14 =	vshra.s32 v4, $0xF  }
0x327: {  	v23 =	vld [tilespmem:s25+$0x20];
	s26 =	simm.s32 $0x19B40;
	v4 =	vand.u32 v0, v4;
	v16 =	vand.u32 v0, v5;
	v5 =	vshra.s32 v5, $0xF  }
0x328: {  	v51 =	vld [tilespmem:s26+$0xFFFFFFC0];
	v17 =	vand.u32 v0, v11;
	v19 =	vand.u32 v0, v6;
	v1 =	vshra.s32 v1, $0xF  }
0x329: {  	v6 =	vshra.s32 v6, $0xF;
	v2 =	vshra.s32 v2, $0xF;
	v46 =	vshra.s32 v10, $0xF;
	v7 =	vld.idx.msk [tilespmem:v7+s6+$0x0], $0xffff  }
0x32a: {  	v47 =	vand.u32 v0, v12;
	v12 =	vshra.s32 v12, $0xF;
	v24 =	vand.u32 v0, v15;
	v9 =	vld.idx.msk [tilespmem:v9+s6+$0x0], $0xffff  }
0x32b: {  	v52 =	vld [tilespmem:s26+$0xFFFFFFF0];
	v25 =	vand.u32 v0, v18;
	v15 =	vshra.s32 v15, $0xF;
	v26 =	vand.u32 v0, v20  }
0x32c: {  	v53 =	vld [tilespmem:s26+$0x0];
	v18 =	vshra.s32 v18, $0xF;
	v20 =	vshra.s32 v20, $0xF;
	v27 =	vand.u32 v0, v21  }
0x32d: {  	v54 =	vld [tilespmem:s26+$0x10];
	v21 =	vshra.s32 v21, $0xF;
	v29 =	vand.u32 v0, v22;
	v1 =	vand.u32 $0xFFFFFFFE, v1  }
0x32e: {  	v22 =	vshra.s32 v22, $0xF;
	v2 =	vand.u32 $0xFFFFFFFE, v2;
	v13 =	vld.idx.msk [tilespmem:v13+s6+$0x0], $0xffff;
	v1 =	vshra.s32 v7, v1  }
0x32f: {  	v3 =	vand.u32 $0xFFFFFFFE, v3;
	v4 =	vld.idx.msk [tilespmem:v4+s6+$0x0], $0xffff;
	v2 =	vshra.s32 v9, v2;
	v1 =	vshll.u32 v1, $0x2  }
0x330: {  	v16 =	vld.idx.msk [tilespmem:v16+s6+$0x0], $0xffff;
	v7 =	vand.u32 v0, v8;
	v2 =	vand.u32 $0x3, v2;
	v1 =	vand.u32 $0xC, v1  }
0x331: {  	v14 =	vand.u32 $0xFFFFFFFE, v14;
	v19 =	vld.idx.msk [tilespmem:v19+s6+$0x0], $0xffff;
	v1 =	vor.u32 v2, v1;
	v2 =	vand.u32 v0, v10  }
0x332: {  	v62 =	vld [tilespmem:s26+$0x20];
	v5 =	vand.u32 $0xFFFFFFFE, v5;
	v6 =	vand.u32 $0xFFFFFFFE, v6;
	v12 =	vand.u32 $0xFFFFFFFE, v12  }
0x333: {  	v15 =	vand.u32 $0xFFFFFFFE, v15;
	v18 =	vand.u32 $0xFFFFFFFE, v18;
	v20 =	vand.u32 $0xFFFFFFFE, v20;
	v9 =	vld.idx.msk [tilespmem:v17+s6+$0x0], $0xffff  }
0x334: {  	v21 =	vand.u32 $0xFFFFFFFE, v21;
	v22 =	vand.u32 $0xFFFFFFFE, v22;
	v8 =	vshra.s32 v8, $0xF;
	v17 =	vld.idx.msk [tilespmem:v47+s6+$0x0], $0xffff  }
0x335: {  	v3 =	vshra.s32 v13, v3;
	v13 =	vand.u32 v0, v23;
	v23 =	vshra.s32 v23, $0xF;
	v7 =	vld.idx.msk [tilespmem:v7+s6+$0x0], $0xffff  }
0x336: {  	v4 =	vshra.s32 v4, v14;
	v5 =	vshra.s32 v16, v5;
	v6 =	vshra.s32 v19, v6;
	v2 =	vld.idx.msk [tilespmem:v2+s6+$0x0], $0xffff  }
0x337: {  	v48 =	vld.idx.msk [tilespmem:v25+s6+$0x0], $0xffff;
	v8 =	vand.u32 $0xFFFFFFFE, v8;
	v23 =	vand.u32 $0xFFFFFFFE, v23;
	v10 =	vshra.s32 v11, $0xF  }
0x338: {  	v14 =	vld.idx.msk [tilespmem:v24+s6+$0x0], $0xffff;
	v3 =	vshll.u32 v3, $0x2;
	v4 =	vshll.u32 v4, $0x2;
	v10 =	vand.u32 $0xFFFFFFFE, v10  }
0x339: {  	v49 =	vld.idx.msk [tilespmem:v26+s6+$0x0], $0xffff;
	v5 =	vshll.u32 v5, $0x2;
	v6 =	vshll.u32 v6, $0x2;
	v9 =	vshra.s32 v9, v10  }
0x33a: {  	v50 =	vld.idx.msk [tilespmem:v29+s6+$0x0], $0xffff;
	v3 =	vand.u32 $0xC, v3;
	v11 =	vand.u32 $0xFFFFFFFE, v46;
	v9 =	vshll.u32 v9, $0x2  }
0x33b: {  	v7 =	vshra.s32 v7, v8;
	v8 =	vld.idx.msk [tilespmem:v27+s6+$0x0], $0xffff;
	v2 =	vshra.s32 v2, v11;
	v11 =	vshra.s32 v17, v12  }
0x33c: {  	v4 =	vand.u32 $0xC, v4;
	v10 =	vld [tilespmem:s26+$0x30];
	v9 =	vand.u32 $0xC, v9;
	v11 =	vand.u32 $0x3, v11  }
0x33d: {  	v5 =	vand.u32 $0xC, v5;
	v12 =	vld.idx.msk [tilespmem:v13+s6+$0x0], $0xffff;
	v13 =	vshra.s32 v14, v15;
	v9 =	vor.u32 v11, v9  }
0x33e: {  	v6 =	vand.u32 $0xC, v6;
	v28 =	vld.idx.msk [tilespmem:v1+s0+$0x0], $0xffff;
	v11 =	vand.u32 $0x3, v13;
	v13 =	vshra.s32 v48, v18  }
0x33f: {  	v1 =	vld.idx.msk [tilespmem:v1+s31+$0x0], $0xffff;
	v3 =	vor.u32 v11, v3;
	v11 =	vand.u32 $0x3, v13;
	v13 =	vshra.s32 v49, v20  }
0x340: {  	v14 =	vld [tilespmem:s26+$0xFFFFFFD0];
	v8 =	vshra.s32 v8, v21;
	v4 =	vor.u32 v11, v4;
	v11 =	vand.u32 $0x3, v13  }
0x341: {  	v15 =	vld [tilespmem:s26+$0xFFFFFFE0];
	v8 =	vand.u32 $0x3, v8;
	v5 =	vor.u32 v11, v5;
	v11 =	vshra.s32 v50, v22  }
0x342: {  	v8 =	vor.u32 v8, v6;
	v6 =	vand.u32 $0x3, v11;
	v11 =	vshra.s32 v12, v23;
	v12 =	vld.idx.msk [tilespmem:v9+s0+$0x0], $0xffff  }
0x343: {  	v7 =	vshll.u32 v7, $0x2;
	v63 =	vld.idx.msk [tilespmem:v9+s31+$0x0], $0xffff  }
0x344: {  	v7 =	vand.u32 $0xC, v7;
	v2 =	vshll.u32 v2, $0x2;
	v56 =	vld.idx.msk [tilespmem:v3+s0+$0x0], $0xffff  }
0x345: {  	v2 =	vand.u32 $0xC, v2;
	v55 =	vor.u32 v6, v7;
	v6 =	vand.u32 $0x3, v11;
	v13 =	vld.idx.msk [tilespmem:v3+s31+$0x0], $0xffff  }
0x346: {  	v57 =	vor.u32 v6, v2;
	v2 =	vld.idx.msk [tilespmem:v4+s0+$0x0], $0xffff  }
0x347: {  	v59 =	vld.idx.msk [tilespmem:v8+s0+$0x0], $0xffff  }
0x348: {  	v11 =	vld.idx.msk [tilespmem:v4+s31+$0x0], $0xffff  }
0x349: {  	v58 =	vld.idx.msk [tilespmem:v5+s0+$0x0], $0xffff  }
0x34a: {  	v6 =	vsub.f32 v10, v28;
	v60 =	vld.idx.msk [tilespmem:v55+s0+$0x0], $0xffff  }
0x34b: {  	v61 =	vld.idx.msk [tilespmem:v57+s0+$0x0], $0xffff  }
0x34c: {  	v10 =	vld.idx.msk [tilespmem:v8+s31+$0x0], $0xffff;
	v1 =	vmul.f32 v6, v1  }
0x34d: {  	v7 =	vsub.f32 v51, v12;
	v12 =	vld.idx.msk [tilespmem:v5+s31+$0x0], $0xffff  }
0x34e: {  	v1 =	vmul.f32 v1, v6;
	v9 =	vld.idx.msk [tilespmem:v55+s31+$0x0], $0xffff;
	v6 =	vsub.f32 v14, v56;
	v5 =	vsub.f32 v15, v2  }
0x34f: {  	s28 =	simm.s32 $0x1D940;
	v8 =	vld.idx.msk [tilespmem:v57+s31+$0x0], $0xffff;
	v3 =	vsub.f32 v53, v59;
	v4 =	vsub.f32 v52, v58  }
0x350: {  	s29 =	simm.s32 $0x0;
	s30 =	simm.s32 $0x11FC0;
	[tilespmem:s28+$0x30] =	vst v1;
	v14 =	vmul.f32 v7, v63;
	v2 =	vsub.f32 v54, v60;
	v1 =	vsub.f32 v62, v61  }
.LBB2_12:
0x351: {  	v15 =	vld [tilespmem:s30+$0x30];
	s29 =	sadd.s32 $0x80, s29;
	v13 =	vmul.f32 v6, v13;
	s25 =	sadd.s32 $0x80, s25  }
0x352: {  	v11 =	vmul.f32 v5, v11;
	v16 =	vld [tilespmem:s25+$0x30];
	p0 =	slt.u32 s29, $0x1E80;
	v7 =	vmul.f32 v14, v7  }
0x353: {  	v12 =	vmul.f32 v4, v12;
	v14 =	vld [tilespmem:s30+$0xFFFFFFD0];
	v6 =	vmul.f32 v13, v6  }
0x354: {  	v5 =	vmul.f32 v11, v5;
	v13 =	vld [tilespmem:s30+$0xFFFFFFE0];
	[tilespmem:s28+$0xFFFFFFC0] =	vst v7;
	v7 =	vmul.f32 v3, v10  }
0x355: {  	v4 =	vmul.f32 v12, v4;
	v10 =	vld [tilespmem:s30+$0xFFFFFFF0];
	[tilespmem:s28+$0xFFFFFFD0] =	vst v6;
	v6 =	vmul.f32 v2, v9  }
0x356: {  	v9 =	vld [tilespmem:s30+$0x0];
	v11 =	vand.u32 v0, v15;
	[tilespmem:s28+$0xFFFFFFE0] =	vst v5;
	v3 =	vmul.f32 v7, v3;
	v5 =	vmul.f32 v1, v8  }
0x357: {  	v7 =	vld [tilespmem:s30+$0x10];
	v8 =	vand.u32 v0, v16;
	[tilespmem:s28+$0xFFFFFFF0] =	vst v4;
	v2 =	vmul.f32 v6, v2  }
0x358: {  	v4 =	vand.u32 v0, v14;
	v6 =	vshra.s32 v14, $0xF;
	v12 =	vld [tilespmem:s30+$0x20];
	[tilespmem:s28+$0x0] =	vst v3;
	v1 =	vmul.f32 v5, v1  }
0x359: {  	v3 =	vld [tilespmem:s30+$0xFFFFFFC0];
	v5 =	vand.u32 $0xFFFFFFFE, v6;
	v6 =	vand.u32 v0, v13;
	v13 =	vshra.s32 v13, $0xF;
	[tilespmem:s28+$0x10] =	vst v2  }
0x35a: {  	v2 =	vld [tilespmem:s25+$0xFFFFFFC0];
	v13 =	vand.u32 $0xFFFFFFFE, v13;
	v14 =	vand.u32 v0, v10;
	v10 =	vshra.s32 v10, $0xF;
	[tilespmem:s28+$0x20] =	vst v1  }
0x35b: {  	v1 =	vand.u32 $0xFFFFFFFE, v10;
	v10 =	vand.u32 v0, v9;
	v9 =	vshra.s32 v9, $0xF;
	v11 =	vld.idx.msk [tilespmem:v11+s6+$0x0], $0xffff  }
0x35c: {  	v9 =	vand.u32 $0xFFFFFFFE, v9;
	v17 =	vand.u32 v0, v7;
	v7 =	vshra.s32 v7, $0xF;
	v8 =	vld.idx.msk [tilespmem:v8+s6+$0x0], $0xffff  }
0x35d: {  	v18 =	vld [tilespmem:s25+$0xFFFFFFD0];
	v7 =	vand.u32 $0xFFFFFFFE, v7;
	v19 =	vand.u32 v0, v12;
	v12 =	vshra.s32 v12, $0xF  }
0x35e: {  	v20 =	vand.u32 v0, v3;
	v3 =	vshra.s32 v3, $0xF;
	v21 =	vld [tilespmem:s25+$0xFFFFFFE0];
	v12 =	vand.u32 $0xFFFFFFFE, v12  }
0x35f: {  	v15 =	vshra.s32 v15, $0xF;
	v3 =	vand.u32 $0xFFFFFFFE, v3;
	v22 =	vand.u32 v0, v2;
	v23 =	vld [tilespmem:s25+$0xFFFFFFF0]  }
0x360: {  	v15 =	vand.u32 $0xFFFFFFFE, v15;
	v16 =	vshra.s32 v16, $0xF;
	v2 =	vshra.s32 v2, $0xF;
	v24 =	vld [tilespmem:s25+$0x0]  }
0x361: {  	v2 =	vand.u32 $0xFFFFFFFE, v2;
	v11 =	vshra.s32 v11, v15;
	v15 =	vand.u32 $0xFFFFFFFE, v16;
	v25 =	vld [tilespmem:s25+$0x10]  }
0x362: {  	v8 =	vshra.s32 v8, v15;
	v11 =	vshll.u32 v11, $0x2;
	v16 =	vand.u32 v0, v18;
	v26 =	vld [tilespmem:s25+$0x20]  }
0x363: {  	v8 =	vand.u32 $0x3, v8;
	v11 =	vand.u32 $0xC, v11;
	v15 =	vld.idx.msk [tilespmem:v20+s6+$0x0], $0xffff;
	v20 =	vand.u32 v0, v21  }
0x364: {  	v18 =	vshra.s32 v18, $0xF;
	v8 =	vor.u32 v8, v11;
	v4 =	vld.idx.msk [tilespmem:v4+s6+$0x0], $0xffff;
	v27 =	vand.u32 v0, v23  }
0x365: {  	v11 =	vshra.s32 v21, $0xF;
	v21 =	vshra.s32 v23, $0xF;
	v6 =	vld.idx.msk [tilespmem:v6+s6+$0x0], $0xffff;
	v23 =	vand.u32 v0, v24  }
0x366: {  	v24 =	vshra.s32 v24, $0xF;
	v14 =	vld.idx.msk [tilespmem:v14+s6+$0x0], $0xffff;
	v28 =	vand.u32 v0, v25;
	v25 =	vshra.s32 v25, $0xF  }
0x367: {  	v18 =	vand.u32 $0xFFFFFFFE, v18;
	v10 =	vld.idx.msk [tilespmem:v10+s6+$0x0], $0xffff;
	v29 =	vand.u32 v0, v26;
	v26 =	vshra.s32 v26, $0xF  }
0x368: {  	v11 =	vand.u32 $0xFFFFFFFE, v11;
	v21 =	vand.u32 $0xFFFFFFFE, v21;
	v24 =	vand.u32 $0xFFFFFFFE, v24;
	v17 =	vld.idx.msk [tilespmem:v17+s6+$0x0], $0xffff  }
0x369: {  	s26 =	sadd.s32 $0x80, s26;
	v3 =	vshra.s32 v15, v3;
	v15 =	vand.u32 $0xFFFFFFFE, v25;
	v25 =	vand.u32 $0xFFFFFFFE, v26;
	v26 =	vld.idx.msk [tilespmem:v8+s0+$0x0], $0xffff  }
0x36a: {  	v3 =	vshll.u32 v3, $0x2;
	v4 =	vshra.s32 v4, v5;
	v5 =	vld [tilespmem:s26+$0x30]  }
0x36b: {  	v3 =	vand.u32 $0xC, v3;
	v4 =	vshll.u32 v4, $0x2;
	v6 =	vshra.s32 v6, v13;
	v8 =	vld.idx.msk [tilespmem:v8+s31+$0x0], $0xffff  }
0x36c: {  	v4 =	vand.u32 $0xC, v4;
	v6 =	vshll.u32 v6, $0x2;
	v1 =	vshra.s32 v14, v1;
	v13 =	vld.idx.msk [tilespmem:v19+s6+$0x0], $0xffff  }
0x36d: {  	v6 =	vand.u32 $0xC, v6;
	v1 =	vshll.u32 v1, $0x2;
	v9 =	vshra.s32 v10, v9;
	v14 =	vld.idx.msk [tilespmem:v22+s6+$0x0], $0xffff  }
0x36e: {  	v1 =	vand.u32 $0xC, v1;
	v9 =	vshll.u32 v9, $0x2;
	v7 =	vshra.s32 v17, v7;
	v10 =	vld.idx.msk [tilespmem:v16+s6+$0x0], $0xffff  }
0x36f: {  	v9 =	vand.u32 $0xC, v9;
	v7 =	vshll.u32 v7, $0x2;
	v16 =	vld.idx.msk [tilespmem:v20+s6+$0x0], $0xffff;
	v5 =	vsub.f32 v5, v26  }
0x370: {  	v7 =	vand.u32 $0xC, v7;
	v17 =	vld.idx.msk [tilespmem:v27+s6+$0x0], $0xffff  }
0x371: {  	v19 =	vld.idx.msk [tilespmem:v23+s6+$0x0], $0xffff;
	v8 =	vmul.f32 v5, v8  }
0x372: {  	v12 =	vshra.s32 v13, v12;
	v20 =	vld.idx.msk [tilespmem:v28+s6+$0x0], $0xffff  }
0x373: {  	v2 =	vshra.s32 v14, v2;
	v12 =	vshll.u32 v12, $0x2;
	v13 =	vld.idx.msk [tilespmem:v29+s6+$0x0], $0xffff;
	v5 =	vmul.f32 v8, v5  }
0x374: {  	s28 =	sadd.s32 $0x80, s28;
	v2 =	vand.u32 $0x3, v2;
	v10 =	vshra.s32 v10, v18;
	v12 =	vand.u32 $0xC, v12;
	v8 =	vld [tilespmem:s26+$0xFFFFFFC0]  }
0x375: {  	v2 =	vor.u32 v2, v3;
	v10 =	vand.u32 $0x3, v10;
	v11 =	vshra.s32 v16, v11;
	v3 =	vld [tilespmem:s26+$0xFFFFFFD0];
	[tilespmem:s28+$0x30] =	vst v5  }
0x376: {  	v4 =	vor.u32 v10, v4;
	v10 =	vand.u32 $0x3, v11;
	v11 =	vshra.s32 v17, v21;
	v5 =	vld [tilespmem:s26+$0xFFFFFFE0]  }
0x377: {  	v10 =	vor.u32 v10, v6;
	v6 =	vand.u32 $0x3, v11;
	v11 =	vshra.s32 v19, v24;
	v14 =	vld [tilespmem:s26+$0xFFFFFFF0]  }
0x378: {  	v1 =	vor.u32 v6, v1;
	v6 =	vand.u32 $0x3, v11;
	v11 =	vshra.s32 v20, v15;
	v16 =	vld [tilespmem:s26+$0x0]  }
0x379: {  	v9 =	vor.u32 v6, v9;
	v6 =	vand.u32 $0x3, v11;
	v11 =	vshra.s32 v13, v25;
	v15 =	vld [tilespmem:s26+$0x10]  }
0x37a: {  	v17 =	vor.u32 v6, v7;
	v6 =	vand.u32 $0x3, v11;
	v13 =	vld.idx.msk [tilespmem:v2+s0+$0x0], $0xffff  }
0x37b: {  	v18 =	vor.u32 v6, v12;
	v11 =	vld.idx.msk [tilespmem:v4+s0+$0x0], $0xffff  }
0x37c: {  	v12 =	vld.idx.msk [tilespmem:v10+s0+$0x0], $0xffff  }
0x37d: {  	v19 =	vld.idx.msk [tilespmem:v1+s0+$0x0], $0xffff  }
0x37e: {  	v20 =	vld.idx.msk [tilespmem:v9+s0+$0x0], $0xffff  }
0x37f: {  	v21 =	vld.idx.msk [tilespmem:v17+s0+$0x0], $0xffff  }
0x380: {  	v7 =	vsub.f32 v8, v13;
	v8 =	vld.idx.msk [tilespmem:v18+s0+$0x0], $0xffff  }
0x381: {  	v6 =	vsub.f32 v3, v11;
	v22 =	vld [tilespmem:s26+$0x20]  }
0x382: {  	v5 =	vsub.f32 v5, v12;
	v23 =	vld.idx.msk [tilespmem:v2+s31+$0x0], $0xffff  }
0x383: {  	v13 =	vld.idx.msk [tilespmem:v4+s31+$0x0], $0xffff;
	v4 =	vsub.f32 v14, v19  }
.Ltmp5:
0x384: {  	v3 =	vsub.f32 v16, v20;
	v11 =	vld.idx.msk [tilespmem:v10+s31+$0x0], $0xffff;
	(pc) =	sbr.rel @p0 .LBB2_12-.Ltmp5, $4  }
0x385: {  	v2 =	vsub.f32 v15, v21;
	v12 =	vld.idx.msk [tilespmem:v1+s31+$0x0], $0xffff  }
0x386: {  	v10 =	vld.idx.msk [tilespmem:v9+s31+$0x0], $0xffff;
	v1 =	vsub.f32 v22, v8  }
0x387: {  	v9 =	vld.idx.msk [tilespmem:v17+s31+$0x0], $0xffff  }
0x388: {  	s30 =	sadd.s32 $0x80, s30;
	v14 =	vmul.f32 v7, v23;
	v8 =	vld.idx.msk [tilespmem:v18+s31+$0x0], $0xffff  }
0x389: {  	v13 =	vmul.f32 v6, v13  }
0x38a: {  	v11 =	vmul.f32 v5, v11;
	v7 =	vmul.f32 v14, v7  }
0x38b: {  	v12 =	vmul.f32 v4, v12;
	v6 =	vmul.f32 v13, v6  }
0x38c: {  	v5 =	vmul.f32 v11, v5;
	[tilespmem:s28+$0xFFFFFFC0] =	vst v7;
	v7 =	vmul.f32 v3, v10  }
0x38d: {  	v4 =	vmul.f32 v12, v4;
	[tilespmem:s28+$0xFFFFFFD0] =	vst v6;
	v6 =	vmul.f32 v2, v9  }
0x38e: {  	[tilespmem:s28+$0xFFFFFFE0] =	vst v5;
	v5 =	vmul.f32 v1, v8;
	v3 =	vmul.f32 v7, v3  }
0x38f: {  	[tilespmem:s28+$0xFFFFFFF0] =	vst v4;
	v2 =	vmul.f32 v6, v2  }
0x390: {  	p0 =	slt.s32 s19, s12;
	v1 =	vmul.f32 v5, v1;
	[tilespmem:s28+$0x0] =	vst v3  }
0x391: {  	s12 =	smov.u32 @p0 s19;
	[tilespmem:s28+$0x10] =	vst v2  }
0x392: {  	s20 =	sadd.s32 s4, s20;
	s12 =	sshrl.u32 s12, $0x3;
	[tilespmem:s28+$0x20] =	vst v1  }
0x393: {  	[hbm4b:s20+s6] =	stream.linear.scatter [tilespmem:s7], [sflag:$0x4], $0x1F00, $0x38;
	[tilespmem:$0x1FA00] =	vst v63  }
0x394: {  	s25 =	simm.s32 $0x11F00;
	s30 =	sadd.s32 s1, s12  }
0x395: {  	[tilespmem:s25], [sflag:$0x2] =	stream.linear.gather [hbm4b:s30+s6], $0x1F00, $0x38;
	[tilespmem:$0x1FA00] =	vst v63  }
0x396: {  	s26 =	sadd.s32 s2, s12;
	s30 =	simm.s32 $0x15D00  }
0x397: {  	[tilespmem:s30], [sflag:$0x2] =	stream.linear.gather [hbm4b:s26+s6], $0x1F00, $0x38;
	[tilespmem:$0x1FA00] =	vst v63  }
0x398: {  	s25 =	sadd.s32 s3, s12;
	s26 =	simm.s32 $0x19B00  }
0x399: {  	[tilespmem:s26], [sflag:$0x2] =	stream.linear.gather [hbm4b:s25+s6], $0x1F00, $0x38;
	[tilespmem:$0x1FA00] =	vst v63  }
0x39a: {  	_ =	swait.ge [sflag:s5], $0x1F00  }
0x39b: {  	[sflag:s5] =	ssyncset.done $0x0  }
0x39c: {  	[sflag:s5] =	ssyncadd.s32 $0xFFFFE100  }
0x39d: {  	_ =	swait.ge [sflag:s5], $0x1F00  }
0x39e: {  	[sflag:s5] =	ssyncset.done $0x0  }
0x39f: {  	[sflag:s5] =	ssyncadd.s32 $0xFFFFE100  }
0x3a0: {  	_ =	swait.ge [sflag:s5], $0x1F00  }
0x3a1: {  	[sflag:s5] =	ssyncset.done $0x0  }
0x3a2: {  	[sflag:s5] =	ssyncadd.s32 $0xFFFFE100  }
0x3a3: {  	_ =	swait.ge [sflag:s8], $0x1F00  }
0x3a4: {  	[sflag:s8] =	ssyncset.done $0x0  }
0x3a5: {  	s30 =	simm.s32 $0x10040;
	[sflag:s8] =	ssyncadd.s32 $0xFFFFE100  }
0x3a6: {  	s20 =	simm.s32 $0x13E40;
	v1 =	vld [tilespmem:s30+$0x30]  }
0x3a7: {  	v2 =	vld [tilespmem:s20+$0x30]  }
0x3a8: {  	v3 =	vld [tilespmem:s30+$0xFFFFFFD0]  }
0x3a9: {  	v4 =	vld [tilespmem:s30+$0xFFFFFFE0]  }
0x3aa: {  	v5 =	vld [tilespmem:s30+$0xFFFFFFF0]  }
0x3ab: {  	v6 =	vld [tilespmem:s30+$0x0]  }
0x3ac: {  	v8 =	vld [tilespmem:s30+$0x10]  }
0x3ad: {  	v10 =	vld [tilespmem:s30+$0x20]  }
0x3ae: {  	v11 =	vld [tilespmem:s30+$0xFFFFFFC0]  }
0x3af: {  	v12 =	vld [tilespmem:s20+$0xFFFFFFC0]  }
0x3b0: {  	v15 =	vld [tilespmem:s20+$0xFFFFFFD0]  }
0x3b1: {  	v18 =	vld [tilespmem:s20+$0xFFFFFFE0]  }
0x3b2: {  	v20 =	vld [tilespmem:s20+$0xFFFFFFF0];
	v7 =	vand.u32 v0, v1  }
0x3b3: {  	v21 =	vld [tilespmem:s20+$0x0];
	v9 =	vand.u32 v0, v2  }
0x3b4: {  	v22 =	vld [tilespmem:s20+$0x10];
	v13 =	vand.u32 v0, v3;
	v3 =	vshra.s32 v3, $0xF;
	v14 =	vshra.s32 v4, $0xF  }
0x3b5: {  	s25 =	simm.s32 $0x17C40;
	v23 =	vld [tilespmem:s20+$0x20];
	v4 =	vand.u32 v0, v4;
	v16 =	vand.u32 v0, v5;
	v5 =	vshra.s32 v5, $0xF  }
0x3b6: {  	v51 =	vld [tilespmem:s25+$0xFFFFFFC0];
	v17 =	vand.u32 v0, v11;
	v19 =	vand.u32 v0, v6;
	v1 =	vshra.s32 v1, $0xF  }
0x3b7: {  	v6 =	vshra.s32 v6, $0xF;
	v2 =	vshra.s32 v2, $0xF;
	v46 =	vshra.s32 v10, $0xF;
	v7 =	vld.idx.msk [tilespmem:v7+s6+$0x0], $0xffff  }
0x3b8: {  	v47 =	vand.u32 v0, v12;
	v12 =	vshra.s32 v12, $0xF;
	v24 =	vand.u32 v0, v15;
	v9 =	vld.idx.msk [tilespmem:v9+s6+$0x0], $0xffff  }
0x3b9: {  	v52 =	vld [tilespmem:s25+$0xFFFFFFF0];
	v25 =	vand.u32 v0, v18;
	v15 =	vshra.s32 v15, $0xF;
	v26 =	vand.u32 v0, v20  }
0x3ba: {  	v53 =	vld [tilespmem:s25+$0x0];
	v18 =	vshra.s32 v18, $0xF;
	v20 =	vshra.s32 v20, $0xF;
	v27 =	vand.u32 v0, v21  }
0x3bb: {  	v54 =	vld [tilespmem:s25+$0x10];
	v21 =	vshra.s32 v21, $0xF;
	v29 =	vand.u32 v0, v22;
	v1 =	vand.u32 $0xFFFFFFFE, v1  }
0x3bc: {  	v22 =	vshra.s32 v22, $0xF;
	v2 =	vand.u32 $0xFFFFFFFE, v2;
	v13 =	vld.idx.msk [tilespmem:v13+s6+$0x0], $0xffff;
	v1 =	vshra.s32 v7, v1  }
0x3bd: {  	v3 =	vand.u32 $0xFFFFFFFE, v3;
	v4 =	vld.idx.msk [tilespmem:v4+s6+$0x0], $0xffff;
	v2 =	vshra.s32 v9, v2;
	v1 =	vshll.u32 v1, $0x2  }
0x3be: {  	v16 =	vld.idx.msk [tilespmem:v16+s6+$0x0], $0xffff;
	v7 =	vand.u32 v0, v8;
	v2 =	vand.u32 $0x3, v2;
	v1 =	vand.u32 $0xC, v1  }
0x3bf: {  	v14 =	vand.u32 $0xFFFFFFFE, v14;
	v19 =	vld.idx.msk [tilespmem:v19+s6+$0x0], $0xffff;
	v1 =	vor.u32 v2, v1;
	v2 =	vand.u32 v0, v10  }
0x3c0: {  	v62 =	vld [tilespmem:s25+$0x20];
	v5 =	vand.u32 $0xFFFFFFFE, v5;
	v6 =	vand.u32 $0xFFFFFFFE, v6;
	v12 =	vand.u32 $0xFFFFFFFE, v12  }
0x3c1: {  	v15 =	vand.u32 $0xFFFFFFFE, v15;
	v18 =	vand.u32 $0xFFFFFFFE, v18;
	v20 =	vand.u32 $0xFFFFFFFE, v20;
	v9 =	vld.idx.msk [tilespmem:v17+s6+$0x0], $0xffff  }
0x3c2: {  	v21 =	vand.u32 $0xFFFFFFFE, v21;
	v22 =	vand.u32 $0xFFFFFFFE, v22;
	v8 =	vshra.s32 v8, $0xF;
	v17 =	vld.idx.msk [tilespmem:v47+s6+$0x0], $0xffff  }
0x3c3: {  	v3 =	vshra.s32 v13, v3;
	v13 =	vand.u32 v0, v23;
	v23 =	vshra.s32 v23, $0xF;
	v7 =	vld.idx.msk [tilespmem:v7+s6+$0x0], $0xffff  }
0x3c4: {  	v4 =	vshra.s32 v4, v14;
	v5 =	vshra.s32 v16, v5;
	v6 =	vshra.s32 v19, v6;
	v2 =	vld.idx.msk [tilespmem:v2+s6+$0x0], $0xffff  }
0x3c5: {  	v48 =	vld.idx.msk [tilespmem:v25+s6+$0x0], $0xffff;
	v8 =	vand.u32 $0xFFFFFFFE, v8;
	v23 =	vand.u32 $0xFFFFFFFE, v23;
	v10 =	vshra.s32 v11, $0xF  }
0x3c6: {  	v14 =	vld.idx.msk [tilespmem:v24+s6+$0x0], $0xffff;
	v3 =	vshll.u32 v3, $0x2;
	v4 =	vshll.u32 v4, $0x2;
	v10 =	vand.u32 $0xFFFFFFFE, v10  }
0x3c7: {  	v49 =	vld.idx.msk [tilespmem:v26+s6+$0x0], $0xffff;
	v5 =	vshll.u32 v5, $0x2;
	v6 =	vshll.u32 v6, $0x2;
	v9 =	vshra.s32 v9, v10  }
0x3c8: {  	v50 =	vld.idx.msk [tilespmem:v29+s6+$0x0], $0xffff;
	v3 =	vand.u32 $0xC, v3;
	v11 =	vand.u32 $0xFFFFFFFE, v46;
	v9 =	vshll.u32 v9, $0x2  }
0x3c9: {  	v7 =	vshra.s32 v7, v8;
	v8 =	vld.idx.msk [tilespmem:v27+s6+$0x0], $0xffff;
	v2 =	vshra.s32 v2, v11;
	v11 =	vshra.s32 v17, v12  }
0x3ca: {  	v4 =	vand.u32 $0xC, v4;
	v10 =	vld [tilespmem:s25+$0x30];
	v9 =	vand.u32 $0xC, v9;
	v11 =	vand.u32 $0x3, v11  }
0x3cb: {  	v5 =	vand.u32 $0xC, v5;
	v12 =	vld.idx.msk [tilespmem:v13+s6+$0x0], $0xffff;
	v13 =	vshra.s32 v14, v15;
	v9 =	vor.u32 v11, v9  }
0x3cc: {  	v6 =	vand.u32 $0xC, v6;
	v28 =	vld.idx.msk [tilespmem:v1+s0+$0x0], $0xffff;
	v11 =	vand.u32 $0x3, v13;
	v13 =	vshra.s32 v48, v18  }
0x3cd: {  	v1 =	vld.idx.msk [tilespmem:v1+s31+$0x0], $0xffff;
	v3 =	vor.u32 v11, v3;
	v11 =	vand.u32 $0x3, v13;
	v13 =	vshra.s32 v49, v20  }
0x3ce: {  	v14 =	vld [tilespmem:s25+$0xFFFFFFD0];
	v8 =	vshra.s32 v8, v21;
	v4 =	vor.u32 v11, v4;
	v11 =	vand.u32 $0x3, v13  }
0x3cf: {  	v15 =	vld [tilespmem:s25+$0xFFFFFFE0];
	v8 =	vand.u32 $0x3, v8;
	v5 =	vor.u32 v11, v5;
	v11 =	vshra.s32 v50, v22  }
0x3d0: {  	v8 =	vor.u32 v8, v6;
	v6 =	vand.u32 $0x3, v11;
	v11 =	vshra.s32 v12, v23;
	v12 =	vld.idx.msk [tilespmem:v9+s0+$0x0], $0xffff  }
0x3d1: {  	v7 =	vshll.u32 v7, $0x2;
	v63 =	vld.idx.msk [tilespmem:v9+s31+$0x0], $0xffff  }
0x3d2: {  	v7 =	vand.u32 $0xC, v7;
	v2 =	vshll.u32 v2, $0x2;
	v56 =	vld.idx.msk [tilespmem:v3+s0+$0x0], $0xffff  }
0x3d3: {  	v2 =	vand.u32 $0xC, v2;
	v55 =	vor.u32 v6, v7;
	v6 =	vand.u32 $0x3, v11;
	v13 =	vld.idx.msk [tilespmem:v3+s31+$0x0], $0xffff  }
0x3d4: {  	v57 =	vor.u32 v6, v2;
	v2 =	vld.idx.msk [tilespmem:v4+s0+$0x0], $0xffff  }
0x3d5: {  	v59 =	vld.idx.msk [tilespmem:v8+s0+$0x0], $0xffff  }
0x3d6: {  	v11 =	vld.idx.msk [tilespmem:v4+s31+$0x0], $0xffff  }
0x3d7: {  	v58 =	vld.idx.msk [tilespmem:v5+s0+$0x0], $0xffff  }
0x3d8: {  	v6 =	vsub.f32 v10, v28;
	v60 =	vld.idx.msk [tilespmem:v55+s0+$0x0], $0xffff  }
0x3d9: {  	v61 =	vld.idx.msk [tilespmem:v57+s0+$0x0], $0xffff  }
0x3da: {  	v10 =	vld.idx.msk [tilespmem:v8+s31+$0x0], $0xffff;
	v1 =	vmul.f32 v6, v1  }
0x3db: {  	v7 =	vsub.f32 v51, v12;
	v12 =	vld.idx.msk [tilespmem:v5+s31+$0x0], $0xffff  }
0x3dc: {  	v1 =	vmul.f32 v1, v6;
	v9 =	vld.idx.msk [tilespmem:v55+s31+$0x0], $0xffff;
	v6 =	vsub.f32 v14, v56;
	v5 =	vsub.f32 v15, v2  }
0x3dd: {  	s26 =	simm.s32 $0x1BA40;
	v8 =	vld.idx.msk [tilespmem:v57+s31+$0x0], $0xffff;
	v3 =	vsub.f32 v53, v59;
	v4 =	vsub.f32 v52, v58  }
0x3de: {  	s29 =	simm.s32 $0x100C0;
	s28 =	simm.s32 $0x0;
	[tilespmem:s26+$0x30] =	vst v1;
	v14 =	vmul.f32 v7, v63;
	v2 =	vsub.f32 v54, v60;
	v1 =	vsub.f32 v62, v61  }
.LBB2_14:
0x3df: {  	v15 =	vld [tilespmem:s29+$0x30];
	s28 =	sadd.s32 $0x80, s28;
	v13 =	vmul.f32 v6, v13;
	s20 =	sadd.s32 $0x80, s20  }
0x3e0: {  	v11 =	vmul.f32 v5, v11;
	v16 =	vld [tilespmem:s20+$0x30];
	p0 =	slt.u32 s28, $0x1E80;
	v7 =	vmul.f32 v14, v7  }
0x3e1: {  	v12 =	vmul.f32 v4, v12;
	v14 =	vld [tilespmem:s29+$0xFFFFFFD0];
	v6 =	vmul.f32 v13, v6  }
0x3e2: {  	v5 =	vmul.f32 v11, v5;
	v13 =	vld [tilespmem:s29+$0xFFFFFFE0];
	[tilespmem:s26+$0xFFFFFFC0] =	vst v7;
	v7 =	vmul.f32 v3, v10  }
0x3e3: {  	v4 =	vmul.f32 v12, v4;
	v10 =	vld [tilespmem:s29+$0xFFFFFFF0];
	[tilespmem:s26+$0xFFFFFFD0] =	vst v6;
	v6 =	vmul.f32 v2, v9  }
0x3e4: {  	v9 =	vld [tilespmem:s29+$0x0];
	v11 =	vand.u32 v0, v15;
	[tilespmem:s26+$0xFFFFFFE0] =	vst v5;
	v3 =	vmul.f32 v7, v3;
	v5 =	vmul.f32 v1, v8  }
0x3e5: {  	v7 =	vld [tilespmem:s29+$0x10];
	v8 =	vand.u32 v0, v16;
	[tilespmem:s26+$0xFFFFFFF0] =	vst v4;
	v2 =	vmul.f32 v6, v2  }
0x3e6: {  	v4 =	vand.u32 v0, v14;
	v6 =	vshra.s32 v14, $0xF;
	v12 =	vld [tilespmem:s29+$0x20];
	[tilespmem:s26+$0x0] =	vst v3;
	v1 =	vmul.f32 v5, v1  }
0x3e7: {  	v3 =	vld [tilespmem:s29+$0xFFFFFFC0];
	v5 =	vand.u32 $0xFFFFFFFE, v6;
	v6 =	vand.u32 v0, v13;
	v13 =	vshra.s32 v13, $0xF;
	[tilespmem:s26+$0x10] =	vst v2  }
0x3e8: {  	v2 =	vld [tilespmem:s20+$0xFFFFFFC0];
	v13 =	vand.u32 $0xFFFFFFFE, v13;
	v14 =	vand.u32 v0, v10;
	v10 =	vshra.s32 v10, $0xF;
	[tilespmem:s26+$0x20] =	vst v1  }
0x3e9: {  	v1 =	vand.u32 $0xFFFFFFFE, v10;
	v10 =	vand.u32 v0, v9;
	v9 =	vshra.s32 v9, $0xF;
	v11 =	vld.idx.msk [tilespmem:v11+s6+$0x0], $0xffff  }
0x3ea: {  	v9 =	vand.u32 $0xFFFFFFFE, v9;
	v17 =	vand.u32 v0, v7;
	v7 =	vshra.s32 v7, $0xF;
	v8 =	vld.idx.msk [tilespmem:v8+s6+$0x0], $0xffff  }
0x3eb: {  	v18 =	vld [tilespmem:s20+$0xFFFFFFD0];
	v7 =	vand.u32 $0xFFFFFFFE, v7;
	v19 =	vand.u32 v0, v12;
	v12 =	vshra.s32 v12, $0xF  }
0x3ec: {  	v20 =	vand.u32 v0, v3;
	v3 =	vshra.s32 v3, $0xF;
	v21 =	vld [tilespmem:s20+$0xFFFFFFE0];
	v12 =	vand.u32 $0xFFFFFFFE, v12  }
0x3ed: {  	v15 =	vshra.s32 v15, $0xF;
	v3 =	vand.u32 $0xFFFFFFFE, v3;
	v22 =	vand.u32 v0, v2;
	v23 =	vld [tilespmem:s20+$0xFFFFFFF0]  }
0x3ee: {  	v15 =	vand.u32 $0xFFFFFFFE, v15;
	v16 =	vshra.s32 v16, $0xF;
	v2 =	vshra.s32 v2, $0xF;
	v24 =	vld [tilespmem:s20+$0x0]  }
0x3ef: {  	v2 =	vand.u32 $0xFFFFFFFE, v2;
	v11 =	vshra.s32 v11, v15;
	v15 =	vand.u32 $0xFFFFFFFE, v16;
	v25 =	vld [tilespmem:s20+$0x10]  }
0x3f0: {  	v8 =	vshra.s32 v8, v15;
	v11 =	vshll.u32 v11, $0x2;
	v16 =	vand.u32 v0, v18;
	v26 =	vld [tilespmem:s20+$0x20]  }
0x3f1: {  	v8 =	vand.u32 $0x3, v8;
	v11 =	vand.u32 $0xC, v11;
	v15 =	vld.idx.msk [tilespmem:v20+s6+$0x0], $0xffff;
	v20 =	vand.u32 v0, v21  }
0x3f2: {  	v18 =	vshra.s32 v18, $0xF;
	v8 =	vor.u32 v8, v11;
	v4 =	vld.idx.msk [tilespmem:v4+s6+$0x0], $0xffff;
	v27 =	vand.u32 v0, v23  }
0x3f3: {  	v11 =	vshra.s32 v21, $0xF;
	v21 =	vshra.s32 v23, $0xF;
	v6 =	vld.idx.msk [tilespmem:v6+s6+$0x0], $0xffff;
	v23 =	vand.u32 v0, v24  }
0x3f4: {  	v24 =	vshra.s32 v24, $0xF;
	v14 =	vld.idx.msk [tilespmem:v14+s6+$0x0], $0xffff;
	v28 =	vand.u32 v0, v25;
	v25 =	vshra.s32 v25, $0xF  }
0x3f5: {  	v18 =	vand.u32 $0xFFFFFFFE, v18;
	v10 =	vld.idx.msk [tilespmem:v10+s6+$0x0], $0xffff;
	v29 =	vand.u32 v0, v26;
	v26 =	vshra.s32 v26, $0xF  }
0x3f6: {  	v11 =	vand.u32 $0xFFFFFFFE, v11;
	v21 =	vand.u32 $0xFFFFFFFE, v21;
	v24 =	vand.u32 $0xFFFFFFFE, v24;
	v17 =	vld.idx.msk [tilespmem:v17+s6+$0x0], $0xffff  }
0x3f7: {  	s25 =	sadd.s32 $0x80, s25;
	v3 =	vshra.s32 v15, v3;
	v15 =	vand.u32 $0xFFFFFFFE, v25;
	v25 =	vand.u32 $0xFFFFFFFE, v26;
	v26 =	vld.idx.msk [tilespmem:v8+s0+$0x0], $0xffff  }
0x3f8: {  	v3 =	vshll.u32 v3, $0x2;
	v4 =	vshra.s32 v4, v5;
	v5 =	vld [tilespmem:s25+$0x30]  }
0x3f9: {  	v3 =	vand.u32 $0xC, v3;
	v4 =	vshll.u32 v4, $0x2;
	v6 =	vshra.s32 v6, v13;
	v8 =	vld.idx.msk [tilespmem:v8+s31+$0x0], $0xffff  }
0x3fa: {  	v4 =	vand.u32 $0xC, v4;
	v6 =	vshll.u32 v6, $0x2;
	v1 =	vshra.s32 v14, v1;
	v13 =	vld.idx.msk [tilespmem:v19+s6+$0x0], $0xffff  }
0x3fb: {  	v6 =	vand.u32 $0xC, v6;
	v1 =	vshll.u32 v1, $0x2;
	v9 =	vshra.s32 v10, v9;
	v14 =	vld.idx.msk [tilespmem:v22+s6+$0x0], $0xffff  }
0x3fc: {  	v1 =	vand.u32 $0xC, v1;
	v9 =	vshll.u32 v9, $0x2;
	v7 =	vshra.s32 v17, v7;
	v10 =	vld.idx.msk [tilespmem:v16+s6+$0x0], $0xffff  }
0x3fd: {  	v9 =	vand.u32 $0xC, v9;
	v7 =	vshll.u32 v7, $0x2;
	v16 =	vld.idx.msk [tilespmem:v20+s6+$0x0], $0xffff;
	v5 =	vsub.f32 v5, v26  }
0x3fe: {  	v7 =	vand.u32 $0xC, v7;
	v17 =	vld.idx.msk [tilespmem:v27+s6+$0x0], $0xffff  }
0x3ff: {  	v19 =	vld.idx.msk [tilespmem:v23+s6+$0x0], $0xffff;
	v8 =	vmul.f32 v5, v8  }
0x400: {  	v12 =	vshra.s32 v13, v12;
	v20 =	vld.idx.msk [tilespmem:v28+s6+$0x0], $0xffff  }
0x401: {  	v2 =	vshra.s32 v14, v2;
	v12 =	vshll.u32 v12, $0x2;
	v13 =	vld.idx.msk [tilespmem:v29+s6+$0x0], $0xffff;
	v5 =	vmul.f32 v8, v5  }
0x402: {  	s26 =	sadd.s32 $0x80, s26;
	v2 =	vand.u32 $0x3, v2;
	v10 =	vshra.s32 v10, v18;
	v12 =	vand.u32 $0xC, v12;
	v8 =	vld [tilespmem:s25+$0xFFFFFFC0]  }
0x403: {  	v2 =	vor.u32 v2, v3;
	v10 =	vand.u32 $0x3, v10;
	v11 =	vshra.s32 v16, v11;
	v3 =	vld [tilespmem:s25+$0xFFFFFFD0];
	[tilespmem:s26+$0x30] =	vst v5  }
0x404: {  	v4 =	vor.u32 v10, v4;
	v10 =	vand.u32 $0x3, v11;
	v11 =	vshra.s32 v17, v21;
	v5 =	vld [tilespmem:s25+$0xFFFFFFE0]  }
0x405: {  	v10 =	vor.u32 v10, v6;
	v6 =	vand.u32 $0x3, v11;
	v11 =	vshra.s32 v19, v24;
	v14 =	vld [tilespmem:s25+$0xFFFFFFF0]  }
0x406: {  	v1 =	vor.u32 v6, v1;
	v6 =	vand.u32 $0x3, v11;
	v11 =	vshra.s32 v20, v15;
	v16 =	vld [tilespmem:s25+$0x0]  }
0x407: {  	v9 =	vor.u32 v6, v9;
	v6 =	vand.u32 $0x3, v11;
	v11 =	vshra.s32 v13, v25;
	v15 =	vld [tilespmem:s25+$0x10]  }
0x408: {  	v17 =	vor.u32 v6, v7;
	v6 =	vand.u32 $0x3, v11;
	v13 =	vld.idx.msk [tilespmem:v2+s0+$0x0], $0xffff  }
0x409: {  	v18 =	vor.u32 v6, v12;
	v11 =	vld.idx.msk [tilespmem:v4+s0+$0x0], $0xffff  }
0x40a: {  	v12 =	vld.idx.msk [tilespmem:v10+s0+$0x0], $0xffff  }
0x40b: {  	v19 =	vld.idx.msk [tilespmem:v1+s0+$0x0], $0xffff  }
0x40c: {  	v20 =	vld.idx.msk [tilespmem:v9+s0+$0x0], $0xffff  }
0x40d: {  	v21 =	vld.idx.msk [tilespmem:v17+s0+$0x0], $0xffff  }
0x40e: {  	v7 =	vsub.f32 v8, v13;
	v8 =	vld.idx.msk [tilespmem:v18+s0+$0x0], $0xffff  }
0x40f: {  	v6 =	vsub.f32 v3, v11;
	v22 =	vld [tilespmem:s25+$0x20]  }
0x410: {  	v5 =	vsub.f32 v5, v12;
	v23 =	vld.idx.msk [tilespmem:v2+s31+$0x0], $0xffff  }
0x411: {  	v13 =	vld.idx.msk [tilespmem:v4+s31+$0x0], $0xffff;
	v4 =	vsub.f32 v14, v19  }
.Ltmp6:
0x412: {  	v3 =	vsub.f32 v16, v20;
	v11 =	vld.idx.msk [tilespmem:v10+s31+$0x0], $0xffff;
	(pc) =	sbr.rel @p0 .LBB2_14-.Ltmp6, $4  }
0x413: {  	v2 =	vsub.f32 v15, v21;
	v12 =	vld.idx.msk [tilespmem:v1+s31+$0x0], $0xffff  }
0x414: {  	v10 =	vld.idx.msk [tilespmem:v9+s31+$0x0], $0xffff;
	v1 =	vsub.f32 v22, v8  }
0x415: {  	v9 =	vld.idx.msk [tilespmem:v17+s31+$0x0], $0xffff  }
0x416: {  	s29 =	sadd.s32 $0x80, s29;
	v14 =	vmul.f32 v7, v23;
	v8 =	vld.idx.msk [tilespmem:v18+s31+$0x0], $0xffff  }
0x417: {  	v13 =	vmul.f32 v6, v13  }
0x418: {  	v11 =	vmul.f32 v5, v11;
	v7 =	vmul.f32 v14, v7  }
0x419: {  	v12 =	vmul.f32 v4, v12;
	v6 =	vmul.f32 v13, v6  }
0x41a: {  	v5 =	vmul.f32 v11, v5;
	[tilespmem:s26+$0xFFFFFFC0] =	vst v7;
	v7 =	vmul.f32 v3, v10  }
0x41b: {  	v4 =	vmul.f32 v12, v4;
	[tilespmem:s26+$0xFFFFFFD0] =	vst v6;
	v6 =	vmul.f32 v2, v9  }
0x41c: {  	[tilespmem:s26+$0xFFFFFFE0] =	vst v5;
	v5 =	vmul.f32 v1, v8;
	v3 =	vmul.f32 v7, v3  }
0x41d: {  	[tilespmem:s26+$0xFFFFFFF0] =	vst v4;
	v2 =	vmul.f32 v6, v2  }
0x41e: {  	v1 =	vmul.f32 v5, v1;
	[tilespmem:s26+$0x0] =	vst v3  }
0x41f: {  	[tilespmem:s26+$0x10] =	vst v2  }
0x420: {  	s20 =	sadd.s32 s4, s24;
	[tilespmem:s26+$0x20] =	vst v1  }
0x421: {  	[hbm4b:s20+s6] =	stream.linear.scatter [tilespmem:s21], [sflag:$0x3], $0x1F00, $0x38;
	[tilespmem:$0x1FA00] =	vst v63  }
0x422: {  	_ =	swait.ge [sflag:s22], $0x1F00  }
0x423: {  	[sflag:s22] =	ssyncset.done $0x0  }
0x424: {  	[sflag:s22] =	ssyncadd.s32 $0xFFFFE100  }
0x425: {  	_ =	swait.ge [sflag:s22], $0x1F00  }
0x426: {  	[sflag:s22] =	ssyncset.done $0x0  }
0x427: {  	[sflag:s22] =	ssyncadd.s32 $0xFFFFE100  }
0x428: {  	_ =	swait.ge [sflag:s22], $0x1F00  }
0x429: {  	[sflag:s22] =	ssyncset.done $0x0  }
0x42a: {  	[sflag:s22] =	ssyncadd.s32 $0xFFFFE100  }
0x42b: {  	_ =	swait.ge [sflag:s9], $0x1F00  }
0x42c: {  	[sflag:s9] =	ssyncset.done $0x0  }
0x42d: {  	s30 =	simm.s32 $0x11F40;
	[sflag:s9] =	ssyncadd.s32 $0xFFFFE100  }
0x42e: {  	s20 =	simm.s32 $0x15D40;
	v1 =	vld [tilespmem:s30+$0x30]  }
0x42f: {  	v2 =	vld [tilespmem:s20+$0x30]  }
0x430: {  	v3 =	vld [tilespmem:s30+$0xFFFFFFD0]  }
0x431: {  	v4 =	vld [tilespmem:s30+$0xFFFFFFE0]  }
0x432: {  	v5 =	vld [tilespmem:s30+$0xFFFFFFF0]  }
0x433: {  	v6 =	vld [tilespmem:s30+$0x0]  }
0x434: {  	v8 =	vld [tilespmem:s30+$0x10]  }
0x435: {  	v10 =	vld [tilespmem:s30+$0x20]  }
0x436: {  	v11 =	vld [tilespmem:s30+$0xFFFFFFC0]  }
0x437: {  	v12 =	vld [tilespmem:s20+$0xFFFFFFC0]  }
0x438: {  	v15 =	vld [tilespmem:s20+$0xFFFFFFD0]  }
0x439: {  	v18 =	vld [tilespmem:s20+$0xFFFFFFE0]  }
0x43a: {  	v20 =	vld [tilespmem:s20+$0xFFFFFFF0];
	v7 =	vand.u32 v0, v1  }
0x43b: {  	v21 =	vld [tilespmem:s20+$0x0];
	v9 =	vand.u32 v0, v2  }
0x43c: {  	v22 =	vld [tilespmem:s20+$0x10];
	v13 =	vand.u32 v0, v3;
	v3 =	vshra.s32 v3, $0xF;
	v14 =	vshra.s32 v4, $0xF  }
0x43d: {  	s24 =	simm.s32 $0x19B40;
	v23 =	vld [tilespmem:s20+$0x20];
	v4 =	vand.u32 v0, v4;
	v16 =	vand.u32 v0, v5;
	v5 =	vshra.s32 v5, $0xF  }
0x43e: {  	v51 =	vld [tilespmem:s24+$0xFFFFFFC0];
	v17 =	vand.u32 v0, v11;
	v19 =	vand.u32 v0, v6;
	v1 =	vshra.s32 v1, $0xF  }
0x43f: {  	v6 =	vshra.s32 v6, $0xF;
	v2 =	vshra.s32 v2, $0xF;
	v46 =	vshra.s32 v10, $0xF;
	v7 =	vld.idx.msk [tilespmem:v7+s6+$0x0], $0xffff  }
0x440: {  	v47 =	vand.u32 v0, v12;
	v12 =	vshra.s32 v12, $0xF;
	v24 =	vand.u32 v0, v15;
	v9 =	vld.idx.msk [tilespmem:v9+s6+$0x0], $0xffff  }
0x441: {  	v52 =	vld [tilespmem:s24+$0xFFFFFFF0];
	v25 =	vand.u32 v0, v18;
	v15 =	vshra.s32 v15, $0xF;
	v26 =	vand.u32 v0, v20  }
0x442: {  	v53 =	vld [tilespmem:s24+$0x0];
	v18 =	vshra.s32 v18, $0xF;
	v20 =	vshra.s32 v20, $0xF;
	v27 =	vand.u32 v0, v21  }
0x443: {  	v54 =	vld [tilespmem:s24+$0x10];
	v21 =	vshra.s32 v21, $0xF;
	v29 =	vand.u32 v0, v22;
	v1 =	vand.u32 $0xFFFFFFFE, v1  }
0x444: {  	v22 =	vshra.s32 v22, $0xF;
	v2 =	vand.u32 $0xFFFFFFFE, v2;
	v13 =	vld.idx.msk [tilespmem:v13+s6+$0x0], $0xffff;
	v1 =	vshra.s32 v7, v1  }
0x445: {  	v3 =	vand.u32 $0xFFFFFFFE, v3;
	v4 =	vld.idx.msk [tilespmem:v4+s6+$0x0], $0xffff;
	v2 =	vshra.s32 v9, v2;
	v1 =	vshll.u32 v1, $0x2  }
0x446: {  	v16 =	vld.idx.msk [tilespmem:v16+s6+$0x0], $0xffff;
	v7 =	vand.u32 v0, v8;
	v2 =	vand.u32 $0x3, v2;
	v1 =	vand.u32 $0xC, v1  }
0x447: {  	v14 =	vand.u32 $0xFFFFFFFE, v14;
	v19 =	vld.idx.msk [tilespmem:v19+s6+$0x0], $0xffff;
	v1 =	vor.u32 v2, v1;
	v2 =	vand.u32 v0, v10  }
0x448: {  	v62 =	vld [tilespmem:s24+$0x20];
	v5 =	vand.u32 $0xFFFFFFFE, v5;
	v6 =	vand.u32 $0xFFFFFFFE, v6;
	v12 =	vand.u32 $0xFFFFFFFE, v12  }
0x449: {  	v15 =	vand.u32 $0xFFFFFFFE, v15;
	v18 =	vand.u32 $0xFFFFFFFE, v18;
	v20 =	vand.u32 $0xFFFFFFFE, v20;
	v9 =	vld.idx.msk [tilespmem:v17+s6+$0x0], $0xffff  }
0x44a: {  	v21 =	vand.u32 $0xFFFFFFFE, v21;
	v22 =	vand.u32 $0xFFFFFFFE, v22;
	v8 =	vshra.s32 v8, $0xF;
	v17 =	vld.idx.msk [tilespmem:v47+s6+$0x0], $0xffff  }
0x44b: {  	v3 =	vshra.s32 v13, v3;
	v13 =	vand.u32 v0, v23;
	v23 =	vshra.s32 v23, $0xF;
	v7 =	vld.idx.msk [tilespmem:v7+s6+$0x0], $0xffff  }
0x44c: {  	v4 =	vshra.s32 v4, v14;
	v5 =	vshra.s32 v16, v5;
	v6 =	vshra.s32 v19, v6;
	v2 =	vld.idx.msk [tilespmem:v2+s6+$0x0], $0xffff  }
0x44d: {  	v48 =	vld.idx.msk [tilespmem:v25+s6+$0x0], $0xffff;
	v8 =	vand.u32 $0xFFFFFFFE, v8;
	v23 =	vand.u32 $0xFFFFFFFE, v23;
	v10 =	vshra.s32 v11, $0xF  }
0x44e: {  	v14 =	vld.idx.msk [tilespmem:v24+s6+$0x0], $0xffff;
	v3 =	vshll.u32 v3, $0x2;
	v4 =	vshll.u32 v4, $0x2;
	v10 =	vand.u32 $0xFFFFFFFE, v10  }
0x44f: {  	v49 =	vld.idx.msk [tilespmem:v26+s6+$0x0], $0xffff;
	v5 =	vshll.u32 v5, $0x2;
	v6 =	vshll.u32 v6, $0x2;
	v9 =	vshra.s32 v9, v10  }
0x450: {  	v50 =	vld.idx.msk [tilespmem:v29+s6+$0x0], $0xffff;
	v3 =	vand.u32 $0xC, v3;
	v11 =	vand.u32 $0xFFFFFFFE, v46;
	v9 =	vshll.u32 v9, $0x2  }
0x451: {  	v7 =	vshra.s32 v7, v8;
	v8 =	vld.idx.msk [tilespmem:v27+s6+$0x0], $0xffff;
	v2 =	vshra.s32 v2, v11;
	v11 =	vshra.s32 v17, v12  }
0x452: {  	v4 =	vand.u32 $0xC, v4;
	v10 =	vld [tilespmem:s24+$0x30];
	v9 =	vand.u32 $0xC, v9;
	v11 =	vand.u32 $0x3, v11  }
0x453: {  	v5 =	vand.u32 $0xC, v5;
	v12 =	vld.idx.msk [tilespmem:v13+s6+$0x0], $0xffff;
	v13 =	vshra.s32 v14, v15;
	v9 =	vor.u32 v11, v9  }
0x454: {  	v6 =	vand.u32 $0xC, v6;
	v28 =	vld.idx.msk [tilespmem:v1+s0+$0x0], $0xffff;
	v11 =	vand.u32 $0x3, v13;
	v13 =	vshra.s32 v48, v18  }
0x455: {  	v1 =	vld.idx.msk [tilespmem:v1+s31+$0x0], $0xffff;
	v3 =	vor.u32 v11, v3;
	v11 =	vand.u32 $0x3, v13;
	v13 =	vshra.s32 v49, v20  }
0x456: {  	v14 =	vld [tilespmem:s24+$0xFFFFFFD0];
	v8 =	vshra.s32 v8, v21;
	v4 =	vor.u32 v11, v4;
	v11 =	vand.u32 $0x3, v13  }
0x457: {  	v15 =	vld [tilespmem:s24+$0xFFFFFFE0];
	v8 =	vand.u32 $0x3, v8;
	v5 =	vor.u32 v11, v5;
	v11 =	vshra.s32 v50, v22  }
0x458: {  	v8 =	vor.u32 v8, v6;
	v6 =	vand.u32 $0x3, v11;
	v11 =	vshra.s32 v12, v23;
	v12 =	vld.idx.msk [tilespmem:v9+s0+$0x0], $0xffff  }
0x459: {  	v7 =	vshll.u32 v7, $0x2;
	v63 =	vld.idx.msk [tilespmem:v9+s31+$0x0], $0xffff  }
0x45a: {  	v7 =	vand.u32 $0xC, v7;
	v2 =	vshll.u32 v2, $0x2;
	v56 =	vld.idx.msk [tilespmem:v3+s0+$0x0], $0xffff  }
0x45b: {  	v2 =	vand.u32 $0xC, v2;
	v55 =	vor.u32 v6, v7;
	v6 =	vand.u32 $0x3, v11;
	v13 =	vld.idx.msk [tilespmem:v3+s31+$0x0], $0xffff  }
0x45c: {  	v57 =	vor.u32 v6, v2;
	v2 =	vld.idx.msk [tilespmem:v4+s0+$0x0], $0xffff  }
0x45d: {  	v59 =	vld.idx.msk [tilespmem:v8+s0+$0x0], $0xffff  }
0x45e: {  	v11 =	vld.idx.msk [tilespmem:v4+s31+$0x0], $0xffff  }
0x45f: {  	v58 =	vld.idx.msk [tilespmem:v5+s0+$0x0], $0xffff  }
0x460: {  	v6 =	vsub.f32 v10, v28;
	v60 =	vld.idx.msk [tilespmem:v55+s0+$0x0], $0xffff  }
0x461: {  	v61 =	vld.idx.msk [tilespmem:v57+s0+$0x0], $0xffff  }
0x462: {  	v10 =	vld.idx.msk [tilespmem:v8+s31+$0x0], $0xffff;
	v1 =	vmul.f32 v6, v1  }
0x463: {  	v7 =	vsub.f32 v51, v12;
	v12 =	vld.idx.msk [tilespmem:v5+s31+$0x0], $0xffff  }
0x464: {  	v1 =	vmul.f32 v1, v6;
	v9 =	vld.idx.msk [tilespmem:v55+s31+$0x0], $0xffff;
	v6 =	vsub.f32 v14, v56;
	v5 =	vsub.f32 v15, v2  }
0x465: {  	s25 =	simm.s32 $0x1D940;
	v8 =	vld.idx.msk [tilespmem:v57+s31+$0x0], $0xffff;
	v3 =	vsub.f32 v53, v59;
	v4 =	vsub.f32 v52, v58  }
0x466: {  	s28 =	simm.s32 $0x11FC0;
	s26 =	simm.s32 $0x0;
	[tilespmem:s25+$0x30] =	vst v1;
	v14 =	vmul.f32 v7, v63;
	v2 =	vsub.f32 v54, v60;
	v1 =	vsub.f32 v62, v61  }
.LBB2_16:
0x467: {  	v15 =	vld [tilespmem:s28+$0x30];
	s26 =	sadd.s32 $0x80, s26;
	v13 =	vmul.f32 v6, v13;
	s20 =	sadd.s32 $0x80, s20  }
0x468: {  	v11 =	vmul.f32 v5, v11;
	v16 =	vld [tilespmem:s20+$0x30];
	p0 =	slt.u32 s26, $0x1E80;
	v7 =	vmul.f32 v14, v7  }
0x469: {  	v12 =	vmul.f32 v4, v12;
	v14 =	vld [tilespmem:s28+$0xFFFFFFD0];
	v6 =	vmul.f32 v13, v6  }
0x46a: {  	v5 =	vmul.f32 v11, v5;
	v13 =	vld [tilespmem:s28+$0xFFFFFFE0];
	[tilespmem:s25+$0xFFFFFFC0] =	vst v7;
	v7 =	vmul.f32 v3, v10  }
0x46b: {  	v4 =	vmul.f32 v12, v4;
	v10 =	vld [tilespmem:s28+$0xFFFFFFF0];
	[tilespmem:s25+$0xFFFFFFD0] =	vst v6;
	v6 =	vmul.f32 v2, v9  }
0x46c: {  	v9 =	vld [tilespmem:s28+$0x0];
	v11 =	vand.u32 v0, v15;
	[tilespmem:s25+$0xFFFFFFE0] =	vst v5;
	v3 =	vmul.f32 v7, v3;
	v5 =	vmul.f32 v1, v8  }
0x46d: {  	v7 =	vld [tilespmem:s28+$0x10];
	v8 =	vand.u32 v0, v16;
	[tilespmem:s25+$0xFFFFFFF0] =	vst v4;
	v2 =	vmul.f32 v6, v2  }
0x46e: {  	v4 =	vand.u32 v0, v14;
	v6 =	vshra.s32 v14, $0xF;
	v12 =	vld [tilespmem:s28+$0x20];
	[tilespmem:s25+$0x0] =	vst v3;
	v1 =	vmul.f32 v5, v1  }
0x46f: {  	v3 =	vld [tilespmem:s28+$0xFFFFFFC0];
	v5 =	vand.u32 $0xFFFFFFFE, v6;
	v6 =	vand.u32 v0, v13;
	v13 =	vshra.s32 v13, $0xF;
	[tilespmem:s25+$0x10] =	vst v2  }
0x470: {  	v2 =	vld [tilespmem:s20+$0xFFFFFFC0];
	v13 =	vand.u32 $0xFFFFFFFE, v13;
	v14 =	vand.u32 v0, v10;
	v10 =	vshra.s32 v10, $0xF;
	[tilespmem:s25+$0x20] =	vst v1  }
0x471: {  	v1 =	vand.u32 $0xFFFFFFFE, v10;
	v10 =	vand.u32 v0, v9;
	v9 =	vshra.s32 v9, $0xF;
	v11 =	vld.idx.msk [tilespmem:v11+s6+$0x0], $0xffff  }
0x472: {  	v9 =	vand.u32 $0xFFFFFFFE, v9;
	v17 =	vand.u32 v0, v7;
	v7 =	vshra.s32 v7, $0xF;
	v8 =	vld.idx.msk [tilespmem:v8+s6+$0x0], $0xffff  }
0x473: {  	v18 =	vld [tilespmem:s20+$0xFFFFFFD0];
	v7 =	vand.u32 $0xFFFFFFFE, v7;
	v19 =	vand.u32 v0, v12;
	v12 =	vshra.s32 v12, $0xF  }
0x474: {  	v20 =	vand.u32 v0, v3;
	v3 =	vshra.s32 v3, $0xF;
	v21 =	vld [tilespmem:s20+$0xFFFFFFE0];
	v12 =	vand.u32 $0xFFFFFFFE, v12  }
0x475: {  	v15 =	vshra.s32 v15, $0xF;
	v3 =	vand.u32 $0xFFFFFFFE, v3;
	v22 =	vand.u32 v0, v2;
	v23 =	vld [tilespmem:s20+$0xFFFFFFF0]  }
0x476: {  	v15 =	vand.u32 $0xFFFFFFFE, v15;
	v16 =	vshra.s32 v16, $0xF;
	v2 =	vshra.s32 v2, $0xF;
	v24 =	vld [tilespmem:s20+$0x0]  }
0x477: {  	v2 =	vand.u32 $0xFFFFFFFE, v2;
	v11 =	vshra.s32 v11, v15;
	v15 =	vand.u32 $0xFFFFFFFE, v16;
	v25 =	vld [tilespmem:s20+$0x10]  }
0x478: {  	v8 =	vshra.s32 v8, v15;
	v11 =	vshll.u32 v11, $0x2;
	v16 =	vand.u32 v0, v18;
	v26 =	vld [tilespmem:s20+$0x20]  }
0x479: {  	v8 =	vand.u32 $0x3, v8;
	v11 =	vand.u32 $0xC, v11;
	v15 =	vld.idx.msk [tilespmem:v20+s6+$0x0], $0xffff;
	v20 =	vand.u32 v0, v21  }
0x47a: {  	v18 =	vshra.s32 v18, $0xF;
	v8 =	vor.u32 v8, v11;
	v4 =	vld.idx.msk [tilespmem:v4+s6+$0x0], $0xffff;
	v27 =	vand.u32 v0, v23  }
0x47b: {  	v11 =	vshra.s32 v21, $0xF;
	v21 =	vshra.s32 v23, $0xF;
	v6 =	vld.idx.msk [tilespmem:v6+s6+$0x0], $0xffff;
	v23 =	vand.u32 v0, v24  }
0x47c: {  	v24 =	vshra.s32 v24, $0xF;
	v14 =	vld.idx.msk [tilespmem:v14+s6+$0x0], $0xffff;
	v28 =	vand.u32 v0, v25;
	v25 =	vshra.s32 v25, $0xF  }
0x47d: {  	v18 =	vand.u32 $0xFFFFFFFE, v18;
	v10 =	vld.idx.msk [tilespmem:v10+s6+$0x0], $0xffff;
	v29 =	vand.u32 v0, v26;
	v26 =	vshra.s32 v26, $0xF  }
0x47e: {  	v11 =	vand.u32 $0xFFFFFFFE, v11;
	v21 =	vand.u32 $0xFFFFFFFE, v21;
	v24 =	vand.u32 $0xFFFFFFFE, v24;
	v17 =	vld.idx.msk [tilespmem:v17+s6+$0x0], $0xffff  }
0x47f: {  	s24 =	sadd.s32 $0x80, s24;
	v3 =	vshra.s32 v15, v3;
	v15 =	vand.u32 $0xFFFFFFFE, v25;
	v25 =	vand.u32 $0xFFFFFFFE, v26;
	v26 =	vld.idx.msk [tilespmem:v8+s0+$0x0], $0xffff  }
0x480: {  	v3 =	vshll.u32 v3, $0x2;
	v4 =	vshra.s32 v4, v5;
	v5 =	vld [tilespmem:s24+$0x30]  }
0x481: {  	v3 =	vand.u32 $0xC, v3;
	v4 =	vshll.u32 v4, $0x2;
	v6 =	vshra.s32 v6, v13;
	v8 =	vld.idx.msk [tilespmem:v8+s31+$0x0], $0xffff  }
0x482: {  	v4 =	vand.u32 $0xC, v4;
	v6 =	vshll.u32 v6, $0x2;
	v1 =	vshra.s32 v14, v1;
	v13 =	vld.idx.msk [tilespmem:v19+s6+$0x0], $0xffff  }
0x483: {  	v6 =	vand.u32 $0xC, v6;
	v1 =	vshll.u32 v1, $0x2;
	v9 =	vshra.s32 v10, v9;
	v14 =	vld.idx.msk [tilespmem:v22+s6+$0x0], $0xffff  }
0x484: {  	v1 =	vand.u32 $0xC, v1;
	v9 =	vshll.u32 v9, $0x2;
	v7 =	vshra.s32 v17, v7;
	v10 =	vld.idx.msk [tilespmem:v16+s6+$0x0], $0xffff  }
0x485: {  	v9 =	vand.u32 $0xC, v9;
	v7 =	vshll.u32 v7, $0x2;
	v16 =	vld.idx.msk [tilespmem:v20+s6+$0x0], $0xffff;
	v5 =	vsub.f32 v5, v26  }
0x486: {  	v7 =	vand.u32 $0xC, v7;
	v17 =	vld.idx.msk [tilespmem:v27+s6+$0x0], $0xffff  }
0x487: {  	v19 =	vld.idx.msk [tilespmem:v23+s6+$0x0], $0xffff;
	v8 =	vmul.f32 v5, v8  }
0x488: {  	v12 =	vshra.s32 v13, v12;
	v20 =	vld.idx.msk [tilespmem:v28+s6+$0x0], $0xffff  }
0x489: {  	v2 =	vshra.s32 v14, v2;
	v12 =	vshll.u32 v12, $0x2;
	v13 =	vld.idx.msk [tilespmem:v29+s6+$0x0], $0xffff;
	v5 =	vmul.f32 v8, v5  }
0x48a: {  	s25 =	sadd.s32 $0x80, s25;
	v2 =	vand.u32 $0x3, v2;
	v10 =	vshra.s32 v10, v18;
	v12 =	vand.u32 $0xC, v12;
	v8 =	vld [tilespmem:s24+$0xFFFFFFC0]  }
0x48b: {  	v2 =	vor.u32 v2, v3;
	v10 =	vand.u32 $0x3, v10;
	v11 =	vshra.s32 v16, v11;
	v3 =	vld [tilespmem:s24+$0xFFFFFFD0];
	[tilespmem:s25+$0x30] =	vst v5  }
0x48c: {  	v4 =	vor.u32 v10, v4;
	v10 =	vand.u32 $0x3, v11;
	v11 =	vshra.s32 v17, v21;
	v5 =	vld [tilespmem:s24+$0xFFFFFFE0]  }
0x48d: {  	v10 =	vor.u32 v10, v6;
	v6 =	vand.u32 $0x3, v11;
	v11 =	vshra.s32 v19, v24;
	v14 =	vld [tilespmem:s24+$0xFFFFFFF0]  }
0x48e: {  	v1 =	vor.u32 v6, v1;
	v6 =	vand.u32 $0x3, v11;
	v11 =	vshra.s32 v20, v15;
	v16 =	vld [tilespmem:s24+$0x0]  }
0x48f: {  	v9 =	vor.u32 v6, v9;
	v6 =	vand.u32 $0x3, v11;
	v11 =	vshra.s32 v13, v25;
	v15 =	vld [tilespmem:s24+$0x10]  }
0x490: {  	v17 =	vor.u32 v6, v7;
	v6 =	vand.u32 $0x3, v11;
	v13 =	vld.idx.msk [tilespmem:v2+s0+$0x0], $0xffff  }
0x491: {  	v18 =	vor.u32 v6, v12;
	v11 =	vld.idx.msk [tilespmem:v4+s0+$0x0], $0xffff  }
0x492: {  	v12 =	vld.idx.msk [tilespmem:v10+s0+$0x0], $0xffff  }
0x493: {  	v19 =	vld.idx.msk [tilespmem:v1+s0+$0x0], $0xffff  }
0x494: {  	v20 =	vld.idx.msk [tilespmem:v9+s0+$0x0], $0xffff  }
0x495: {  	v21 =	vld.idx.msk [tilespmem:v17+s0+$0x0], $0xffff  }
0x496: {  	v7 =	vsub.f32 v8, v13;
	v8 =	vld.idx.msk [tilespmem:v18+s0+$0x0], $0xffff  }
0x497: {  	v6 =	vsub.f32 v3, v11;
	v22 =	vld [tilespmem:s24+$0x20]  }
0x498: {  	v5 =	vsub.f32 v5, v12;
	v23 =	vld.idx.msk [tilespmem:v2+s31+$0x0], $0xffff  }
0x499: {  	v13 =	vld.idx.msk [tilespmem:v4+s31+$0x0], $0xffff;
	v4 =	vsub.f32 v14, v19  }
.Ltmp7:
0x49a: {  	v3 =	vsub.f32 v16, v20;
	v11 =	vld.idx.msk [tilespmem:v10+s31+$0x0], $0xffff;
	(pc) =	sbr.rel @p0 .LBB2_16-.Ltmp7, $4  }
0x49b: {  	v2 =	vsub.f32 v15, v21;
	v12 =	vld.idx.msk [tilespmem:v1+s31+$0x0], $0xffff  }
0x49c: {  	v10 =	vld.idx.msk [tilespmem:v9+s31+$0x0], $0xffff;
	v1 =	vsub.f32 v22, v8  }
0x49d: {  	v9 =	vld.idx.msk [tilespmem:v17+s31+$0x0], $0xffff  }
0x49e: {  	s28 =	sadd.s32 $0x80, s28;
	v14 =	vmul.f32 v7, v23;
	v8 =	vld.idx.msk [tilespmem:v18+s31+$0x0], $0xffff  }
0x49f: {  	v0 =	vmul.f32 v6, v13  }
0x4a0: {  	v11 =	vmul.f32 v5, v11;
	v7 =	vmul.f32 v14, v7  }
0x4a1: {  	v58 =	vmul.f32 v4, v12;
	v0 =	vmul.f32 v0, v6  }
0x4a2: {  	v5 =	vmul.f32 v11, v5;
	v59 =	vmul.f32 v3, v10;
	[tilespmem:s25+$0xFFFFFFC0] =	vst v7  }
0x4a3: {  	v60 =	vmul.f32 v58, v4;
	v61 =	vmul.f32 v2, v9;
	[tilespmem:s25+$0xFFFFFFD0] =	vst v0  }
0x4a4: {  	[tilespmem:s25+$0xFFFFFFE0] =	vst v5;
	v3 =	vmul.f32 v59, v3;
	v62 =	vmul.f32 v1, v8  }
0x4a5: {  	[tilespmem:s25+$0xFFFFFFF0] =	vst v60;
	v63 =	vmul.f32 v61, v2  }
0x4a6: {  	[tilespmem:s25+$0x0] =	vst v3;
	v1 =	vmul.f32 v62, v1  }
0x4a7: {  	[tilespmem:s25+$0x10] =	vst v63  }
0x4a8: {  	s12 =	sadd.s32 s4, s12;
	[tilespmem:s25+$0x20] =	vst v1  }
0x4a9: {  	[hbm4b:s12+s6] =	stream.linear.scatter [tilespmem:s7], [sflag:$0x4], $0x1F00, $0x38;
	[tilespmem:$0x1FA00] =	vst v63  }
0x4aa: {  	_ =	swait.ge [sflag:s8], $0x1F00  }
0x4ab: {  	[sflag:s8] =	ssyncset.done $0x0  }
0x4ac: {  	[sflag:s8] =	ssyncadd.s32 $0xFFFFE100  }
0x4ad: {  	_ =	swait.ge [sflag:s9], $0x1F00  }
0x4ae: {  	s11 =	sadd.s32 $0x1, s11;
	s30 =	rddreg [dreg:$0xb]  }
0x4af: {  	p0 =	sne.s32 s11, s30  }
.Ltmp8:
0x4b0: {  	_ = 	snop;
	(pc) =	sbr.rel @p0 .LBB2_1-.Ltmp8, $3  }
0x4b1: {  	_ =	sdelay $0x1  }
0x4b2: {  	[sflag:s9] =	ssyncset.done $0x0  }
0x4b3: {  	[sflag:s9] =	ssyncadd.s32 $0xFFFFE100  }
0x4b4: {  	_ =	sfence.sel $0x180000  }
0x4b5: {  	[bflag:$0x0] =	sbarrier.arrive $0xFFFF  }
0x4b6: {  	_ =	strace $0x90000047  }
0x4b7: {  	s0 =	stileid.u32;
	[bflag:$0x2] =	sbarrier.arrive $0xFFFF  }
0x4b8: {  	p0 =	sne.s32 s0, $0x0;
	s0 =	rddreg [dreg:$0x5]  }
0x4b9: {  	s0 =	sadd.s32 @!p0 $0x100000, s0  }
0x4ba: {  	[sflag:s0] =	ssyncadd.tile.s32 @!p0 $0x1;
	_ =	shalt  }
.Lfunc_end2:
_tile_overlayer_lowered:
.L_overlay_start_2:
0x4bb: {  	(tag) =	ssettag $0x2  }
0x4bc: {  	s0 =	rddreg [dreg:$0x0];
	s2 =	stileid.u32  }
0x4bd: {  	s1 =	rddreg [dreg:$0x1];
	p0 =	sne.s32 s2, $0x0  }
0x4be: {  	s3 =	rddreg [dreg:$0x2];
	[bflag:$0x3] =	sbarrier.arrive $0xFFFF;
	s2 =	simm.s32 @!p0 $0x1C05  }
0x4bf: {  	[timem:s3], [sflag:s2] =	dma.local @!p0 [hbm:s0], s1  }
0x4c0: {  	s0 =	simm.s32 @!p0 $0x5  }
0x4c1: {  	_ =	swait.ge @!p0 [sflag:s0], s1  }
0x4c2: {  	s1 =	ssub.s32 @!p0 $0x0, s1;
	[sflag:s0] =	ssyncset.done @!p0 $0x0  }
0x4c3: {  	[sflag:s0] =	ssyncadd.s32 @!p0 s1  }
0x4c4: {  	[bflag:$0x3] =	sbarrier.arrive $0xFFFF  }
0x4c5: {  	_ =	shalt  }

</sc_bundles>
